<compile_context>
chip_gen: v7x
topology: tpu7x:2x2x1
jax: 0.10.2.dev20260603
libtpu: 0.0.44.dev20260713+nightly
codegen_flags: <defaults>
</compile_context>

<pallas_src>
import functools

import jax
import jax.numpy as jnp
from jax import lax
from jax.experimental import pallas as pl
from jax.experimental.pallas import tpu as pltpu
from jax.experimental.pallas import tpu_sc as plsc

D = 128
_NC, _NS = 2, 16
_NW = _NC * _NS
_HI = lax.Precision.DEFAULT
_RREP = 8


def _wid():
    return lax.axis_index("s") * _NC + lax.axis_index("c")


def _sc_mesh():
    return plsc.VectorSubcoreMesh(core_axis_name="c", subcore_axis_name="s",
                                  num_cores=_NC, num_subcores=_NS)


def _entity_gather(entity_table, ids_pad, npad):
    rows_per_w = npad // _NW
    ch = 80
    n_chunks = rows_per_w // ch

    @functools.partial(
        pl.kernel,
        out_type=jax.ShapeDtypeStruct((npad, D), jnp.float32),
        mesh=_sc_mesh(),
        scratch_types=[
            pltpu.VMEM((rows_per_w,), jnp.int32),
            pltpu.VMEM((ch, D), jnp.float32),
            pltpu.VMEM((ch, D), jnp.float32),
            pltpu.SemaphoreType.DMA,
            pltpu.SemaphoreType.DMA,
        ],
    )
    def k(table_hbm, ids_hbm, out_hbm, idx_v, rows0, rows1, sem0, sem1):
        base = _wid() * rows_per_w
        pltpu.sync_copy(ids_hbm.at[pl.ds(base, rows_per_w)], idx_v)
        rows = (rows0, rows1)
        sems = (sem0, sem1)
        ds = []
        for c in range(n_chunks):
            ds.append(pltpu.async_copy(
                table_hbm.at[idx_v.at[pl.ds(c * ch, ch)]],
                rows[c % 2], sems[c % 2]))
            if c >= 1:
                ds[c - 1].wait()
                pltpu.sync_copy(rows[(c - 1) % 2],
                                out_hbm.at[pl.ds(base + (c - 1) * ch, ch)])
        ds[n_chunks - 1].wait()
        pltpu.sync_copy(rows[(n_chunks - 1) % 2],
                        out_hbm.at[pl.ds(base + (n_chunks - 1) * ch, ch)])

    return k(entity_table, ids_pad)


def _node_proj(ent_rows, W_ent, W1, W3):
    npad = ent_rows.shape[0]
    blk = 512
    grid = npad // blk

    def body(er_ref, we_ref, w1_ref, w3_ref, nt_ref, ah_ref, at_ref):
        nt = jnp.dot(er_ref[...], we_ref[...],
                     preferred_element_type=jnp.float32, precision=_HI)
        nt_ref[...] = nt
        ah_ref[...] = jnp.dot(nt, w1_ref[...],
                              preferred_element_type=jnp.float32, precision=_HI)
        at_ref[...] = jnp.dot(nt, w3_ref[...],
                              preferred_element_type=jnp.float32, precision=_HI)

    w_spec = pl.BlockSpec((D, D), lambda i: (0, 0))
    row_spec = pl.BlockSpec((blk, D), lambda i: (i, 0))
    return pl.pallas_call(
        body,
        grid=(grid,),
        in_specs=[row_spec, w_spec, w_spec, w_spec],
        out_specs=[row_spec, row_spec, row_spec],
        out_shape=[jax.ShapeDtypeStruct((npad, D), jnp.float32)] * 3,
    )(ent_rows, W_ent, W1, W3)


def _small_proj(relation_table, W_rel, W2, b_row, question_emb, W_query):
    nrel = relation_table.shape[0]
    nb = question_emb.shape[0]

    def body(rel_ref, wr_ref, w2_ref, b_ref, q_ref, wq_ref, r_ref, qt_ref):
        rt = jnp.dot(rel_ref[...], wr_ref[...],
                     preferred_element_type=jnp.float32, precision=_HI)
        rr = jnp.dot(rt, w2_ref[...],
                     preferred_element_type=jnp.float32,
                     precision=_HI) + b_ref[...]
        for i in range(_RREP):
            r_ref[pl.ds(i * nrel, nrel), :] = rr
        qt_ref[...] = jnp.dot(q_ref[...], wq_ref[...],
                              preferred_element_type=jnp.float32, precision=_HI)

    return pl.pallas_call(
        body,
        out_shape=[jax.ShapeDtypeStruct((_RREP * nrel, D), jnp.float32),
                   jax.ShapeDtypeStruct((nb, D), jnp.float32)],
    )(relation_table, W_rel, W2, b_row, question_emb, W_query)


def _edge_batch_ptr(heads2d, node_ptr):
    nrows = heads2d.shape[0]
    nb = node_ptr.shape[0] - 1

    def body(h_ref, ptr_ref, eb_ref, ep_ref):
        h = h_ref[...]
        raw = jnp.zeros_like(h)
        kio = lax.broadcasted_iota(jnp.int32, (8, 128), 1)
        acc = jnp.zeros((8, 128), jnp.int32)
        for j in range(1, nb + 1):
            m = (h < ptr_ref[j]).astype(jnp.int32)
            raw = raw + (1 - m)
            cnt = jnp.sum(m)
            acc = acc + jnp.where(kio == j, cnt, 0)
        eb_ref[...] = jnp.minimum(raw, nb - 1)
        ep_ref[...] = acc

    return pl.pallas_call(
        body,
        in_specs=[pl.BlockSpec(memory_space=pltpu.VMEM),
                  pl.BlockSpec(memory_space=pltpu.SMEM)],
        out_shape=[jax.ShapeDtypeStruct((nrows, 128), jnp.int32),
                   jax.ShapeDtypeStruct((8, 128), jnp.int32)],
    )(heads2d, node_ptr)


_FAST_C = 1
_PF, _PS = 20, 20


def _edge_assemble(ah, at_, rtab, heads_pad, tails_pad, attr_pad, epad, e):
    CH = 128
    assert epad == (_PF + _PS) * 16 * 2 * CH
    assert e % CH == 0
    ef = _PF * 2 * CH
    es = _PS * 2 * CH

    @functools.partial(
        pl.kernel,
        out_type=[jax.ShapeDtypeStruct((e, D), jnp.float32),
                  jax.ShapeDtypeStruct((epad - e, D), jnp.float32)],
        mesh=_sc_mesh(),
        scratch_types=[
            pltpu.VMEM((ef,), jnp.int32),
            pltpu.VMEM((ef,), jnp.int32),
            pltpu.VMEM((ef,), jnp.int32),
            [pltpu.VMEM((CH, D), jnp.float32)] * 2,
            [pltpu.VMEM((CH, D), jnp.float32)] * 2,
            [pltpu.VMEM((CH, D), jnp.float32)] * 2,
            [pltpu.SemaphoreType.DMA] * 2,
            [pltpu.SemaphoreType.DMA] * 2,
            [pltpu.SemaphoreType.DMA] * 2,
            [pltpu.SemaphoreType.DMA] * 2,
        ],
    )
    def k(ah_hbm, at_hbm, r_hbm, h_hbm, t_hbm, a_hbm, out_hbm, spill_hbm,
          ih, it, ia, bh, br, bt, sh, sr, st, ss):
        cid = lax.axis_index("c")
        sid = lax.axis_index("s")
        fast = cid == _FAST_C
        base = jnp.where(fast, sid * ef, 16 * ef + sid * es)
        n_pairs = jnp.where(fast, _PF, _PS)

        @pl.when(fast)
        def _():
            pltpu.sync_copy(h_hbm.at[pl.ds(base, ef)], ih)
            pltpu.sync_copy(t_hbm.at[pl.ds(base, ef)], it)
            pltpu.sync_copy(a_hbm.at[pl.ds(base, ef)], ia)

        @pl.when(jnp.logical_not(fast))
        def _():
            pltpu.sync_copy(h_hbm.at[pl.ds(base, es)], ih.at[pl.ds(0, es)])
            pltpu.sync_copy(t_hbm.at[pl.ds(base, es)], it.at[pl.ds(0, es)])
            pltpu.sync_copy(a_hbm.at[pl.ds(base, es)], ia.at[pl.ds(0, es)])

        def gathers(c, s):
            off = c * CH
            pltpu.async_copy(ah_hbm.at[ih.at[pl.ds(off, CH)]], bh[s], sh[s])
            pltpu.async_copy(r_hbm.at[ia.at[pl.ds(off, CH)]], br[s], sr[s])
            pltpu.async_copy(at_hbm.at[it.at[pl.ds(off, CH)]], bt[s], st[s])

        def wait_gathers(s):
            pltpu.make_async_copy(
                ah_hbm.at[ih.at[pl.ds(0, CH)]], bh[s], sh[s]).wait()
            pltpu.make_async_copy(
                r_hbm.at[ia.at[pl.ds(0, CH)]], br[s], sr[s]).wait()
            pltpu.make_async_copy(
                at_hbm.at[it.at[pl.ds(0, CH)]], bt[s], st[s]).wait()

        def wait_scatter(s):
            pltpu.make_async_copy(
                bh[s], out_hbm.at[pl.ds(0, CH)], ss[s]).wait()

        def process(c, s):
            wait_gathers(s)

            def row(rr):
                for j in range(D // 16):
                    sl = pl.ds(j * 16, 16)
                    bh[s][rr, sl] = (bh[s][rr, sl] + br[s][rr, sl]
                                     + bt[s][rr, sl])

            plsc.parallel_loop(0, CH, 1, unroll=4)(row)
            tgt = base + c * CH

            @pl.when(tgt < e)
            def _():
                pltpu.async_copy(bh[s], out_hbm.at[pl.ds(tgt, CH)], ss[s])

            @pl.when(tgt >= e)
            def _():
                pltpu.async_copy(bh[s], spill_hbm.at[pl.ds(tgt - e, CH)],
                                 ss[s])

        gathers(0, 0)

        def pair(c2, carry):
            c = 2 * c2
            pl.when(c2 > 0)(lambda: wait_scatter(1))
            gathers(c + 1, 1)
            process(c, 0)
            wait_scatter(0)
            pl.when(c2 < n_pairs - 1)(lambda: gathers(c + 2, 0))
            process(c + 1, 1)
            return carry

        lax.fori_loop(0, n_pairs, pair, 0)
        wait_scatter(1)

    return k(ah, at_, rtab, heads_pad, tails_pad, attr_pad)


def kernel(edge_index, node_ptr, edge_attr, question_emb, node_global_ids,
           entity_table, relation_table, W_ent, W_rel, W_query, W_edge, b_edge):
    N = node_global_ids.shape[0]
    E = edge_attr.shape[0]
    NREL = relation_table.shape[0]
    NPAD = ((N + 8 * _NW - 1) // (8 * _NW)) * (8 * _NW)
    EPAD = ((E + 256 * _NW - 1) // (256 * _NW)) * (256 * _NW)

    heads = edge_index[0]
    tails = edge_index[1]
    ids_pad = jnp.concatenate(
        [node_global_ids, jnp.zeros((NPAD - N,), jnp.int32)])
    heads_pad = jnp.concatenate([heads, jnp.full((EPAD - E,), N, jnp.int32)])
    tails_pad = jnp.concatenate([tails, jnp.zeros((EPAD - E,), jnp.int32)])
    attr_pad = jnp.concatenate([edge_attr, jnp.zeros((EPAD - E,), jnp.int32)])
    attr_pad = attr_pad + NREL * (jnp.arange(EPAD, dtype=jnp.int32) % _RREP)
    W1 = W_edge[0:D]
    W2 = W_edge[D:2 * D]
    W3 = W_edge[2 * D:3 * D]

    ent_rows = _entity_gather(entity_table, ids_pad, NPAD)
    nt_pad, ah, at_ = _node_proj(ent_rows, W_ent, W1, W3)
    rtab, question_tokens = _small_proj(
        relation_table, W_rel, W2, b_edge.reshape(1, D), question_emb, W_query)
    eb2d, ep_row = _edge_batch_ptr(heads_pad.reshape(EPAD // 128, 128), node_ptr)
    et_main, _et_spill = _edge_assemble(
        ah, at_, rtab, heads_pad, tails_pad, attr_pad, EPAD, E)

    edge_tokens = et_main
    node_tokens = nt_pad[:N]
    edge_batch = eb2d.reshape(EPAD)[:E]
    edge_ptr = ep_row[0, :node_ptr.shape[0]]
    return edge_tokens, node_tokens, question_tokens, edge_batch, edge_ptr

# --- scband reference (transcript-rebuilt; emitter-appended) ---
"""Pipeline reference for scband-graph-embedder-62491774157492 (READ-ONLY COPY).

The authoritative reference and input builder live on the scoring server;
editing this copy changes nothing except your own understanding.
"""

import jax, jax.numpy as jnp
import numpy as np

N_NODES = 10000
N_EDGES = 160000
D = 128
B = 16
N_ENT = 100000
N_REL = 1000


def setup_inputs(seed: int = 0) -> dict:
    key = jax.random.key(seed)
    ks = jax.random.split(key, 12)
    edge_index = jax.random.randint(ks[0], (2, N_EDGES), 0, N_NODES, dtype=jnp.int32)
    node_ptr = jnp.arange(B + 1, dtype=jnp.int32) * (N_NODES // B)
    edge_attr = jax.random.randint(ks[1], (N_EDGES,), 0, N_REL, dtype=jnp.int32)
    question_emb = jax.random.normal(ks[2], (B, D), dtype=jnp.float32)
    node_global_ids = jax.random.randint(ks[3], (N_NODES,), 0, N_ENT, dtype=jnp.int32)
    entity_table = jax.random.normal(ks[4], (N_ENT, D), dtype=jnp.float32) * 0.02
    relation_table = jax.random.normal(ks[5], (N_REL, D), dtype=jnp.float32) * 0.02
    W_ent = jax.random.normal(ks[6], (D, D), dtype=jnp.float32) * 0.05
    W_rel = jax.random.normal(ks[7], (D, D), dtype=jnp.float32) * 0.05
    W_query = jax.random.normal(ks[8], (D, D), dtype=jnp.float32) * 0.05
    W_edge = jax.random.normal(ks[9], (3 * D, D), dtype=jnp.float32) * 0.05
    b_edge = jnp.zeros((D,), dtype=jnp.float32)
    return {
        'edge_index': edge_index,
        'node_ptr': node_ptr,
        'edge_attr': edge_attr,
        'question_emb': question_emb,
        'node_global_ids': node_global_ids,
        'entity_table': entity_table,
        'relation_table': relation_table,
        'W_ent': W_ent,
        'W_rel': W_rel,
        'W_query': W_query,
        'W_edge': W_edge,
        'b_edge': b_edge,
    }


def reference(edge_index, node_ptr, edge_attr, question_emb, node_global_ids,
              entity_table, relation_table, W_ent, W_rel, W_query, W_edge, b_edge):
    # entity projection: gather global entity embeddings for batch nodes, then project
    node_tokens = jnp.take(entity_table, node_global_ids, axis=0) @ W_ent
    # relation projection: gather relation embeddings per edge, then project
    rel_tokens = jnp.take(relation_table, edge_attr, axis=0) @ W_rel
    heads = edge_index[0]
    tails = edge_index[1]
    head_tok = jnp.take(node_tokens, heads, axis=0)
    tail_tok = jnp.take(node_tokens, tails, axis=0)
    # edge adapter (concat mode): [head | relation | tail] -> hidden_dim
    edge_in = jnp.concatenate([head_tok, rel_tokens, tail_tok], axis=-1)
    edge_tokens = edge_in @ W_edge + b_edge
    # edge_batch assignment from node_ptr (graph boundaries)
    edge_batch = jnp.clip(jnp.searchsorted(node_ptr, heads, side='right') - 1, 0, B - 1)
    edge_ptr = jnp.concatenate([jnp.zeros((1,), jnp.int32),
                                jnp.cumsum(jnp.bincount(edge_batch, length=B)).astype(jnp.int32)])
    # query projection
    question_tokens = question_emb @ W_query
    return edge_tokens, node_tokens, question_tokens, edge_batch, edge_ptr

if __name__ == "__main__":
    import jax
    _d = setup_inputs()
    print(jax.jit(kernel)(*tuple(_d.values())))

</pallas_src>

<mosaic_0001>
#map = affine_map<(d0, d1) -> (0, 0)>
#map1 = affine_map<(d0, d1) -> (0)>
module attributes {stable_mosaic.version = 14 : i64} {
  func.func @k(%arg0: i32, %arg1: i32, %arg2: memref<100000x128xf32, #tpu.memory_space<hbm>>, %arg3: memref<10240xi32, #tpu.memory_space<hbm>>, %arg4: memref<10240x128xf32, #tpu.memory_space<hbm>>, %arg5: memref<320xi32, #tpu.memory_space<vmem>>, %arg6: memref<80x128xf32, #tpu.memory_space<vmem>>, %arg7: memref<80x128xf32, #tpu.memory_space<vmem>>, %arg8: memref<!tpu.dma_semaphore, #tpu.memory_space<semaphore_mem>>, %arg9: memref<!tpu.dma_semaphore, #tpu.memory_space<semaphore_mem>>) attributes {dimension_semantics = [#tpu.dimension_semantics<core_parallel>, #tpu.dimension_semantics<subcore_parallel>], iteration_bounds = array<i64: 2, 16>, scalar_prefetch = 0 : i64, scratch_operands = 5 : i64, tpu.core_type = #tpu.core_type<sc_vector_subcore>, window_params = [{transform_indices = #map}, {transform_indices = #map1}, {transform_indices = #map}]} {
    %mul3A = arith.constant 2 : i32
    %mul3A_0 = arith.muli %arg1, %mul3A : i32
    %add3A = arith.addi %mul3A_0, %arg0 : i32
    %mul3A_1 = arith.constant 320 : i32
    %mul3A_2 = arith.muli %add3A, %mul3A_1 : i32
    "tpu.region"() ({
      %run_scoped3A = tpu.sem_alloc : memref<!tpu.dma_semaphore, #tpu.memory_space<semaphore_mem>>
      %dma_start3A_49 = tpu.memref_slice %arg3[%mul3A_2] : memref<10240xi32, #tpu.memory_space<hbm>> -> memref<320xi32, #tpu.memory_space<hbm>>
      %dma_start3A_50 = tpu.memref_slice %arg3[%mul3A_2] : memref<10240xi32, #tpu.memory_space<hbm>> -> memref<320xi32, #tpu.memory_space<hbm>>
      tpu.enqueue_dma source(%dma_start3A_50 : memref<320xi32, #tpu.memory_space<hbm>>) target(%arg5 : memref<320xi32, #tpu.memory_space<vmem>>) target_semaphore(%run_scoped3A : memref<!tpu.dma_semaphore, #tpu.memory_space<semaphore_mem>>)
      %dma_wait3A_51 = tpu.memref_slice %arg3[%mul3A_2] : memref<10240xi32, #tpu.memory_space<hbm>> -> memref<320xi32, #tpu.memory_space<hbm>>
      %dma_wait3A_52 = tpu.memref_slice %arg3[%mul3A_2] : memref<10240xi32, #tpu.memory_space<hbm>> -> memref<320xi32, #tpu.memory_space<hbm>>
      tpu.wait_dma2 semaphore(%run_scoped3A : memref<!tpu.dma_semaphore, #tpu.memory_space<semaphore_mem>>) src(%dma_wait3A_52 : memref<320xi32, #tpu.memory_space<hbm>>) dst(%arg5 : memref<320xi32, #tpu.memory_space<vmem>>)
      tpu.yield
    }) : () -> ()
    %dma_start3A = arith.constant 0 : i32
    %dma_start3A_3 = tpu.memref_slice %arg5[%dma_start3A] : memref<320xi32, #tpu.memory_space<vmem>> -> memref<80xi32, #tpu.memory_space<vmem>>
    %dma_start3A_4 = arith.constant 0 : i32
    %dma_start3A_5 = arith.constant 0 : i32
    %dma_start3A_6 = tpu.memref_slice %arg2[%dma_start3A_4, %dma_start3A_5] : memref<100000x128xf32, #tpu.memory_space<hbm>> -> memref<100000x128xf32, #tpu.memory_space<hbm>>
    tpu.enqueue_indirect_dma source(%dma_start3A_6 : memref<100000x128xf32, #tpu.memory_space<hbm>>) target(%arg6 : memref<80x128xf32, #tpu.memory_space<vmem>>) offsets(%dma_start3A_3 : memref<80xi32, #tpu.memory_space<vmem>>) semaphore(%arg8 : memref<!tpu.dma_semaphore, #tpu.memory_space<semaphore_mem>>)
    %dma_start3A_7 = arith.constant 80 : i32
    %dma_start3A_8 = tpu.memref_slice %arg5[%dma_start3A_7] : memref<320xi32, #tpu.memory_space<vmem>> -> memref<80xi32, #tpu.memory_space<vmem>>
    %dma_start3A_9 = arith.constant 0 : i32
    %dma_start3A_10 = arith.constant 0 : i32
    %dma_start3A_11 = tpu.memref_slice %arg2[%dma_start3A_9, %dma_start3A_10] : memref<100000x128xf32, #tpu.memory_space<hbm>> -> memref<100000x128xf32, #tpu.memory_space<hbm>>
    tpu.enqueue_indirect_dma source(%dma_start3A_11 : memref<100000x128xf32, #tpu.memory_space<hbm>>) target(%arg7 : memref<80x128xf32, #tpu.memory_space<vmem>>) offsets(%dma_start3A_8 : memref<80xi32, #tpu.memory_space<vmem>>) semaphore(%arg9 : memref<!tpu.dma_semaphore, #tpu.memory_space<semaphore_mem>>)
    %dma_wait3A = arith.constant 0 : i32
    %dma_wait3A_12 = tpu.memref_slice %arg5[%dma_wait3A] : memref<320xi32, #tpu.memory_space<vmem>> -> memref<80xi32, #tpu.memory_space<vmem>>
    %dma_wait3A_13 = arith.constant 0 : i32
    %dma_wait3A_14 = arith.constant 0 : i32
    %dma_wait3A_15 = tpu.memref_slice %arg2[%dma_wait3A_13, %dma_wait3A_14] : memref<100000x128xf32, #tpu.memory_space<hbm>> -> memref<100000x128xf32, #tpu.memory_space<hbm>>
    tpu.wait_indirect_dma semaphore(%arg8 : memref<!tpu.dma_semaphore, #tpu.memory_space<semaphore_mem>>) src(%dma_wait3A_15 : memref<100000x128xf32, #tpu.memory_space<hbm>>) dst(%arg6 : memref<80x128xf32, #tpu.memory_space<vmem>>)
    %add3A_16 = arith.constant 0 : i32
    %add3A_17 = arith.addi %mul3A_2, %add3A_16 : i32
    "tpu.region"() ({
      %run_scoped3A = tpu.sem_alloc : memref<!tpu.dma_semaphore, #tpu.memory_space<semaphore_mem>>
      %dma_start3A_49 = arith.constant 0 : i32
      %dma_start3A_50 = tpu.memref_slice %arg4[%add3A_17, %dma_start3A_49] : memref<10240x128xf32, #tpu.memory_space<hbm>> -> memref<80x128xf32, #tpu.memory_space<hbm>>
      %dma_start3A_51 = arith.constant 0 : i32
      %dma_start3A_52 = tpu.memref_slice %arg4[%add3A_17, %dma_start3A_51] : memref<10240x128xf32, #tpu.memory_space<hbm>> -> memref<80x128xf32, #tpu.memory_space<hbm>>
      tpu.enqueue_dma source(%arg6 : memref<80x128xf32, #tpu.memory_space<vmem>>) target(%dma_start3A_52 : memref<80x128xf32, #tpu.memory_space<hbm>>) target_semaphore(%run_scoped3A : memref<!tpu.dma_semaphore, #tpu.memory_space<semaphore_mem>>)
      %dma_wait3A_53 = arith.constant 0 : i32
      %dma_wait3A_54 = tpu.memref_slice %arg4[%add3A_17, %dma_wait3A_53] : memref<10240x128xf32, #tpu.memory_space<hbm>> -> memref<80x128xf32, #tpu.memory_space<hbm>>
      %dma_wait3A_55 = arith.constant 0 : i32
      %dma_wait3A_56 = tpu.memref_slice %arg4[%add3A_17, %dma_wait3A_55] : memref<10240x128xf32, #tpu.memory_space<hbm>> -> memref<80x128xf32, #tpu.memory_space<hbm>>
      tpu.wait_dma2 semaphore(%run_scoped3A : memref<!tpu.dma_semaphore, #tpu.memory_space<semaphore_mem>>) src(%arg6 : memref<80x128xf32, #tpu.memory_space<vmem>>) dst(%dma_wait3A_56 : memref<80x128xf32, #tpu.memory_space<hbm>>)
      tpu.yield
    }) : () -> ()
    %dma_start3A_18 = arith.constant 160 : i32
    %dma_start3A_19 = tpu.memref_slice %arg5[%dma_start3A_18] : memref<320xi32, #tpu.memory_space<vmem>> -> memref<80xi32, #tpu.memory_space<vmem>>
    %dma_start3A_20 = arith.constant 0 : i32
    %dma_start3A_21 = arith.constant 0 : i32
    %dma_start3A_22 = tpu.memref_slice %arg2[%dma_start3A_20, %dma_start3A_21] : memref<100000x128xf32, #tpu.memory_space<hbm>> -> memref<100000x128xf32, #tpu.memory_space<hbm>>
    tpu.enqueue_indirect_dma source(%dma_start3A_22 : memref<100000x128xf32, #tpu.memory_space<hbm>>) target(%arg6 : memref<80x128xf32, #tpu.memory_space<vmem>>) offsets(%dma_start3A_19 : memref<80xi32, #tpu.memory_space<vmem>>) semaphore(%arg8 : memref<!tpu.dma_semaphore, #tpu.memory_space<semaphore_mem>>)
    %dma_wait3A_23 = arith.constant 80 : i32
    %dma_wait3A_24 = tpu.memref_slice %arg5[%dma_wait3A_23] : memref<320xi32, #tpu.memory_space<vmem>> -> memref<80xi32, #tpu.memory_space<vmem>>
    %dma_wait3A_25 = arith.constant 0 : i32
    %dma_wait3A_26 = arith.constant 0 : i32
    %dma_wait3A_27 = tpu.memref_slice %arg2[%dma_wait3A_25, %dma_wait3A_26] : memref<100000x128xf32, #tpu.memory_space<hbm>> -> memref<100000x128xf32, #tpu.memory_space<hbm>>
    tpu.wait_indirect_dma semaphore(%arg9 : memref<!tpu.dma_semaphore, #tpu.memory_space<semaphore_mem>>) src(%dma_wait3A_27 : memref<100000x128xf32, #tpu.memory_space<hbm>>) dst(%arg7 : memref<80x128xf32, #tpu.memory_space<vmem>>)
    %add3A_28 = arith.constant 80 : i32
    %add3A_29 = arith.addi %mul3A_2, %add3A_28 : i32
    "tpu.region"() ({
      %run_scoped3A = tpu.sem_alloc : memref<!tpu.dma_semaphore, #tpu.memory_space<semaphore_mem>>
      %dma_start3A_49 = arith.constant 0 : i32
      %dma_start3A_50 = tpu.memref_slice %arg4[%add3A_29, %dma_start3A_49] : memref<10240x128xf32, #tpu.memory_space<hbm>> -> memref<80x128xf32, #tpu.memory_space<hbm>>
      %dma_start3A_51 = arith.constant 0 : i32
      %dma_start3A_52 = tpu.memref_slice %arg4[%add3A_29, %dma_start3A_51] : memref<10240x128xf32, #tpu.memory_space<hbm>> -> memref<80x128xf32, #tpu.memory_space<hbm>>
      tpu.enqueue_dma source(%arg7 : memref<80x128xf32, #tpu.memory_space<vmem>>) target(%dma_start3A_52 : memref<80x128xf32, #tpu.memory_space<hbm>>) target_semaphore(%run_scoped3A : memref<!tpu.dma_semaphore, #tpu.memory_space<semaphore_mem>>)
      %dma_wait3A_53 = arith.constant 0 : i32
      %dma_wait3A_54 = tpu.memref_slice %arg4[%add3A_29, %dma_wait3A_53] : memref<10240x128xf32, #tpu.memory_space<hbm>> -> memref<80x128xf32, #tpu.memory_space<hbm>>
      %dma_wait3A_55 = arith.constant 0 : i32
      %dma_wait3A_56 = tpu.memref_slice %arg4[%add3A_29, %dma_wait3A_55] : memref<10240x128xf32, #tpu.memory_space<hbm>> -> memref<80x128xf32, #tpu.memory_space<hbm>>
      tpu.wait_dma2 semaphore(%run_scoped3A : memref<!tpu.dma_semaphore, #tpu.memory_space<semaphore_mem>>) src(%arg7 : memref<80x128xf32, #tpu.memory_space<vmem>>) dst(%dma_wait3A_56 : memref<80x128xf32, #tpu.memory_space<hbm>>)
      tpu.yield
    }) : () -> ()
    %dma_start3A_30 = arith.constant 240 : i32
    %dma_start3A_31 = tpu.memref_slice %arg5[%dma_start3A_30] : memref<320xi32, #tpu.memory_space<vmem>> -> memref<80xi32, #tpu.memory_space<vmem>>
    %dma_start3A_32 = arith.constant 0 : i32
    %dma_start3A_33 = arith.constant 0 : i32
    %dma_start3A_34 = tpu.memref_slice %arg2[%dma_start3A_32, %dma_start3A_33] : memref<100000x128xf32, #tpu.memory_space<hbm>> -> memref<100000x128xf32, #tpu.memory_space<hbm>>
    tpu.enqueue_indirect_dma source(%dma_start3A_34 : memref<100000x128xf32, #tpu.memory_space<hbm>>) target(%arg7 : memref<80x128xf32, #tpu.memory_space<vmem>>) offsets(%dma_start3A_31 : memref<80xi32, #tpu.memory_space<vmem>>) semaphore(%arg9 : memref<!tpu.dma_semaphore, #tpu.memory_space<semaphore_mem>>)
    %dma_wait3A_35 = arith.constant 160 : i32
    %dma_wait3A_36 = tpu.memref_slice %arg5[%dma_wait3A_35] : memref<320xi32, #tpu.memory_space<vmem>> -> memref<80xi32, #tpu.memory_space<vmem>>
    %dma_wait3A_37 = arith.constant 0 : i32
    %dma_wait3A_38 = arith.constant 0 : i32
    %dma_wait3A_39 = tpu.memref_slice %arg2[%dma_wait3A_37, %dma_wait3A_38] : memref<100000x128xf32, #tpu.memory_space<hbm>> -> memref<100000x128xf32, #tpu.memory_space<hbm>>
    tpu.wait_indirect_dma semaphore(%arg8 : memref<!tpu.dma_semaphore, #tpu.memory_space<semaphore_mem>>) src(%dma_wait3A_39 : memref<100000x128xf32, #tpu.memory_space<hbm>>) dst(%arg6 : memref<80x128xf32, #tpu.memory_space<vmem>>)
    %add3A_40 = arith.constant 160 : i32
    %add3A_41 = arith.addi %mul3A_2, %add3A_40 : i32
    "tpu.region"() ({
      %run_scoped3A = tpu.sem_alloc : memref<!tpu.dma_semaphore, #tpu.memory_space<semaphore_mem>>
      %dma_start3A_49 = arith.constant 0 : i32
      %dma_start3A_50 = tpu.memref_slice %arg4[%add3A_41, %dma_start3A_49] : memref<10240x128xf32, #tpu.memory_space<hbm>> -> memref<80x128xf32, #tpu.memory_space<hbm>>
      %dma_start3A_51 = arith.constant 0 : i32
      %dma_start3A_52 = tpu.memref_slice %arg4[%add3A_41, %dma_start3A_51] : memref<10240x128xf32, #tpu.memory_space<hbm>> -> memref<80x128xf32, #tpu.memory_space<hbm>>
      tpu.enqueue_dma source(%arg6 : memref<80x128xf32, #tpu.memory_space<vmem>>) target(%dma_start3A_52 : memref<80x128xf32, #tpu.memory_space<hbm>>) target_semaphore(%run_scoped3A : memref<!tpu.dma_semaphore, #tpu.memory_space<semaphore_mem>>)
      %dma_wait3A_53 = arith.constant 0 : i32
      %dma_wait3A_54 = tpu.memref_slice %arg4[%add3A_41, %dma_wait3A_53] : memref<10240x128xf32, #tpu.memory_space<hbm>> -> memref<80x128xf32, #tpu.memory_space<hbm>>
      %dma_wait3A_55 = arith.constant 0 : i32
      %dma_wait3A_56 = tpu.memref_slice %arg4[%add3A_41, %dma_wait3A_55] : memref<10240x128xf32, #tpu.memory_space<hbm>> -> memref<80x128xf32, #tpu.memory_space<hbm>>
      tpu.wait_dma2 semaphore(%run_scoped3A : memref<!tpu.dma_semaphore, #tpu.memory_space<semaphore_mem>>) src(%arg6 : memref<80x128xf32, #tpu.memory_space<vmem>>) dst(%dma_wait3A_56 : memref<80x128xf32, #tpu.memory_space<hbm>>)
      tpu.yield
    }) : () -> ()
    %dma_wait3A_42 = arith.constant 240 : i32
    %dma_wait3A_43 = tpu.memref_slice %arg5[%dma_wait3A_42] : memref<320xi32, #tpu.memory_space<vmem>> -> memref<80xi32, #tpu.memory_space<vmem>>
    %dma_wait3A_44 = arith.constant 0 : i32
    %dma_wait3A_45 = arith.constant 0 : i32
    %dma_wait3A_46 = tpu.memref_slice %arg2[%dma_wait3A_44, %dma_wait3A_45] : memref<100000x128xf32, #tpu.memory_space<hbm>> -> memref<100000x128xf32, #tpu.memory_space<hbm>>
    tpu.wait_indirect_dma semaphore(%arg9 : memref<!tpu.dma_semaphore, #tpu.memory_space<semaphore_mem>>) src(%dma_wait3A_46 : memref<100000x128xf32, #tpu.memory_space<hbm>>) dst(%arg7 : memref<80x128xf32, #tpu.memory_space<vmem>>)
    %add3A_47 = arith.constant 240 : i32
    %add3A_48 = arith.addi %mul3A_2, %add3A_47 : i32
    "tpu.region"() ({
      %run_scoped3A = tpu.sem_alloc : memref<!tpu.dma_semaphore, #tpu.memory_space<semaphore_mem>>
      %dma_start3A_49 = arith.constant 0 : i32
      %dma_start3A_50 = tpu.memref_slice %arg4[%add3A_48, %dma_start3A_49] : memref<10240x128xf32, #tpu.memory_space<hbm>> -> memref<80x128xf32, #tpu.memory_space<hbm>>
      %dma_start3A_51 = arith.constant 0 : i32
      %dma_start3A_52 = tpu.memref_slice %arg4[%add3A_48, %dma_start3A_51] : memref<10240x128xf32, #tpu.memory_space<hbm>> -> memref<80x128xf32, #tpu.memory_space<hbm>>
      tpu.enqueue_dma source(%arg7 : memref<80x128xf32, #tpu.memory_space<vmem>>) target(%dma_start3A_52 : memref<80x128xf32, #tpu.memory_space<hbm>>) target_semaphore(%run_scoped3A : memref<!tpu.dma_semaphore, #tpu.memory_space<semaphore_mem>>)
      %dma_wait3A_53 = arith.constant 0 : i32
      %dma_wait3A_54 = tpu.memref_slice %arg4[%add3A_48, %dma_wait3A_53] : memref<10240x128xf32, #tpu.memory_space<hbm>> -> memref<80x128xf32, #tpu.memory_space<hbm>>
      %dma_wait3A_55 = arith.constant 0 : i32
      %dma_wait3A_56 = tpu.memref_slice %arg4[%add3A_48, %dma_wait3A_55] : memref<10240x128xf32, #tpu.memory_space<hbm>> -> memref<80x128xf32, #tpu.memory_space<hbm>>
      tpu.wait_dma2 semaphore(%run_scoped3A : memref<!tpu.dma_semaphore, #tpu.memory_space<semaphore_mem>>) src(%arg7 : memref<80x128xf32, #tpu.memory_space<vmem>>) dst(%dma_wait3A_56 : memref<80x128xf32, #tpu.memory_space<hbm>>)
      tpu.yield
    }) : () -> ()
    return
  }
}

#map = affine_map<(d0, d1) -> (0, 0)>
#map1 = affine_map<(d0, d1) -> (0)>
module attributes {stable_mosaic.version = 14 : i64} {
  func.func @k(%arg0: i32, %arg1: i32, %arg2: memref<10240x128xf32, #tpu.memory_space<hbm>>, %arg3: memref<10240x128xf32, #tpu.memory_space<hbm>>, %arg4: memref<8000x128xf32, #tpu.memory_space<hbm>>, %arg5: memref<163840xi32, #tpu.memory_space<hbm>>, %arg6: memref<163840xi32, #tpu.memory_space<hbm>>, %arg7: memref<163840xi32, #tpu.memory_space<hbm>>, %arg8: memref<160000x128xf32, #tpu.memory_space<hbm>>, %arg9: memref<3840x128xf32, #tpu.memory_space<hbm>>, %arg10: memref<5120xi32, #tpu.memory_space<vmem>>, %arg11: memref<5120xi32, #tpu.memory_space<vmem>>, %arg12: memref<5120xi32, #tpu.memory_space<vmem>>, %arg13: memref<128x128xf32, #tpu.memory_space<vmem>>, %arg14: memref<128x128xf32, #tpu.memory_space<vmem>>, %arg15: memref<128x128xf32, #tpu.memory_space<vmem>>, %arg16: memref<128x128xf32, #tpu.memory_space<vmem>>, %arg17: memref<128x128xf32, #tpu.memory_space<vmem>>, %arg18: memref<128x128xf32, #tpu.memory_space<vmem>>, %arg19: memref<!tpu.dma_semaphore, #tpu.memory_space<semaphore_mem>>, %arg20: memref<!tpu.dma_semaphore, #tpu.memory_space<semaphore_mem>>, %arg21: memref<!tpu.dma_semaphore, #tpu.memory_space<semaphore_mem>>, %arg22: memref<!tpu.dma_semaphore, #tpu.memory_space<semaphore_mem>>, %arg23: memref<!tpu.dma_semaphore, #tpu.memory_space<semaphore_mem>>, %arg24: memref<!tpu.dma_semaphore, #tpu.memory_space<semaphore_mem>>, %arg25: memref<!tpu.dma_semaphore, #tpu.memory_space<semaphore_mem>>, %arg26: memref<!tpu.dma_semaphore, #tpu.memory_space<semaphore_mem>>) attributes {dimension_semantics = [#tpu.dimension_semantics<core_parallel>, #tpu.dimension_semantics<subcore_parallel>], iteration_bounds = array<i64: 2, 16>, scalar_prefetch = 0 : i64, scratch_operands = 17 : i64, tpu.core_type = #tpu.core_type<sc_vector_subcore>, window_params = [{transform_indices = #map}, {transform_indices = #map}, {transform_indices = #map}, {transform_indices = #map1}, {transform_indices = #map1}, {transform_indices = #map1}, {transform_indices = #map}, {transform_indices = #map}]} {
    %eq3A = arith.constant 1 : i32
    %eq3A_0 = arith.cmpi eq, %arg0, %eq3A : i32
    %mul3A = arith.constant 5120 : i32
    %mul3A_1 = arith.muli %arg1, %mul3A : i32
    %mul3A_2 = arith.constant 5120 : i32
    %mul3A_3 = arith.muli %arg1, %mul3A_2 : i32
    %add3A = arith.constant 81920 : i32
    %add3A_4 = arith.addi %add3A, %mul3A_3 : i32
    %select_n3A = arith.select %eq3A_0, %mul3A_1, %add3A_4 : i32
    %jit3A = arith.constant 20 : i32
    %jit3A_5 = arith.constant 20 : i32
    %select_n3A_6 = arith.select %eq3A_0, %jit3A, %jit3A_5 : i32
    %convert_element_type3A = arith.extui %eq3A_0 : i1 to i32
    %cond3A = arith.constant 0 : i32
    %cond3A_7 = arith.cmpi ne, %convert_element_type3A, %cond3A : i32
    scf.if %cond3A_7 {
      "tpu.region"() ({
        %run_scoped3A = tpu.sem_alloc : memref<!tpu.dma_semaphore, #tpu.memory_space<semaphore_mem>>
        %dma_start3A_40 = tpu.memref_slice %arg5[%select_n3A] : memref<163840xi32, #tpu.memory_space<hbm>> -> memref<5120xi32, #tpu.memory_space<hbm>>
        %dma_start3A_41 = tpu.memref_slice %arg5[%select_n3A] : memref<163840xi32, #tpu.memory_space<hbm>> -> memref<5120xi32, #tpu.memory_space<hbm>>
        tpu.enqueue_dma source(%dma_start3A_41 : memref<5120xi32, #tpu.memory_space<hbm>>) target(%arg10 : memref<5120xi32, #tpu.memory_space<vmem>>) target_semaphore(%run_scoped3A : memref<!tpu.dma_semaphore, #tpu.memory_space<semaphore_mem>>)
        %dma_wait3A_42 = tpu.memref_slice %arg5[%select_n3A] : memref<163840xi32, #tpu.memory_space<hbm>> -> memref<5120xi32, #tpu.memory_space<hbm>>
        %dma_wait3A_43 = tpu.memref_slice %arg5[%select_n3A] : memref<163840xi32, #tpu.memory_space<hbm>> -> memref<5120xi32, #tpu.memory_space<hbm>>
        tpu.wait_dma2 semaphore(%run_scoped3A : memref<!tpu.dma_semaphore, #tpu.memory_space<semaphore_mem>>) src(%dma_wait3A_43 : memref<5120xi32, #tpu.memory_space<hbm>>) dst(%arg10 : memref<5120xi32, #tpu.memory_space<vmem>>)
        tpu.yield
      }) : () -> ()
      "tpu.region"() ({
        %run_scoped3A = tpu.sem_alloc : memref<!tpu.dma_semaphore, #tpu.memory_space<semaphore_mem>>
        %dma_start3A_40 = tpu.memref_slice %arg6[%select_n3A] : memref<163840xi32, #tpu.memory_space<hbm>> -> memref<5120xi32, #tpu.memory_space<hbm>>
        %dma_start3A_41 = tpu.memref_slice %arg6[%select_n3A] : memref<163840xi32, #tpu.memory_space<hbm>> -> memref<5120xi32, #tpu.memory_space<hbm>>
        tpu.enqueue_dma source(%dma_start3A_41 : memref<5120xi32, #tpu.memory_space<hbm>>) target(%arg11 : memref<5120xi32, #tpu.memory_space<vmem>>) target_semaphore(%run_scoped3A : memref<!tpu.dma_semaphore, #tpu.memory_space<semaphore_mem>>)
        %dma_wait3A_42 = tpu.memref_slice %arg6[%select_n3A] : memref<163840xi32, #tpu.memory_space<hbm>> -> memref<5120xi32, #tpu.memory_space<hbm>>
        %dma_wait3A_43 = tpu.memref_slice %arg6[%select_n3A] : memref<163840xi32, #tpu.memory_space<hbm>> -> memref<5120xi32, #tpu.memory_space<hbm>>
        tpu.wait_dma2 semaphore(%run_scoped3A : memref<!tpu.dma_semaphore, #tpu.memory_space<semaphore_mem>>) src(%dma_wait3A_43 : memref<5120xi32, #tpu.memory_space<hbm>>) dst(%arg11 : memref<5120xi32, #tpu.memory_space<vmem>>)
        tpu.yield
      }) : () -> ()
      "tpu.region"() ({
        %run_scoped3A = tpu.sem_alloc : memref<!tpu.dma_semaphore, #tpu.memory_space<semaphore_mem>>
        %dma_start3A_40 = tpu.memref_slice %arg7[%select_n3A] : memref<163840xi32, #tpu.memory_space<hbm>> -> memref<5120xi32, #tpu.memory_space<hbm>>
        %dma_start3A_41 = tpu.memref_slice %arg7[%select_n3A] : memref<163840xi32, #tpu.memory_space<hbm>> -> memref<5120xi32, #tpu.memory_space<hbm>>
        tpu.enqueue_dma source(%dma_start3A_41 : memref<5120xi32, #tpu.memory_space<hbm>>) target(%arg12 : memref<5120xi32, #tpu.memory_space<vmem>>) target_semaphore(%run_scoped3A : memref<!tpu.dma_semaphore, #tpu.memory_space<semaphore_mem>>)
        %dma_wait3A_42 = tpu.memref_slice %arg7[%select_n3A] : memref<163840xi32, #tpu.memory_space<hbm>> -> memref<5120xi32, #tpu.memory_space<hbm>>
        %dma_wait3A_43 = tpu.memref_slice %arg7[%select_n3A] : memref<163840xi32, #tpu.memory_space<hbm>> -> memref<5120xi32, #tpu.memory_space<hbm>>
        tpu.wait_dma2 semaphore(%run_scoped3A : memref<!tpu.dma_semaphore, #tpu.memory_space<semaphore_mem>>) src(%dma_wait3A_43 : memref<5120xi32, #tpu.memory_space<hbm>>) dst(%arg12 : memref<5120xi32, #tpu.memory_space<vmem>>)
        tpu.yield
      }) : () -> ()
    } else {
    }
    %not3A = arith.constant true
    %not3A_8 = arith.xori %eq3A_0, %not3A : i1
    %convert_element_type3A_9 = arith.extui %not3A_8 : i1 to i32
    %cond3A_10 = arith.constant 0 : i32
    %cond3A_11 = arith.cmpi ne, %convert_element_type3A_9, %cond3A_10 : i32
    scf.if %cond3A_11 {
      "tpu.region"() ({
        %run_scoped3A = tpu.sem_alloc : memref<!tpu.dma_semaphore, #tpu.memory_space<semaphore_mem>>
        %dma_start3A_40 = arith.constant 0 : i32
        %dma_start3A_41 = tpu.memref_slice %arg10[%dma_start3A_40] : memref<5120xi32, #tpu.memory_space<vmem>> -> memref<5120xi32, #tpu.memory_space<vmem>>
        %dma_start3A_42 = tpu.memref_slice %arg5[%select_n3A] : memref<163840xi32, #tpu.memory_space<hbm>> -> memref<5120xi32, #tpu.memory_space<hbm>>
        %dma_start3A_43 = arith.constant 0 : i32
        %dma_start3A_44 = tpu.memref_slice %arg10[%dma_start3A_43] : memref<5120xi32, #tpu.memory_space<vmem>> -> memref<5120xi32, #tpu.memory_space<vmem>>
        %dma_start3A_45 = tpu.memref_slice %arg5[%select_n3A] : memref<163840xi32, #tpu.memory_space<hbm>> -> memref<5120xi32, #tpu.memory_space<hbm>>
        tpu.enqueue_dma source(%dma_start3A_45 : memref<5120xi32, #tpu.memory_space<hbm>>) target(%dma_start3A_44 : memref<5120xi32, #tpu.memory_space<vmem>>) target_semaphore(%run_scoped3A : memref<!tpu.dma_semaphore, #tpu.memory_space<semaphore_mem>>)
        %dma_wait3A_46 = arith.constant 0 : i32
        %dma_wait3A_47 = tpu.memref_slice %arg10[%dma_wait3A_46] : memref<5120xi32, #tpu.memory_space<vmem>> -> memref<5120xi32, #tpu.memory_space<vmem>>
        %dma_wait3A_48 = tpu.memref_slice %arg5[%select_n3A] : memref<163840xi32, #tpu.memory_space<hbm>> -> memref<5120xi32, #tpu.memory_space<hbm>>
        %dma_wait3A_49 = arith.constant 0 : i32
        %dma_wait3A_50 = tpu.memref_slice %arg10[%dma_wait3A_49] : memref<5120xi32, #tpu.memory_space<vmem>> -> memref<5120xi32, #tpu.memory_space<vmem>>
        %dma_wait3A_51 = tpu.memref_slice %arg5[%select_n3A] : memref<163840xi32, #tpu.memory_space<hbm>> -> memref<5120xi32, #tpu.memory_space<hbm>>
        tpu.wait_dma2 semaphore(%run_scoped3A : memref<!tpu.dma_semaphore, #tpu.memory_space<semaphore_mem>>) src(%dma_wait3A_51 : memref<5120xi32, #tpu.memory_space<hbm>>) dst(%dma_wait3A_50 : memref<5120xi32, #tpu.memory_space<vmem>>)
        tpu.yield
      }) : () -> ()
      "tpu.region"() ({
        %run_scoped3A = tpu.sem_alloc : memref<!tpu.dma_semaphore, #tpu.memory_space<semaphore_mem>>
        %dma_start3A_40 = arith.constant 0 : i32
        %dma_start3A_41 = tpu.memref_slice %arg11[%dma_start3A_40] : memref<5120xi32, #tpu.memory_space<vmem>> -> memref<5120xi32, #tpu.memory_space<vmem>>
        %dma_start3A_42 = tpu.memref_slice %arg6[%select_n3A] : memref<163840xi32, #tpu.memory_space<hbm>> -> memref<5120xi32, #tpu.memory_space<hbm>>
        %dma_start3A_43 = arith.constant 0 : i32
        %dma_start3A_44 = tpu.memref_slice %arg11[%dma_start3A_43] : memref<5120xi32, #tpu.memory_space<vmem>> -> memref<5120xi32, #tpu.memory_space<vmem>>
        %dma_start3A_45 = tpu.memref_slice %arg6[%select_n3A] : memref<163840xi32, #tpu.memory_space<hbm>> -> memref<5120xi32, #tpu.memory_space<hbm>>
        tpu.enqueue_dma source(%dma_start3A_45 : memref<5120xi32, #tpu.memory_space<hbm>>) target(%dma_start3A_44 : memref<5120xi32, #tpu.memory_space<vmem>>) target_semaphore(%run_scoped3A : memref<!tpu.dma_semaphore, #tpu.memory_space<semaphore_mem>>)
        %dma_wait3A_46 = arith.constant 0 : i32
        %dma_wait3A_47 = tpu.memref_slice %arg11[%dma_wait3A_46] : memref<5120xi32, #tpu.memory_space<vmem>> -> memref<5120xi32, #tpu.memory_space<vmem>>
        %dma_wait3A_48 = tpu.memref_slice %arg6[%select_n3A] : memref<163840xi32, #tpu.memory_space<hbm>> -> memref<5120xi32, #tpu.memory_space<hbm>>
        %dma_wait3A_49 = arith.constant 0 : i32
        %dma_wait3A_50 = tpu.memref_slice %arg11[%dma_wait3A_49] : memref<5120xi32, #tpu.memory_space<vmem>> -> memref<5120xi32, #tpu.memory_space<vmem>>
        %dma_wait3A_51 = tpu.memref_slice %arg6[%select_n3A] : memref<163840xi32, #tpu.memory_space<hbm>> -> memref<5120xi32, #tpu.memory_space<hbm>>
        tpu.wait_dma2 semaphore(%run_scoped3A : memref<!tpu.dma_semaphore, #tpu.memory_space<semaphore_mem>>) src(%dma_wait3A_51 : memref<5120xi32, #tpu.memory_space<hbm>>) dst(%dma_wait3A_50 : memref<5120xi32, #tpu.memory_space<vmem>>)
        tpu.yield
      }) : () -> ()
      "tpu.region"() ({
        %run_scoped3A = tpu.sem_alloc : memref<!tpu.dma_semaphore, #tpu.memory_space<semaphore_mem>>
        %dma_start3A_40 = arith.constant 0 : i32
        %dma_start3A_41 = tpu.memref_slice %arg12[%dma_start3A_40] : memref<5120xi32, #tpu.memory_space<vmem>> -> memref<5120xi32, #tpu.memory_space<vmem>>
        %dma_start3A_42 = tpu.memref_slice %arg7[%select_n3A] : memref<163840xi32, #tpu.memory_space<hbm>> -> memref<5120xi32, #tpu.memory_space<hbm>>
        %dma_start3A_43 = arith.constant 0 : i32
        %dma_start3A_44 = tpu.memref_slice %arg12[%dma_start3A_43] : memref<5120xi32, #tpu.memory_space<vmem>> -> memref<5120xi32, #tpu.memory_space<vmem>>
        %dma_start3A_45 = tpu.memref_slice %arg7[%select_n3A] : memref<163840xi32, #tpu.memory_space<hbm>> -> memref<5120xi32, #tpu.memory_space<hbm>>
        tpu.enqueue_dma source(%dma_start3A_45 : memref<5120xi32, #tpu.memory_space<hbm>>) target(%dma_start3A_44 : memref<5120xi32, #tpu.memory_space<vmem>>) target_semaphore(%run_scoped3A : memref<!tpu.dma_semaphore, #tpu.memory_space<semaphore_mem>>)
        %dma_wait3A_46 = arith.constant 0 : i32
        %dma_wait3A_47 = tpu.memref_slice %arg12[%dma_wait3A_46] : memref<5120xi32, #tpu.memory_space<vmem>> -> memref<5120xi32, #tpu.memory_space<vmem>>
        %dma_wait3A_48 = tpu.memref_slice %arg7[%select_n3A] : memref<163840xi32, #tpu.memory_space<hbm>> -> memref<5120xi32, #tpu.memory_space<hbm>>
        %dma_wait3A_49 = arith.constant 0 : i32
        %dma_wait3A_50 = tpu.memref_slice %arg12[%dma_wait3A_49] : memref<5120xi32, #tpu.memory_space<vmem>> -> memref<5120xi32, #tpu.memory_space<vmem>>
        %dma_wait3A_51 = tpu.memref_slice %arg7[%select_n3A] : memref<163840xi32, #tpu.memory_space<hbm>> -> memref<5120xi32, #tpu.memory_space<hbm>>
        tpu.wait_dma2 semaphore(%run_scoped3A : memref<!tpu.dma_semaphore, #tpu.memory_space<semaphore_mem>>) src(%dma_wait3A_51 : memref<5120xi32, #tpu.memory_space<hbm>>) dst(%dma_wait3A_50 : memref<5120xi32, #tpu.memory_space<vmem>>)
        tpu.yield
      }) : () -> ()
    } else {
    }
    %dma_start3A = arith.constant 0 : i32
    %dma_start3A_12 = tpu.memref_slice %arg10[%dma_start3A] : memref<5120xi32, #tpu.memory_space<vmem>> -> memref<128xi32, #tpu.memory_space<vmem>>
    %dma_start3A_13 = arith.constant 0 : i32
    %dma_start3A_14 = arith.constant 0 : i32
    %dma_start3A_15 = tpu.memref_slice %arg2[%dma_start3A_13, %dma_start3A_14] : memref<10240x128xf32, #tpu.memory_space<hbm>> -> memref<10240x128xf32, #tpu.memory_space<hbm>>
    tpu.enqueue_indirect_dma source(%dma_start3A_15 : memref<10240x128xf32, #tpu.memory_space<hbm>>) target(%arg13 : memref<128x128xf32, #tpu.memory_space<vmem>>) offsets(%dma_start3A_12 : memref<128xi32, #tpu.memory_space<vmem>>) semaphore(%arg19 : memref<!tpu.dma_semaphore, #tpu.memory_space<semaphore_mem>>)
    %dma_start3A_16 = arith.constant 0 : i32
    %dma_start3A_17 = tpu.memref_slice %arg12[%dma_start3A_16] : memref<5120xi32, #tpu.memory_space<vmem>> -> memref<128xi32, #tpu.memory_space<vmem>>
    %dma_start3A_18 = arith.constant 0 : i32
    %dma_start3A_19 = arith.constant 0 : i32
    %dma_start3A_20 = tpu.memref_slice %arg4[%dma_start3A_18, %dma_start3A_19] : memref<8000x128xf32, #tpu.memory_space<hbm>> -> memref<8000x128xf32, #tpu.memory_space<hbm>>
    tpu.enqueue_indirect_dma source(%dma_start3A_20 : memref<8000x128xf32, #tpu.memory_space<hbm>>) target(%arg15 : memref<128x128xf32, #tpu.memory_space<vmem>>) offsets(%dma_start3A_17 : memref<128xi32, #tpu.memory_space<vmem>>) semaphore(%arg21 : memref<!tpu.dma_semaphore, #tpu.memory_space<semaphore_mem>>)
    %dma_start3A_21 = arith.constant 0 : i32
    %dma_start3A_22 = tpu.memref_slice %arg11[%dma_start3A_21] : memref<5120xi32, #tpu.memory_space<vmem>> -> memref<128xi32, #tpu.memory_space<vmem>>
    %dma_start3A_23 = arith.constant 0 : i32
    %dma_start3A_24 = arith.constant 0 : i32
    %dma_start3A_25 = tpu.memref_slice %arg3[%dma_start3A_23, %dma_start3A_24] : memref<10240x128xf32, #tpu.memory_space<hbm>> -> memref<10240x128xf32, #tpu.memory_space<hbm>>
    tpu.enqueue_indirect_dma source(%dma_start3A_25 : memref<10240x128xf32, #tpu.memory_space<hbm>>) target(%arg17 : memref<128x128xf32, #tpu.memory_space<vmem>>) offsets(%dma_start3A_22 : memref<128xi32, #tpu.memory_space<vmem>>) semaphore(%arg23 : memref<!tpu.dma_semaphore, #tpu.memory_space<semaphore_mem>>)
    %while3A = arith.constant 0 : i32
    %while3A_26 = arith.constant 0 : i32
    %while3A_27 = arith.subi %select_n3A_6, %while3A_26 : i32
    %while3A_28 = arith.addi %while3A_26, %while3A_27 : i32
    %while3A_29 = arith.constant 1 : i32
    %while3A_30 = arith.divsi %while3A_27, %while3A_29 : i32
    %while3A_31 = arith.muli %while3A_30, %while3A_29 : i32
    %while3A_32 = arith.addi %while3A_26, %while3A_31 : i32
    %while3A_33 = arith.constant 1 : i32
    scf.for %while3A_40 = %while3A_26 to %while3A_32 step %while3A_33  : i32 {
      %mul3A_41 = arith.constant 2 : i32
      %mul3A_42 = arith.muli %mul3A_41, %while3A_40 : i32
      %gt3A = arith.constant 0 : i32
      %gt3A_43 = arith.cmpi sgt, %while3A_40, %gt3A : i32
      %convert_element_type3A_44 = arith.extui %gt3A_43 : i1 to i32
      %cond3A_45 = arith.constant 0 : i32
      %cond3A_46 = arith.cmpi ne, %convert_element_type3A_44, %cond3A_45 : i32
      scf.if %cond3A_46 {
        %dma_wait3A_135 = arith.constant 0 : i32
        %dma_wait3A_136 = arith.constant 0 : i32
        %dma_wait3A_137 = tpu.memref_slice %arg8[%dma_wait3A_135, %dma_wait3A_136] : memref<160000x128xf32, #tpu.memory_space<hbm>> -> memref<128x128xf32, #tpu.memory_space<hbm>>
        %dma_wait3A_138 = arith.constant 0 : i32
        %dma_wait3A_139 = arith.constant 0 : i32
        %dma_wait3A_140 = tpu.memref_slice %arg8[%dma_wait3A_138, %dma_wait3A_139] : memref<160000x128xf32, #tpu.memory_space<hbm>> -> memref<128x128xf32, #tpu.memory_space<hbm>>
        tpu.wait_dma2 semaphore(%arg26 : memref<!tpu.dma_semaphore, #tpu.memory_space<semaphore_mem>>) src(%arg14 : memref<128x128xf32, #tpu.memory_space<vmem>>) dst(%dma_wait3A_140 : memref<128x128xf32, #tpu.memory_space<hbm>>)
      } else {
      }
      %add3A_47 = arith.constant 1 : i32
      %add3A_48 = arith.addi %mul3A_42, %add3A_47 : i32
      %mul3A_49 = arith.constant 128 : i32
      %mul3A_50 = arith.muli %add3A_48, %mul3A_49 : i32
      %dma_start3A_51 = tpu.memref_slice %arg10[%mul3A_50] : memref<5120xi32, #tpu.memory_space<vmem>> -> memref<128xi32, #tpu.memory_space<vmem>>
      %dma_start3A_52 = arith.constant 0 : i32
      %dma_start3A_53 = arith.constant 0 : i32
      %dma_start3A_54 = tpu.memref_slice %arg2[%dma_start3A_52, %dma_start3A_53] : memref<10240x128xf32, #tpu.memory_space<hbm>> -> memref<10240x128xf32, #tpu.memory_space<hbm>>
      tpu.enqueue_indirect_dma source(%dma_start3A_54 : memref<10240x128xf32, #tpu.memory_space<hbm>>) target(%arg14 : memref<128x128xf32, #tpu.memory_space<vmem>>) offsets(%dma_start3A_51 : memref<128xi32, #tpu.memory_space<vmem>>) semaphore(%arg20 : memref<!tpu.dma_semaphore, #tpu.memory_space<semaphore_mem>>)
      %dma_start3A_55 = tpu.memref_slice %arg12[%mul3A_50] : memref<5120xi32, #tpu.memory_space<vmem>> -> memref<128xi32, #tpu.memory_space<vmem>>
      %dma_start3A_56 = arith.constant 0 : i32
      %dma_start3A_57 = arith.constant 0 : i32
      %dma_start3A_58 = tpu.memref_slice %arg4[%dma_start3A_56, %dma_start3A_57] : memref<8000x128xf32, #tpu.memory_space<hbm>> -> memref<8000x128xf32, #tpu.memory_space<hbm>>
      tpu.enqueue_indirect_dma source(%dma_start3A_58 : memref<8000x128xf32, #tpu.memory_space<hbm>>) target(%arg16 : memref<128x128xf32, #tpu.memory_space<vmem>>) offsets(%dma_start3A_55 : memref<128xi32, #tpu.memory_space<vmem>>) semaphore(%arg22 : memref<!tpu.dma_semaphore, #tpu.memory_space<semaphore_mem>>)
      %dma_start3A_59 = tpu.memref_slice %arg11[%mul3A_50] : memref<5120xi32, #tpu.memory_space<vmem>> -> memref<128xi32, #tpu.memory_space<vmem>>
      %dma_start3A_60 = arith.constant 0 : i32
      %dma_start3A_61 = arith.constant 0 : i32
      %dma_start3A_62 = tpu.memref_slice %arg3[%dma_start3A_60, %dma_start3A_61] : memref<10240x128xf32, #tpu.memory_space<hbm>> -> memref<10240x128xf32, #tpu.memory_space<hbm>>
      tpu.enqueue_indirect_dma source(%dma_start3A_62 : memref<10240x128xf32, #tpu.memory_space<hbm>>) target(%arg18 : memref<128x128xf32, #tpu.memory_space<vmem>>) offsets(%dma_start3A_59 : memref<128xi32, #tpu.memory_space<vmem>>) semaphore(%arg24 : memref<!tpu.dma_semaphore, #tpu.memory_space<semaphore_mem>>)
      %dma_wait3A_63 = arith.constant 0 : i32
      %dma_wait3A_64 = tpu.memref_slice %arg10[%dma_wait3A_63] : memref<5120xi32, #tpu.memory_space<vmem>> -> memref<128xi32, #tpu.memory_space<vmem>>
      %dma_wait3A_65 = arith.constant 0 : i32
      %dma_wait3A_66 = arith.constant 0 : i32
      %dma_wait3A_67 = tpu.memref_slice %arg2[%dma_wait3A_65, %dma_wait3A_66] : memref<10240x128xf32, #tpu.memory_space<hbm>> -> memref<10240x128xf32, #tpu.memory_space<hbm>>
      tpu.wait_indirect_dma semaphore(%arg19 : memref<!tpu.dma_semaphore, #tpu.memory_space<semaphore_mem>>) src(%dma_wait3A_67 : memref<10240x128xf32, #tpu.memory_space<hbm>>) dst(%arg13 : memref<128x128xf32, #tpu.memory_space<vmem>>)
      %dma_wait3A_68 = arith.constant 0 : i32
      %dma_wait3A_69 = tpu.memref_slice %arg12[%dma_wait3A_68] : memref<5120xi32, #tpu.memory_space<vmem>> -> memref<128xi32, #tpu.memory_space<vmem>>
      %dma_wait3A_70 = arith.constant 0 : i32
      %dma_wait3A_71 = arith.constant 0 : i32
      %dma_wait3A_72 = tpu.memref_slice %arg4[%dma_wait3A_70, %dma_wait3A_71] : memref<8000x128xf32, #tpu.memory_space<hbm>> -> memref<8000x128xf32, #tpu.memory_space<hbm>>
      tpu.wait_indirect_dma semaphore(%arg21 : memref<!tpu.dma_semaphore, #tpu.memory_space<semaphore_mem>>) src(%dma_wait3A_72 : memref<8000x128xf32, #tpu.memory_space<hbm>>) dst(%arg15 : memref<128x128xf32, #tpu.memory_space<vmem>>)
      %dma_wait3A_73 = arith.constant 0 : i32
      %dma_wait3A_74 = tpu.memref_slice %arg11[%dma_wait3A_73] : memref<5120xi32, #tpu.memory_space<vmem>> -> memref<128xi32, #tpu.memory_space<vmem>>
      %dma_wait3A_75 = arith.constant 0 : i32
      %dma_wait3A_76 = arith.constant 0 : i32
      %dma_wait3A_77 = tpu.memref_slice %arg3[%dma_wait3A_75, %dma_wait3A_76] : memref<10240x128xf32, #tpu.memory_space<hbm>> -> memref<10240x128xf32, #tpu.memory_space<hbm>>
      tpu.wait_indirect_dma semaphore(%arg23 : memref<!tpu.dma_semaphore, #tpu.memory_space<semaphore_mem>>) src(%dma_wait3A_77 : memref<10240x128xf32, #tpu.memory_space<hbm>>) dst(%arg17 : memref<128x128xf32, #tpu.memory_space<vmem>>)
      %parallel_loop3A = arith.constant 0 : i32
      %parallel_loop3A_78 = arith.constant 128 : i32
      %parallel_loop3A_79 = arith.constant 1 : i32
      scf.for %parallel_loop3A_135 = %parallel_loop3A to %parallel_loop3A_78 step %parallel_loop3A_79  : i32 {
        %parallel_loop3A_136 = arith.index_cast %parallel_loop3A_135 : i32 to index
        %parallel_loop3A_137 = arith.constant 0 : index
        %parallel_loop3A_138 = tpu.vector_load %arg13[%parallel_loop3A_136, %parallel_loop3A_137] {strides = array<i32>} : memref<128x128xf32, #tpu.memory_space<vmem>>, vector<1x16xf32>,
        %parallel_loop3A_139 = vector.shape_cast %parallel_loop3A_138 : vector<1x16xf32> to vector<16xf32>
        %parallel_loop3A_140 = arith.index_cast %parallel_loop3A_135 : i32 to index
        %parallel_loop3A_141 = arith.constant 0 : index
        %parallel_loop3A_142 = tpu.vector_load %arg15[%parallel_loop3A_140, %parallel_loop3A_141] {strides = array<i32>} : memref<128x128xf32, #tpu.memory_space<vmem>>, vector<1x16xf32>,
        %parallel_loop3A_143 = vector.shape_cast %parallel_loop3A_142 : vector<1x16xf32> to vector<16xf32>
        %parallel_loop3A_144 = arith.addf %parallel_loop3A_139, %parallel_loop3A_143 : vector<16xf32>
        %parallel_loop3A_145 = arith.index_cast %parallel_loop3A_135 : i32 to index
        %parallel_loop3A_146 = arith.constant 0 : index
        %parallel_loop3A_147 = tpu.vector_load %arg17[%parallel_loop3A_145, %parallel_loop3A_146] {strides = array<i32>} : memref<128x128xf32, #tpu.memory_space<vmem>>, vector<1x16xf32>,
        %parallel_loop3A_148 = vector.shape_cast %parallel_loop3A_147 : vector<1x16xf32> to vector<16xf32>
        %parallel_loop3A_149 = arith.addf %parallel_loop3A_144, %parallel_loop3A_148 : vector<16xf32>
        %parallel_loop3A_150 = arith.index_cast %parallel_loop3A_135 : i32 to index
        %parallel_loop3A_151 = arith.constant 0 : index
        %parallel_loop3A_152 = tpu.vector_load %arg13[%parallel_loop3A_150, %parallel_loop3A_151] {strides = array<i32>} : memref<128x128xf32, #tpu.memory_space<vmem>>, vector<1x16xf32>,
        %parallel_loop3A_153 = vector.shape_cast %parallel_loop3A_152 : vector<1x16xf32> to vector<16xf32>
        %parallel_loop3A_154 = vector.shape_cast %parallel_loop3A_149 : vector<16xf32> to vector<1x16xf32>
        tpu.vector_store %arg13[%parallel_loop3A_150, %parallel_loop3A_151], %parallel_loop3A_154 {strides = array<i32>} : memref<128x128xf32, #tpu.memory_space<vmem>>, vector<1x16xf32>,
        %parallel_loop3A_155 = arith.index_cast %parallel_loop3A_135 : i32 to index
        %parallel_loop3A_156 = arith.constant 16 : index
        %parallel_loop3A_157 = tpu.vector_load %arg13[%parallel_loop3A_155, %parallel_loop3A_156] {strides = array<i32>} : memref<128x128xf32, #tpu.memory_space<vmem>>, vector<1x16xf32>,
        %parallel_loop3A_158 = vector.shape_cast %parallel_loop3A_157 : vector<1x16xf32> to vector<16xf32>
        %parallel_loop3A_159 = arith.index_cast %parallel_loop3A_135 : i32 to index
        %parallel_loop3A_160 = arith.constant 16 : index
        %parallel_loop3A_161 = tpu.vector_load %arg15[%parallel_loop3A_159, %parallel_loop3A_160] {strides = array<i32>} : memref<128x128xf32, #tpu.memory_space<vmem>>, vector<1x16xf32>,
        %parallel_loop3A_162 = vector.shape_cast %parallel_loop3A_161 : vector<1x16xf32> to vector<16xf32>
        %parallel_loop3A_163 = arith.addf %parallel_loop3A_158, %parallel_loop3A_162 : vector<16xf32>
        %parallel_loop3A_164 = arith.index_cast %parallel_loop3A_135 : i32 to index
        %parallel_loop3A_165 = arith.constant 16 : index
        %parallel_loop3A_166 = tpu.vector_load %arg17[%parallel_loop3A_164, %parallel_loop3A_165] {strides = array<i32>} : memref<128x128xf32, #tpu.memory_space<vmem>>, vector<1x16xf32>,
        %parallel_loop3A_167 = vector.shape_cast %parallel_loop3A_166 : vector<1x16xf32> to vector<16xf32>
        %parallel_loop3A_168 = arith.addf %parallel_loop3A_163, %parallel_loop3A_167 : vector<16xf32>
        %parallel_loop3A_169 = arith.index_cast %parallel_loop3A_135 : i32 to index
        %parallel_loop3A_170 = arith.constant 16 : index
        %parallel_loop3A_171 = tpu.vector_load %arg13[%parallel_loop3A_169, %parallel_loop3A_170] {strides = array<i32>} : memref<128x128xf32, #tpu.memory_space<vmem>>, vector<1x16xf32>,
        %parallel_loop3A_172 = vector.shape_cast %parallel_loop3A_171 : vector<1x16xf32> to vector<16xf32>
        %parallel_loop3A_173 = vector.shape_cast %parallel_loop3A_168 : vector<16xf32> to vector<1x16xf32>
        tpu.vector_store %arg13[%parallel_loop3A_169, %parallel_loop3A_170], %parallel_loop3A_173 {strides = array<i32>} : memref<128x128xf32, #tpu.memory_space<vmem>>, vector<1x16xf32>,
        %parallel_loop3A_174 = arith.index_cast %parallel_loop3A_135 : i32 to index
        %parallel_loop3A_175 = arith.constant 32 : index
        %parallel_loop3A_176 = tpu.vector_load %arg13[%parallel_loop3A_174, %parallel_loop3A_175] {strides = array<i32>} : memref<128x128xf32, #tpu.memory_space<vmem>>, vector<1x16xf32>,
        %parallel_loop3A_177 = vector.shape_cast %parallel_loop3A_176 : vector<1x16xf32> to vector<16xf32>
        %parallel_loop3A_178 = arith.index_cast %parallel_loop3A_135 : i32 to index
        %parallel_loop3A_179 = arith.constant 32 : index
        %parallel_loop3A_180 = tpu.vector_load %arg15[%parallel_loop3A_178, %parallel_loop3A_179] {strides = array<i32>} : memref<128x128xf32, #tpu.memory_space<vmem>>, vector<1x16xf32>,
        %parallel_loop3A_181 = vector.shape_cast %parallel_loop3A_180 : vector<1x16xf32> to vector<16xf32>
        %parallel_loop3A_182 = arith.addf %parallel_loop3A_177, %parallel_loop3A_181 : vector<16xf32>
        %parallel_loop3A_183 = arith.index_cast %parallel_loop3A_135 : i32 to index
        %parallel_loop3A_184 = arith.constant 32 : index
        %parallel_loop3A_185 = tpu.vector_load %arg17[%parallel_loop3A_183, %parallel_loop3A_184] {strides = array<i32>} : memref<128x128xf32, #tpu.memory_space<vmem>>, vector<1x16xf32>,
        %parallel_loop3A_186 = vector.shape_cast %parallel_loop3A_185 : vector<1x16xf32> to vector<16xf32>
        %parallel_loop3A_187 = arith.addf %parallel_loop3A_182, %parallel_loop3A_186 : vector<16xf32>
        %parallel_loop3A_188 = arith.index_cast %parallel_loop3A_135 : i32 to index
        %parallel_loop3A_189 = arith.constant 32 : index
        %parallel_loop3A_190 = tpu.vector_load %arg13[%parallel_loop3A_188, %parallel_loop3A_189] {strides = array<i32>} : memref<128x128xf32, #tpu.memory_space<vmem>>, vector<1x16xf32>,
        %parallel_loop3A_191 = vector.shape_cast %parallel_loop3A_190 : vector<1x16xf32> to vector<16xf32>
        %parallel_loop3A_192 = vector.shape_cast %parallel_loop3A_187 : vector<16xf32> to vector<1x16xf32>
        tpu.vector_store %arg13[%parallel_loop3A_188, %parallel_loop3A_189], %parallel_loop3A_192 {strides = array<i32>} : memref<128x128xf32, #tpu.memory_space<vmem>>, vector<1x16xf32>,
        %parallel_loop3A_193 = arith.index_cast %parallel_loop3A_135 : i32 to index
        %parallel_loop3A_194 = arith.constant 48 : index
        %parallel_loop3A_195 = tpu.vector_load %arg13[%parallel_loop3A_193, %parallel_loop3A_194] {strides = array<i32>} : memref<128x128xf32, #tpu.memory_space<vmem>>, vector<1x16xf32>,
        %parallel_loop3A_196 = vector.shape_cast %parallel_loop3A_195 : vector<1x16xf32> to vector<16xf32>
        %parallel_loop3A_197 = arith.index_cast %parallel_loop3A_135 : i32 to index
        %parallel_loop3A_198 = arith.constant 48 : index
        %parallel_loop3A_199 = tpu.vector_load %arg15[%parallel_loop3A_197, %parallel_loop3A_198] {strides = array<i32>} : memref<128x128xf32, #tpu.memory_space<vmem>>, vector<1x16xf32>,
        %parallel_loop3A_200 = vector.shape_cast %parallel_loop3A_199 : vector<1x16xf32> to vector<16xf32>
        %parallel_loop3A_201 = arith.addf %parallel_loop3A_196, %parallel_loop3A_200 : vector<16xf32>
        %parallel_loop3A_202 = arith.index_cast %parallel_loop3A_135 : i32 to index
        %parallel_loop3A_203 = arith.constant 48 : index
        %parallel_loop3A_204 = tpu.vector_load %arg17[%parallel_loop3A_202, %parallel_loop3A_203] {strides = array<i32>} : memref<128x128xf32, #tpu.memory_space<vmem>>, vector<1x16xf32>,
        %parallel_loop3A_205 = vector.shape_cast %parallel_loop3A_204 : vector<1x16xf32> to vector<16xf32>
        %parallel_loop3A_206 = arith.addf %parallel_loop3A_201, %parallel_loop3A_205 : vector<16xf32>
        %parallel_loop3A_207 = arith.index_cast %parallel_loop3A_135 : i32 to index
        %parallel_loop3A_208 = arith.constant 48 : index
        %parallel_loop3A_209 = tpu.vector_load %arg13[%parallel_loop3A_207, %parallel_loop3A_208] {strides = array<i32>} : memref<128x128xf32, #tpu.memory_space<vmem>>, vector<1x16xf32>,
        %parallel_loop3A_210 = vector.shape_cast %parallel_loop3A_209 : vector<1x16xf32> to vector<16xf32>
        %parallel_loop3A_211 = vector.shape_cast %parallel_loop3A_206 : vector<16xf32> to vector<1x16xf32>
        tpu.vector_store %arg13[%parallel_loop3A_207, %parallel_loop3A_208], %parallel_loop3A_211 {strides = array<i32>} : memref<128x128xf32, #tpu.memory_space<vmem>>, vector<1x16xf32>,
        %parallel_loop3A_212 = arith.index_cast %parallel_loop3A_135 : i32 to index
        %parallel_loop3A_213 = arith.constant 64 : index
        %parallel_loop3A_214 = tpu.vector_load %arg13[%parallel_loop3A_212, %parallel_loop3A_213] {strides = array<i32>} : memref<128x128xf32, #tpu.memory_space<vmem>>, vector<1x16xf32>,
        %parallel_loop3A_215 = vector.shape_cast %parallel_loop3A_214 : vector<1x16xf32> to vector<16xf32>
        %parallel_loop3A_216 = arith.index_cast %parallel_loop3A_135 : i32 to index
        %parallel_loop3A_217 = arith.constant 64 : index
        %parallel_loop3A_218 = tpu.vector_load %arg15[%parallel_loop3A_216, %parallel_loop3A_217] {strides = array<i32>} : memref<128x128xf32, #tpu.memory_space<vmem>>, vector<1x16xf32>,
        %parallel_loop3A_219 = vector.shape_cast %parallel_loop3A_218 : vector<1x16xf32> to vector<16xf32>
        %parallel_loop3A_220 = arith.addf %parallel_loop3A_215, %parallel_loop3A_219 : vector<16xf32>
        %parallel_loop3A_221 = arith.index_cast %parallel_loop3A_135 : i32 to index
        %parallel_loop3A_222 = arith.constant 64 : index
        %parallel_loop3A_223 = tpu.vector_load %arg17[%parallel_loop3A_221, %parallel_loop3A_222] {strides = array<i32>} : memref<128x128xf32, #tpu.memory_space<vmem>>, vector<1x16xf32>,
        %parallel_loop3A_224 = vector.shape_cast %parallel_loop3A_223 : vector<1x16xf32> to vector<16xf32>
        %parallel_loop3A_225 = arith.addf %parallel_loop3A_220, %parallel_loop3A_224 : vector<16xf32>
        %parallel_loop3A_226 = arith.index_cast %parallel_loop3A_135 : i32 to index
        %parallel_loop3A_227 = arith.constant 64 : index
        %parallel_loop3A_228 = tpu.vector_load %arg13[%parallel_loop3A_226, %parallel_loop3A_227] {strides = array<i32>} : memref<128x128xf32, #tpu.memory_space<vmem>>, vector<1x16xf32>,
        %parallel_loop3A_229 = vector.shape_cast %parallel_loop3A_228 : vector<1x16xf32> to vector<16xf32>
        %parallel_loop3A_230 = vector.shape_cast %parallel_loop3A_225 : vector<16xf32> to vector<1x16xf32>
        tpu.vector_store %arg13[%parallel_loop3A_226, %parallel_loop3A_227], %parallel_loop3A_230 {strides = array<i32>} : memref<128x128xf32, #tpu.memory_space<vmem>>, vector<1x16xf32>,
        %parallel_loop3A_231 = arith.index_cast %parallel_loop3A_135 : i32 to index
        %parallel_loop3A_232 = arith.constant 80 : index
        %parallel_loop3A_233 = tpu.vector_load %arg13[%parallel_loop3A_231, %parallel_loop3A_232] {strides = array<i32>} : memref<128x128xf32, #tpu.memory_space<vmem>>, vector<1x16xf32>,
        %parallel_loop3A_234 = vector.shape_cast %parallel_loop3A_233 : vector<1x16xf32> to vector<16xf32>
        %parallel_loop3A_235 = arith.index_cast %parallel_loop3A_135 : i32 to index
        %parallel_loop3A_236 = arith.constant 80 : index
        %parallel_loop3A_237 = tpu.vector_load %arg15[%parallel_loop3A_235, %parallel_loop3A_236] {strides = array<i32>} : memref<128x128xf32, #tpu.memory_space<vmem>>, vector<1x16xf32>,
        %parallel_loop3A_238 = vector.shape_cast %parallel_loop3A_237 : vector<1x16xf32> to vector<16xf32>
        %parallel_loop3A_239 = arith.addf %parallel_loop3A_234, %parallel_loop3A_238 : vector<16xf32>
        %parallel_loop3A_240 = arith.index_cast %parallel_loop3A_135 : i32 to index
        %parallel_loop3A_241 = arith.constant 80 : index
        %parallel_loop3A_242 = tpu.vector_load %arg17[%parallel_loop3A_240, %parallel_loop3A_241] {strides = array<i32>} : memref<128x128xf32, #tpu.memory_space<vmem>>, vector<1x16xf32>,
        %parallel_loop3A_243 = vector.shape_cast %parallel_loop3A_242 : vector<1x16xf32> to vector<16xf32>
        %parallel_loop3A_244 = arith.addf %parallel_loop3A_239, %parallel_loop3A_243 : vector<16xf32>
        %parallel_loop3A_245 = arith.index_cast %parallel_loop3A_135 : i32 to index
        %parallel_loop3A_246 = arith.constant 80 : index
        %parallel_loop3A_247 = tpu.vector_load %arg13[%parallel_loop3A_245, %parallel_loop3A_246] {strides = array<i32>} : memref<128x128xf32, #tpu.memory_space<vmem>>, vector<1x16xf32>,
        %parallel_loop3A_248 = vector.shape_cast %parallel_loop3A_247 : vector<1x16xf32> to vector<16xf32>
        %parallel_loop3A_249 = vector.shape_cast %parallel_loop3A_244 : vector<16xf32> to vector<1x16xf32>
        tpu.vector_store %arg13[%parallel_loop3A_245, %parallel_loop3A_246], %parallel_loop3A_249 {strides = array<i32>} : memref<128x128xf32, #tpu.memory_space<vmem>>, vector<1x16xf32>,
        %parallel_loop3A_250 = arith.index_cast %parallel_loop3A_135 : i32 to index
        %parallel_loop3A_251 = arith.constant 96 : index
        %parallel_loop3A_252 = tpu.vector_load %arg13[%parallel_loop3A_250, %parallel_loop3A_251] {strides = array<i32>} : memref<128x128xf32, #tpu.memory_space<vmem>>, vector<1x16xf32>,
        %parallel_loop3A_253 = vector.shape_cast %parallel_loop3A_252 : vector<1x16xf32> to vector<16xf32>
        %parallel_loop3A_254 = arith.index_cast %parallel_loop3A_135 : i32 to index
        %parallel_loop3A_255 = arith.constant 96 : index
        %parallel_loop3A_256 = tpu.vector_load %arg15[%parallel_loop3A_254, %parallel_loop3A_255] {strides = array<i32>} : memref<128x128xf32, #tpu.memory_space<vmem>>, vector<1x16xf32>,
        %parallel_loop3A_257 = vector.shape_cast %parallel_loop3A_256 : vector<1x16xf32> to vector<16xf32>
        %parallel_loop3A_258 = arith.addf %parallel_loop3A_253, %parallel_loop3A_257 : vector<16xf32>
        %parallel_loop3A_259 = arith.index_cast %parallel_loop3A_135 : i32 to index
        %parallel_loop3A_260 = arith.constant 96 : index
        %parallel_loop3A_261 = tpu.vector_load %arg17[%parallel_loop3A_259, %parallel_loop3A_260] {strides = array<i32>} : memref<128x128xf32, #tpu.memory_space<vmem>>, vector<1x16xf32>,
        %parallel_loop3A_262 = vector.shape_cast %parallel_loop3A_261 : vector<1x16xf32> to vector<16xf32>
        %parallel_loop3A_263 = arith.addf %parallel_loop3A_258, %parallel_loop3A_262 : vector<16xf32>
        %parallel_loop3A_264 = arith.index_cast %parallel_loop3A_135 : i32 to index
        %parallel_loop3A_265 = arith.constant 96 : index
        %parallel_loop3A_266 = tpu.vector_load %arg13[%parallel_loop3A_264, %parallel_loop3A_265] {strides = array<i32>} : memref<128x128xf32, #tpu.memory_space<vmem>>, vector<1x16xf32>,
        %parallel_loop3A_267 = vector.shape_cast %parallel_loop3A_266 : vector<1x16xf32> to vector<16xf32>
        %parallel_loop3A_268 = vector.shape_cast %parallel_loop3A_263 : vector<16xf32> to vector<1x16xf32>
        tpu.vector_store %arg13[%parallel_loop3A_264, %parallel_loop3A_265], %parallel_loop3A_268 {strides = array<i32>} : memref<128x128xf32, #tpu.memory_space<vmem>>, vector<1x16xf32>,
        %parallel_loop3A_269 = arith.index_cast %parallel_loop3A_135 : i32 to index
        %parallel_loop3A_270 = arith.constant 112 : index
        %parallel_loop3A_271 = tpu.vector_load %arg13[%parallel_loop3A_269, %parallel_loop3A_270] {strides = array<i32>} : memref<128x128xf32, #tpu.memory_space<vmem>>, vector<1x16xf32>,
        %parallel_loop3A_272 = vector.shape_cast %parallel_loop3A_271 : vector<1x16xf32> to vector<16xf32>
        %parallel_loop3A_273 = arith.index_cast %parallel_loop3A_135 : i32 to index
        %parallel_loop3A_274 = arith.constant 112 : index
        %parallel_loop3A_275 = tpu.vector_load %arg15[%parallel_loop3A_273, %parallel_loop3A_274] {strides = array<i32>} : memref<128x128xf32, #tpu.memory_space<vmem>>, vector<1x16xf32>,
        %parallel_loop3A_276 = vector.shape_cast %parallel_loop3A_275 : vector<1x16xf32> to vector<16xf32>
        %parallel_loop3A_277 = arith.addf %parallel_loop3A_272, %parallel_loop3A_276 : vector<16xf32>
        %parallel_loop3A_278 = arith.index_cast %parallel_loop3A_135 : i32 to index
        %parallel_loop3A_279 = arith.constant 112 : index
        %parallel_loop3A_280 = tpu.vector_load %arg17[%parallel_loop3A_278, %parallel_loop3A_279] {strides = array<i32>} : memref<128x128xf32, #tpu.memory_space<vmem>>, vector<1x16xf32>,
        %parallel_loop3A_281 = vector.shape_cast %parallel_loop3A_280 : vector<1x16xf32> to vector<16xf32>
        %parallel_loop3A_282 = arith.addf %parallel_loop3A_277, %parallel_loop3A_281 : vector<16xf32>
        %parallel_loop3A_283 = arith.index_cast %parallel_loop3A_135 : i32 to index
        %parallel_loop3A_284 = arith.constant 112 : index
        %parallel_loop3A_285 = tpu.vector_load %arg13[%parallel_loop3A_283, %parallel_loop3A_284] {strides = array<i32>} : memref<128x128xf32, #tpu.memory_space<vmem>>, vector<1x16xf32>,
        %parallel_loop3A_286 = vector.shape_cast %parallel_loop3A_285 : vector<1x16xf32> to vector<16xf32>
        %parallel_loop3A_287 = vector.shape_cast %parallel_loop3A_282 : vector<16xf32> to vector<1x16xf32>
        tpu.vector_store %arg13[%parallel_loop3A_283, %parallel_loop3A_284], %parallel_loop3A_287 {strides = array<i32>} : memref<128x128xf32, #tpu.memory_space<vmem>>, vector<1x16xf32>,
      } {sc.loop_unroll_factor = 4 : i64, sc.parallel_access}
      %mul3A_80 = arith.constant 128 : i32
      %mul3A_81 = arith.muli %mul3A_42, %mul3A_80 : i32
      %add3A_82 = arith.addi %select_n3A, %mul3A_81 : i32
      %lt3A = arith.constant 160000 : i32
      %lt3A_83 = arith.cmpi slt, %add3A_82, %lt3A : i32
      %convert_element_type3A_84 = arith.extui %lt3A_83 : i1 to i32
      %cond3A_85 = arith.constant 0 : i32
      %cond3A_86 = arith.cmpi ne, %convert_element_type3A_84, %cond3A_85 : i32
      scf.if %cond3A_86 {
        %dma_start3A_135 = arith.constant 0 : i32
        %dma_start3A_136 = tpu.memref_slice %arg8[%add3A_82, %dma_start3A_135] : memref<160000x128xf32, #tpu.memory_space<hbm>> -> memref<128x128xf32, #tpu.memory_space<hbm>>
        %dma_start3A_137 = arith.constant 0 : i32
        %dma_start3A_138 = tpu.memref_slice %arg8[%add3A_82, %dma_start3A_137] : memref<160000x128xf32, #tpu.memory_space<hbm>> -> memref<128x128xf32, #tpu.memory_space<hbm>>
        tpu.enqueue_dma source(%arg13 : memref<128x128xf32, #tpu.memory_space<vmem>>) target(%dma_start3A_138 : memref<128x128xf32, #tpu.memory_space<hbm>>) target_semaphore(%arg25 : memref<!tpu.dma_semaphore, #tpu.memory_space<semaphore_mem>>)
      } else {
      }
      %ge3A = arith.constant 160000 : i32
      %ge3A_87 = arith.cmpi sge, %add3A_82, %ge3A : i32
      %convert_element_type3A_88 = arith.extui %ge3A_87 : i1 to i32
      %cond3A_89 = arith.constant 0 : i32
      %cond3A_90 = arith.cmpi ne, %convert_element_type3A_88, %cond3A_89 : i32
      scf.if %cond3A_90 {
        %sub3A_135 = arith.constant 160000 : i32
        %sub3A_136 = arith.subi %add3A_82, %sub3A_135 : i32
        %dma_start3A_137 = arith.constant 0 : i32
        %dma_start3A_138 = tpu.memref_slice %arg9[%sub3A_136, %dma_start3A_137] : memref<3840x128xf32, #tpu.memory_space<hbm>> -> memref<128x128xf32, #tpu.memory_space<hbm>>
        %dma_start3A_139 = arith.constant 0 : i32
        %dma_start3A_140 = tpu.memref_slice %arg9[%sub3A_136, %dma_start3A_139] : memref<3840x128xf32, #tpu.memory_space<hbm>> -> memref<128x128xf32, #tpu.memory_space<hbm>>
        tpu.enqueue_dma source(%arg13 : memref<128x128xf32, #tpu.memory_space<vmem>>) target(%dma_start3A_140 : memref<128x128xf32, #tpu.memory_space<hbm>>) target_semaphore(%arg25 : memref<!tpu.dma_semaphore, #tpu.memory_space<semaphore_mem>>)
      } else {
      }
      %dma_wait3A_91 = arith.constant 0 : i32
      %dma_wait3A_92 = arith.constant 0 : i32
      %dma_wait3A_93 = tpu.memref_slice %arg8[%dma_wait3A_91, %dma_wait3A_92] : memref<160000x128xf32, #tpu.memory_space<hbm>> -> memref<128x128xf32, #tpu.memory_space<hbm>>
      %dma_wait3A_94 = arith.constant 0 : i32
      %dma_wait3A_95 = arith.constant 0 : i32
      %dma_wait3A_96 = tpu.memref_slice %arg8[%dma_wait3A_94, %dma_wait3A_95] : memref<160000x128xf32, #tpu.memory_space<hbm>> -> memref<128x128xf32, #tpu.memory_space<hbm>>
      tpu.wait_dma2 semaphore(%arg25 : memref<!tpu.dma_semaphore, #tpu.memory_space<semaphore_mem>>) src(%arg13 : memref<128x128xf32, #tpu.memory_space<vmem>>) dst(%dma_wait3A_96 : memref<128x128xf32, #tpu.memory_space<hbm>>)
      %sub3A = arith.constant 1 : i32
      %sub3A_97 = arith.subi %select_n3A_6, %sub3A : i32
      %lt3A_98 = arith.cmpi slt, %while3A_40, %sub3A_97 : i32
      %convert_element_type3A_99 = arith.extui %lt3A_98 : i1 to i32
      %cond3A_100 = arith.constant 0 : i32
      %cond3A_101 = arith.cmpi ne, %convert_element_type3A_99, %cond3A_100 : i32
      scf.if %cond3A_101 {
        %add3A_135 = arith.constant 2 : i32
        %add3A_136 = arith.addi %mul3A_42, %add3A_135 : i32
        %mul3A_137 = arith.constant 128 : i32
        %mul3A_138 = arith.muli %add3A_136, %mul3A_137 : i32
        %dma_start3A_139 = tpu.memref_slice %arg10[%mul3A_138] : memref<5120xi32, #tpu.memory_space<vmem>> -> memref<128xi32, #tpu.memory_space<vmem>>
        %dma_start3A_140 = arith.constant 0 : i32
        %dma_start3A_141 = arith.constant 0 : i32
        %dma_start3A_142 = tpu.memref_slice %arg2[%dma_start3A_140, %dma_start3A_141] : memref<10240x128xf32, #tpu.memory_space<hbm>> -> memref<10240x128xf32, #tpu.memory_space<hbm>>
        tpu.enqueue_indirect_dma source(%dma_start3A_142 : memref<10240x128xf32, #tpu.memory_space<hbm>>) target(%arg13 : memref<128x128xf32, #tpu.memory_space<vmem>>) offsets(%dma_start3A_139 : memref<128xi32, #tpu.memory_space<vmem>>) semaphore(%arg19 : memref<!tpu.dma_semaphore, #tpu.memory_space<semaphore_mem>>)
        %dma_start3A_143 = tpu.memref_slice %arg12[%mul3A_138] : memref<5120xi32, #tpu.memory_space<vmem>> -> memref<128xi32, #tpu.memory_space<vmem>>
        %dma_start3A_144 = arith.constant 0 : i32
        %dma_start3A_145 = arith.constant 0 : i32
        %dma_start3A_146 = tpu.memref_slice %arg4[%dma_start3A_144, %dma_start3A_145] : memref<8000x128xf32, #tpu.memory_space<hbm>> -> memref<8000x128xf32, #tpu.memory_space<hbm>>
        tpu.enqueue_indirect_dma source(%dma_start3A_146 : memref<8000x128xf32, #tpu.memory_space<hbm>>) target(%arg15 : memref<128x128xf32, #tpu.memory_space<vmem>>) offsets(%dma_start3A_143 : memref<128xi32, #tpu.memory_space<vmem>>) semaphore(%arg21 : memref<!tpu.dma_semaphore, #tpu.memory_space<semaphore_mem>>)
        %dma_start3A_147 = tpu.memref_slice %arg11[%mul3A_138] : memref<5120xi32, #tpu.memory_space<vmem>> -> memref<128xi32, #tpu.memory_space<vmem>>
        %dma_start3A_148 = arith.constant 0 : i32
        %dma_start3A_149 = arith.constant 0 : i32
        %dma_start3A_150 = tpu.memref_slice %arg3[%dma_start3A_148, %dma_start3A_149] : memref<10240x128xf32, #tpu.memory_space<hbm>> -> memref<10240x128xf32, #tpu.memory_space<hbm>>
        tpu.enqueue_indirect_dma source(%dma_start3A_150 : memref<10240x128xf32, #tpu.memory_space<hbm>>) target(%arg17 : memref<128x128xf32, #tpu.memory_space<vmem>>) offsets(%dma_start3A_147 : memref<128xi32, #tpu.memory_space<vmem>>) semaphore(%arg23 : memref<!tpu.dma_semaphore, #tpu.memory_space<semaphore_mem>>)
      } else {
      }
      %add3A_102 = arith.constant 1 : i32
      %add3A_103 = arith.addi %mul3A_42, %add3A_102 : i32
      %dma_wait3A_104 = arith.constant 0 : i32
      %dma_wait3A_105 = tpu.memref_slice %arg10[%dma_wait3A_104] : memref<5120xi32, #tpu.memory_space<vmem>> -> memref<128xi32, #tpu.memory_space<vmem>>
      %dma_wait3A_106 = arith.constant 0 : i32
      %dma_wait3A_107 = arith.constant 0 : i32
      %dma_wait3A_108 = tpu.memref_slice %arg2[%dma_wait3A_106, %dma_wait3A_107] : memref<10240x128xf32, #tpu.memory_space<hbm>> -> memref<10240x128xf32, #tpu.memory_space<hbm>>
      tpu.wait_indirect_dma semaphore(%arg20 : memref<!tpu.dma_semaphore, #tpu.memory_space<semaphore_mem>>) src(%dma_wait3A_108 : memref<10240x128xf32, #tpu.memory_space<hbm>>) dst(%arg14 : memref<128x128xf32, #tpu.memory_space<vmem>>)
      %dma_wait3A_109 = arith.constant 0 : i32
      %dma_wait3A_110 = tpu.memref_slice %arg12[%dma_wait3A_109] : memref<5120xi32, #tpu.memory_space<vmem>> -> memref<128xi32, #tpu.memory_space<vmem>>
      %dma_wait3A_111 = arith.constant 0 : i32
      %dma_wait3A_112 = arith.constant 0 : i32
      %dma_wait3A_113 = tpu.memref_slice %arg4[%dma_wait3A_111, %dma_wait3A_112] : memref<8000x128xf32, #tpu.memory_space<hbm>> -> memref<8000x128xf32, #tpu.memory_space<hbm>>
      tpu.wait_indirect_dma semaphore(%arg22 : memref<!tpu.dma_semaphore, #tpu.memory_space<semaphore_mem>>) src(%dma_wait3A_113 : memref<8000x128xf32, #tpu.memory_space<hbm>>) dst(%arg16 : memref<128x128xf32, #tpu.memory_space<vmem>>)
      %dma_wait3A_114 = arith.constant 0 : i32
      %dma_wait3A_115 = tpu.memref_slice %arg11[%dma_wait3A_114] : memref<5120xi32, #tpu.memory_space<vmem>> -> memref<128xi32, #tpu.memory_space<vmem>>
      %dma_wait3A_116 = arith.constant 0 : i32
      %dma_wait3A_117 = arith.constant 0 : i32
      %dma_wait3A_118 = tpu.memref_slice %arg3[%dma_wait3A_116, %dma_wait3A_117] : memref<10240x128xf32, #tpu.memory_space<hbm>> -> memref<10240x128xf32, #tpu.memory_space<hbm>>
      tpu.wait_indirect_dma semaphore(%arg24 : memref<!tpu.dma_semaphore, #tpu.memory_space<semaphore_mem>>) src(%dma_wait3A_118 : memref<10240x128xf32, #tpu.memory_space<hbm>>) dst(%arg18 : memref<128x128xf32, #tpu.memory_space<vmem>>)
      %parallel_loop3A_119 = arith.constant 0 : i32
      %parallel_loop3A_120 = arith.constant 128 : i32
      %parallel_loop3A_121 = arith.constant 1 : i32
      scf.for %parallel_loop3A_135 = %parallel_loop3A_119 to %parallel_loop3A_120 step %parallel_loop3A_121  : i32 {
        %parallel_loop3A_136 = arith.index_cast %parallel_loop3A_135 : i32 to index
        %parallel_loop3A_137 = arith.constant 0 : index
        %parallel_loop3A_138 = tpu.vector_load %arg14[%parallel_loop3A_136, %parallel_loop3A_137] {strides = array<i32>} : memref<128x128xf32, #tpu.memory_space<vmem>>, vector<1x16xf32>,
        %parallel_loop3A_139 = vector.shape_cast %parallel_loop3A_138 : vector<1x16xf32> to vector<16xf32>
        %parallel_loop3A_140 = arith.index_cast %parallel_loop3A_135 : i32 to index
        %parallel_loop3A_141 = arith.constant 0 : index
        %parallel_loop3A_142 = tpu.vector_load %arg16[%parallel_loop3A_140, %parallel_loop3A_141] {strides = array<i32>} : memref<128x128xf32, #tpu.memory_space<vmem>>, vector<1x16xf32>,
        %parallel_loop3A_143 = vector.shape_cast %parallel_loop3A_142 : vector<1x16xf32> to vector<16xf32>
        %parallel_loop3A_144 = arith.addf %parallel_loop3A_139, %parallel_loop3A_143 : vector<16xf32>
        %parallel_loop3A_145 = arith.index_cast %parallel_loop3A_135 : i32 to index
        %parallel_loop3A_146 = arith.constant 0 : index
        %parallel_loop3A_147 = tpu.vector_load %arg18[%parallel_loop3A_145, %parallel_loop3A_146] {strides = array<i32>} : memref<128x128xf32, #tpu.memory_space<vmem>>, vector<1x16xf32>,
        %parallel_loop3A_148 = vector.shape_cast %parallel_loop3A_147 : vector<1x16xf32> to vector<16xf32>
        %parallel_loop3A_149 = arith.addf %parallel_loop3A_144, %parallel_loop3A_148 : vector<16xf32>
        %parallel_loop3A_150 = arith.index_cast %parallel_loop3A_135 : i32 to index
        %parallel_loop3A_151 = arith.constant 0 : index
        %parallel_loop3A_152 = tpu.vector_load %arg14[%parallel_loop3A_150, %parallel_loop3A_151] {strides = array<i32>} : memref<128x128xf32, #tpu.memory_space<vmem>>, vector<1x16xf32>,
        %parallel_loop3A_153 = vector.shape_cast %parallel_loop3A_152 : vector<1x16xf32> to vector<16xf32>
        %parallel_loop3A_154 = vector.shape_cast %parallel_loop3A_149 : vector<16xf32> to vector<1x16xf32>
        tpu.vector_store %arg14[%parallel_loop3A_150, %parallel_loop3A_151], %parallel_loop3A_154 {strides = array<i32>} : memref<128x128xf32, #tpu.memory_space<vmem>>, vector<1x16xf32>,
        %parallel_loop3A_155 = arith.index_cast %parallel_loop3A_135 : i32 to index
        %parallel_loop3A_156 = arith.constant 16 : index
        %parallel_loop3A_157 = tpu.vector_load %arg14[%parallel_loop3A_155, %parallel_loop3A_156] {strides = array<i32>} : memref<128x128xf32, #tpu.memory_space<vmem>>, vector<1x16xf32>,
        %parallel_loop3A_158 = vector.shape_cast %parallel_loop3A_157 : vector<1x16xf32> to vector<16xf32>
        %parallel_loop3A_159 = arith.index_cast %parallel_loop3A_135 : i32 to index
        %parallel_loop3A_160 = arith.constant 16 : index
        %parallel_loop3A_161 = tpu.vector_load %arg16[%parallel_loop3A_159, %parallel_loop3A_160] {strides = array<i32>} : memref<128x128xf32, #tpu.memory_space<vmem>>, vector<1x16xf32>,
        %parallel_loop3A_162 = vector.shape_cast %parallel_loop3A_161 : vector<1x16xf32> to vector<16xf32>
        %parallel_loop3A_163 = arith.addf %parallel_loop3A_158, %parallel_loop3A_162 : vector<16xf32>
        %parallel_loop3A_164 = arith.index_cast %parallel_loop3A_135 : i32 to index
        %parallel_loop3A_165 = arith.constant 16 : index
        %parallel_loop3A_166 = tpu.vector_load %arg18[%parallel_loop3A_164, %parallel_loop3A_165] {strides = array<i32>} : memref<128x128xf32, #tpu.memory_space<vmem>>, vector<1x16xf32>,
        %parallel_loop3A_167 = vector.shape_cast %parallel_loop3A_166 : vector<1x16xf32> to vector<16xf32>
        %parallel_loop3A_168 = arith.addf %parallel_loop3A_163, %parallel_loop3A_167 : vector<16xf32>
        %parallel_loop3A_169 = arith.index_cast %parallel_loop3A_135 : i32 to index
        %parallel_loop3A_170 = arith.constant 16 : index
        %parallel_loop3A_171 = tpu.vector_load %arg14[%parallel_loop3A_169, %parallel_loop3A_170] {strides = array<i32>} : memref<128x128xf32, #tpu.memory_space<vmem>>, vector<1x16xf32>,
        %parallel_loop3A_172 = vector.shape_cast %parallel_loop3A_171 : vector<1x16xf32> to vector<16xf32>
        %parallel_loop3A_173 = vector.shape_cast %parallel_loop3A_168 : vector<16xf32> to vector<1x16xf32>
        tpu.vector_store %arg14[%parallel_loop3A_169, %parallel_loop3A_170], %parallel_loop3A_173 {strides = array<i32>} : memref<128x128xf32, #tpu.memory_space<vmem>>, vector<1x16xf32>,
        %parallel_loop3A_174 = arith.index_cast %parallel_loop3A_135 : i32 to index
        %parallel_loop3A_175 = arith.constant 32 : index
        %parallel_loop3A_176 = tpu.vector_load %arg14[%parallel_loop3A_174, %parallel_loop3A_175] {strides = array<i32>} : memref<128x128xf32, #tpu.memory_space<vmem>>, vector<1x16xf32>,
        %parallel_loop3A_177 = vector.shape_cast %parallel_loop3A_176 : vector<1x16xf32> to vector<16xf32>
        %parallel_loop3A_178 = arith.index_cast %parallel_loop3A_135 : i32 to index
        %parallel_loop3A_179 = arith.constant 32 : index
        %parallel_loop3A_180 = tpu.vector_load %arg16[%parallel_loop3A_178, %parallel_loop3A_179] {strides = array<i32>} : memref<128x128xf32, #tpu.memory_space<vmem>>, vector<1x16xf32>,
        %parallel_loop3A_181 = vector.shape_cast %parallel_loop3A_180 : vector<1x16xf32> to vector<16xf32>
        %parallel_loop3A_182 = arith.addf %parallel_loop3A_177, %parallel_loop3A_181 : vector<16xf32>
        %parallel_loop3A_183 = arith.index_cast %parallel_loop3A_135 : i32 to index
        %parallel_loop3A_184 = arith.constant 32 : index
        %parallel_loop3A_185 = tpu.vector_load %arg18[%parallel_loop3A_183, %parallel_loop3A_184] {strides = array<i32>} : memref<128x128xf32, #tpu.memory_space<vmem>>, vector<1x16xf32>,
        %parallel_loop3A_186 = vector.shape_cast %parallel_loop3A_185 : vector<1x16xf32> to vector<16xf32>
        %parallel_loop3A_187 = arith.addf %parallel_loop3A_182, %parallel_loop3A_186 : vector<16xf32>
        %parallel_loop3A_188 = arith.index_cast %parallel_loop3A_135 : i32 to index
        %parallel_loop3A_189 = arith.constant 32 : index
        %parallel_loop3A_190 = tpu.vector_load %arg14[%parallel_loop3A_188, %parallel_loop3A_189] {strides = array<i32>} : memref<128x128xf32, #tpu.memory_space<vmem>>, vector<1x16xf32>,
        %parallel_loop3A_191 = vector.shape_cast %parallel_loop3A_190 : vector<1x16xf32> to vector<16xf32>
        %parallel_loop3A_192 = vector.shape_cast %parallel_loop3A_187 : vector<16xf32> to vector<1x16xf32>
        tpu.vector_store %arg14[%parallel_loop3A_188, %parallel_loop3A_189], %parallel_loop3A_192 {strides = array<i32>} : memref<128x128xf32, #tpu.memory_space<vmem>>, vector<1x16xf32>,
        %parallel_loop3A_193 = arith.index_cast %parallel_loop3A_135 : i32 to index
        %parallel_loop3A_194 = arith.constant 48 : index
        %parallel_loop3A_195 = tpu.vector_load %arg14[%parallel_loop3A_193, %parallel_loop3A_194] {strides = array<i32>} : memref<128x128xf32, #tpu.memory_space<vmem>>, vector<1x16xf32>,
        %parallel_loop3A_196 = vector.shape_cast %parallel_loop3A_195 : vector<1x16xf32> to vector<16xf32>
        %parallel_loop3A_197 = arith.index_cast %parallel_loop3A_135 : i32 to index
        %parallel_loop3A_198 = arith.constant 48 : index
        %parallel_loop3A_199 = tpu.vector_load %arg16[%parallel_loop3A_197, %parallel_loop3A_198] {strides = array<i32>} : memref<128x128xf32, #tpu.memory_space<vmem>>, vector<1x16xf32>,
        %parallel_loop3A_200 = vector.shape_cast %parallel_loop3A_199 : vector<1x16xf32> to vector<16xf32>
        %parallel_loop3A_201 = arith.addf %parallel_loop3A_196, %parallel_loop3A_200 : vector<16xf32>
        %parallel_loop3A_202 = arith.index_cast %parallel_loop3A_135 : i32 to index
        %parallel_loop3A_203 = arith.constant 48 : index
        %parallel_loop3A_204 = tpu.vector_load %arg18[%parallel_loop3A_202, %parallel_loop3A_203] {strides = array<i32>} : memref<128x128xf32, #tpu.memory_space<vmem>>, vector<1x16xf32>,
        %parallel_loop3A_205 = vector.shape_cast %parallel_loop3A_204 : vector<1x16xf32> to vector<16xf32>
        %parallel_loop3A_206 = arith.addf %parallel_loop3A_201, %parallel_loop3A_205 : vector<16xf32>
        %parallel_loop3A_207 = arith.index_cast %parallel_loop3A_135 : i32 to index
        %parallel_loop3A_208 = arith.constant 48 : index
        %parallel_loop3A_209 = tpu.vector_load %arg14[%parallel_loop3A_207, %parallel_loop3A_208] {strides = array<i32>} : memref<128x128xf32, #tpu.memory_space<vmem>>, vector<1x16xf32>,
        %parallel_loop3A_210 = vector.shape_cast %parallel_loop3A_209 : vector<1x16xf32> to vector<16xf32>
        %parallel_loop3A_211 = vector.shape_cast %parallel_loop3A_206 : vector<16xf32> to vector<1x16xf32>
        tpu.vector_store %arg14[%parallel_loop3A_207, %parallel_loop3A_208], %parallel_loop3A_211 {strides = array<i32>} : memref<128x128xf32, #tpu.memory_space<vmem>>, vector<1x16xf32>,
        %parallel_loop3A_212 = arith.index_cast %parallel_loop3A_135 : i32 to index
        %parallel_loop3A_213 = arith.constant 64 : index
        %parallel_loop3A_214 = tpu.vector_load %arg14[%parallel_loop3A_212, %parallel_loop3A_213] {strides = array<i32>} : memref<128x128xf32, #tpu.memory_space<vmem>>, vector<1x16xf32>,
        %parallel_loop3A_215 = vector.shape_cast %parallel_loop3A_214 : vector<1x16xf32> to vector<16xf32>
        %parallel_loop3A_216 = arith.index_cast %parallel_loop3A_135 : i32 to index
        %parallel_loop3A_217 = arith.constant 64 : index
        %parallel_loop3A_218 = tpu.vector_load %arg16[%parallel_loop3A_216, %parallel_loop3A_217] {strides = array<i32>} : memref<128x128xf32, #tpu.memory_space<vmem>>, vector<1x16xf32>,
        %parallel_loop3A_219 = vector.shape_cast %parallel_loop3A_218 : vector<1x16xf32> to vector<16xf32>
        %parallel_loop3A_220 = arith.addf %parallel_loop3A_215, %parallel_loop3A_219 : vector<16xf32>
        %parallel_loop3A_221 = arith.index_cast %parallel_loop3A_135 : i32 to index
        %parallel_loop3A_222 = arith.constant 64 : index
        %parallel_loop3A_223 = tpu.vector_load %arg18[%parallel_loop3A_221, %parallel_loop3A_222] {strides = array<i32>} : memref<128x128xf32, #tpu.memory_space<vmem>>, vector<1x16xf32>,
        %parallel_loop3A_224 = vector.shape_cast %parallel_loop3A_223 : vector<1x16xf32> to vector<16xf32>
        %parallel_loop3A_225 = arith.addf %parallel_loop3A_220, %parallel_loop3A_224 : vector<16xf32>
        %parallel_loop3A_226 = arith.index_cast %parallel_loop3A_135 : i32 to index
        %parallel_loop3A_227 = arith.constant 64 : index
        %parallel_loop3A_228 = tpu.vector_load %arg14[%parallel_loop3A_226, %parallel_loop3A_227] {strides = array<i32>} : memref<128x128xf32, #tpu.memory_space<vmem>>, vector<1x16xf32>,
        %parallel_loop3A_229 = vector.shape_cast %parallel_loop3A_228 : vector<1x16xf32> to vector<16xf32>
        %parallel_loop3A_230 = vector.shape_cast %parallel_loop3A_225 : vector<16xf32> to vector<1x16xf32>
        tpu.vector_store %arg14[%parallel_loop3A_226, %parallel_loop3A_227], %parallel_loop3A_230 {strides = array<i32>} : memref<128x128xf32, #tpu.memory_space<vmem>>, vector<1x16xf32>,
        %parallel_loop3A_231 = arith.index_cast %parallel_loop3A_135 : i32 to index
        %parallel_loop3A_232 = arith.constant 80 : index
        %parallel_loop3A_233 = tpu.vector_load %arg14[%parallel_loop3A_231, %parallel_loop3A_232] {strides = array<i32>} : memref<128x128xf32, #tpu.memory_space<vmem>>, vector<1x16xf32>,
        %parallel_loop3A_234 = vector.shape_cast %parallel_loop3A_233 : vector<1x16xf32> to vector<16xf32>
        %parallel_loop3A_235 = arith.index_cast %parallel_loop3A_135 : i32 to index
        %parallel_loop3A_236 = arith.constant 80 : index
        %parallel_loop3A_237 = tpu.vector_load %arg16[%parallel_loop3A_235, %parallel_loop3A_236] {strides = array<i32>} : memref<128x128xf32, #tpu.memory_space<vmem>>, vector<1x16xf32>,
        %parallel_loop3A_238 = vector.shape_cast %parallel_loop3A_237 : vector<1x16xf32> to vector<16xf32>
        %parallel_loop3A_239 = arith.addf %parallel_loop3A_234, %parallel_loop3A_238 : vector<16xf32>
        %parallel_loop3A_240 = arith.index_cast %parallel_loop3A_135 : i32 to index
        %parallel_loop3A_241 = arith.constant 80 : index
        %parallel_loop3A_242 = tpu.vector_load %arg18[%parallel_loop3A_240, %parallel_loop3A_241] {strides = array<i32>} : memref<128x128xf32, #tpu.memory_space<vmem>>, vector<1x16xf32>,
        %parallel_loop3A_243 = vector.shape_cast %parallel_loop3A_242 : vector<1x16xf32> to vector<16xf32>
        %parallel_loop3A_244 = arith.addf %parallel_loop3A_239, %parallel_loop3A_243 : vector<16xf32>
        %parallel_loop3A_245 = arith.index_cast %parallel_loop3A_135 : i32 to index
        %parallel_loop3A_246 = arith.constant 80 : index
        %parallel_loop3A_247 = tpu.vector_load %arg14[%parallel_loop3A_245, %parallel_loop3A_246] {strides = array<i32>} : memref<128x128xf32, #tpu.memory_space<vmem>>, vector<1x16xf32>,
        %parallel_loop3A_248 = vector.shape_cast %parallel_loop3A_247 : vector<1x16xf32> to vector<16xf32>
        %parallel_loop3A_249 = vector.shape_cast %parallel_loop3A_244 : vector<16xf32> to vector<1x16xf32>
        tpu.vector_store %arg14[%parallel_loop3A_245, %parallel_loop3A_246], %parallel_loop3A_249 {strides = array<i32>} : memref<128x128xf32, #tpu.memory_space<vmem>>, vector<1x16xf32>,
        %parallel_loop3A_250 = arith.index_cast %parallel_loop3A_135 : i32 to index
        %parallel_loop3A_251 = arith.constant 96 : index
        %parallel_loop3A_252 = tpu.vector_load %arg14[%parallel_loop3A_250, %parallel_loop3A_251] {strides = array<i32>} : memref<128x128xf32, #tpu.memory_space<vmem>>, vector<1x16xf32>,
        %parallel_loop3A_253 = vector.shape_cast %parallel_loop3A_252 : vector<1x16xf32> to vector<16xf32>
        %parallel_loop3A_254 = arith.index_cast %parallel_loop3A_135 : i32 to index
        %parallel_loop3A_255 = arith.constant 96 : index
        %parallel_loop3A_256 = tpu.vector_load %arg16[%parallel_loop3A_254, %parallel_loop3A_255] {strides = array<i32>} : memref<128x128xf32, #tpu.memory_space<vmem>>, vector<1x16xf32>,
        %parallel_loop3A_257 = vector.shape_cast %parallel_loop3A_256 : vector<1x16xf32> to vector<16xf32>
        %parallel_loop3A_258 = arith.addf %parallel_loop3A_253, %parallel_loop3A_257 : vector<16xf32>
        %parallel_loop3A_259 = arith.index_cast %parallel_loop3A_135 : i32 to index
        %parallel_loop3A_260 = arith.constant 96 : index
        %parallel_loop3A_261 = tpu.vector_load %arg18[%parallel_loop3A_259, %parallel_loop3A_260] {strides = array<i32>} : memref<128x128xf32, #tpu.memory_space<vmem>>, vector<1x16xf32>,
        %parallel_loop3A_262 = vector.shape_cast %parallel_loop3A_261 : vector<1x16xf32> to vector<16xf32>
        %parallel_loop3A_263 = arith.addf %parallel_loop3A_258, %parallel_loop3A_262 : vector<16xf32>
        %parallel_loop3A_264 = arith.index_cast %parallel_loop3A_135 : i32 to index
        %parallel_loop3A_265 = arith.constant 96 : index
        %parallel_loop3A_266 = tpu.vector_load %arg14[%parallel_loop3A_264, %parallel_loop3A_265] {strides = array<i32>} : memref<128x128xf32, #tpu.memory_space<vmem>>, vector<1x16xf32>,
        %parallel_loop3A_267 = vector.shape_cast %parallel_loop3A_266 : vector<1x16xf32> to vector<16xf32>
        %parallel_loop3A_268 = vector.shape_cast %parallel_loop3A_263 : vector<16xf32> to vector<1x16xf32>
        tpu.vector_store %arg14[%parallel_loop3A_264, %parallel_loop3A_265], %parallel_loop3A_268 {strides = array<i32>} : memref<128x128xf32, #tpu.memory_space<vmem>>, vector<1x16xf32>,
        %parallel_loop3A_269 = arith.index_cast %parallel_loop3A_135 : i32 to index
        %parallel_loop3A_270 = arith.constant 112 : index
        %parallel_loop3A_271 = tpu.vector_load %arg14[%parallel_loop3A_269, %parallel_loop3A_270] {strides = array<i32>} : memref<128x128xf32, #tpu.memory_space<vmem>>, vector<1x16xf32>,
        %parallel_loop3A_272 = vector.shape_cast %parallel_loop3A_271 : vector<1x16xf32> to vector<16xf32>
        %parallel_loop3A_273 = arith.index_cast %parallel_loop3A_135 : i32 to index
        %parallel_loop3A_274 = arith.constant 112 : index
        %parallel_loop3A_275 = tpu.vector_load %arg16[%parallel_loop3A_273, %parallel_loop3A_274] {strides = array<i32>} : memref<128x128xf32, #tpu.memory_space<vmem>>, vector<1x16xf32>,
        %parallel_loop3A_276 = vector.shape_cast %parallel_loop3A_275 : vector<1x16xf32> to vector<16xf32>
        %parallel_loop3A_277 = arith.addf %parallel_loop3A_272, %parallel_loop3A_276 : vector<16xf32>
        %parallel_loop3A_278 = arith.index_cast %parallel_loop3A_135 : i32 to index
        %parallel_loop3A_279 = arith.constant 112 : index
        %parallel_loop3A_280 = tpu.vector_load %arg18[%parallel_loop3A_278, %parallel_loop3A_279] {strides = array<i32>} : memref<128x128xf32, #tpu.memory_space<vmem>>, vector<1x16xf32>,
        %parallel_loop3A_281 = vector.shape_cast %parallel_loop3A_280 : vector<1x16xf32> to vector<16xf32>
        %parallel_loop3A_282 = arith.addf %parallel_loop3A_277, %parallel_loop3A_281 : vector<16xf32>
        %parallel_loop3A_283 = arith.index_cast %parallel_loop3A_135 : i32 to index
        %parallel_loop3A_284 = arith.constant 112 : index
        %parallel_loop3A_285 = tpu.vector_load %arg14[%parallel_loop3A_283, %parallel_loop3A_284] {strides = array<i32>} : memref<128x128xf32, #tpu.memory_space<vmem>>, vector<1x16xf32>,
        %parallel_loop3A_286 = vector.shape_cast %parallel_loop3A_285 : vector<1x16xf32> to vector<16xf32>
        %parallel_loop3A_287 = vector.shape_cast %parallel_loop3A_282 : vector<16xf32> to vector<1x16xf32>
        tpu.vector_store %arg14[%parallel_loop3A_283, %parallel_loop3A_284], %parallel_loop3A_287 {strides = array<i32>} : memref<128x128xf32, #tpu.memory_space<vmem>>, vector<1x16xf32>,
      } {sc.loop_unroll_factor = 4 : i64, sc.parallel_access}
      %mul3A_122 = arith.constant 128 : i32
      %mul3A_123 = arith.muli %add3A_103, %mul3A_122 : i32
      %add3A_124 = arith.addi %select_n3A, %mul3A_123 : i32
      %lt3A_125 = arith.constant 160000 : i32
      %lt3A_126 = arith.cmpi slt, %add3A_124, %lt3A_125 : i32
      %convert_element_type3A_127 = arith.extui %lt3A_126 : i1 to i32
      %cond3A_128 = arith.constant 0 : i32
      %cond3A_129 = arith.cmpi ne, %convert_element_type3A_127, %cond3A_128 : i32
      scf.if %cond3A_129 {
        %dma_start3A_135 = arith.constant 0 : i32
        %dma_start3A_136 = tpu.memref_slice %arg8[%add3A_124, %dma_start3A_135] : memref<160000x128xf32, #tpu.memory_space<hbm>> -> memref<128x128xf32, #tpu.memory_space<hbm>>
        %dma_start3A_137 = arith.constant 0 : i32
        %dma_start3A_138 = tpu.memref_slice %arg8[%add3A_124, %dma_start3A_137] : memref<160000x128xf32, #tpu.memory_space<hbm>> -> memref<128x128xf32, #tpu.memory_space<hbm>>
        tpu.enqueue_dma source(%arg14 : memref<128x128xf32, #tpu.memory_space<vmem>>) target(%dma_start3A_138 : memref<128x128xf32, #tpu.memory_space<hbm>>) target_semaphore(%arg26 : memref<!tpu.dma_semaphore, #tpu.memory_space<semaphore_mem>>)
      } else {
      }
      %ge3A_130 = arith.constant 160000 : i32
      %ge3A_131 = arith.cmpi sge, %add3A_124, %ge3A_130 : i32
      %convert_element_type3A_132 = arith.extui %ge3A_131 : i1 to i32
      %cond3A_133 = arith.constant 0 : i32
      %cond3A_134 = arith.cmpi ne, %convert_element_type3A_132, %cond3A_133 : i32
      scf.if %cond3A_134 {
        %sub3A_135 = arith.constant 160000 : i32
        %sub3A_136 = arith.subi %add3A_124, %sub3A_135 : i32
        %dma_start3A_137 = arith.constant 0 : i32
        %dma_start3A_138 = tpu.memref_slice %arg9[%sub3A_136, %dma_start3A_137] : memref<3840x128xf32, #tpu.memory_space<hbm>> -> memref<128x128xf32, #tpu.memory_space<hbm>>
        %dma_start3A_139 = arith.constant 0 : i32
        %dma_start3A_140 = tpu.memref_slice %arg9[%sub3A_136, %dma_start3A_139] : memref<3840x128xf32, #tpu.memory_space<hbm>> -> memref<128x128xf32, #tpu.memory_space<hbm>>
        tpu.enqueue_dma source(%arg14 : memref<128x128xf32, #tpu.memory_space<vmem>>) target(%dma_start3A_140 : memref<128x128xf32, #tpu.memory_space<hbm>>) target_semaphore(%arg26 : memref<!tpu.dma_semaphore, #tpu.memory_space<semaphore_mem>>)
      } else {
      }
    }
    %while3A_34 = arith.constant 1 : i32
    scf.for %while3A_40 = %while3A_32 to %while3A_28 step %while3A_34  : i32 {
      %mul3A_41 = arith.constant 2 : i32
      %mul3A_42 = arith.muli %mul3A_41, %while3A_40 : i32
      %gt3A = arith.constant 0 : i32
      %gt3A_43 = arith.cmpi sgt, %while3A_40, %gt3A : i32
      %convert_element_type3A_44 = arith.extui %gt3A_43 : i1 to i32
      %cond3A_45 = arith.constant 0 : i32
      %cond3A_46 = arith.cmpi ne, %convert_element_type3A_44, %cond3A_45 : i32
      scf.if %cond3A_46 {
        %dma_wait3A_135 = arith.constant 0 : i32
        %dma_wait3A_136 = arith.constant 0 : i32
        %dma_wait3A_137 = tpu.memref_slice %arg8[%dma_wait3A_135, %dma_wait3A_136] : memref<160000x128xf32, #tpu.memory_space<hbm>> -> memref<128x128xf32, #tpu.memory_space<hbm>>
        %dma_wait3A_138 = arith.constant 0 : i32
        %dma_wait3A_139 = arith.constant 0 : i32
        %dma_wait3A_140 = tpu.memref_slice %arg8[%dma_wait3A_138, %dma_wait3A_139] : memref<160000x128xf32, #tpu.memory_space<hbm>> -> memref<128x128xf32, #tpu.memory_space<hbm>>
        tpu.wait_dma2 semaphore(%arg26 : memref<!tpu.dma_semaphore, #tpu.memory_space<semaphore_mem>>) src(%arg14 : memref<128x128xf32, #tpu.memory_space<vmem>>) dst(%dma_wait3A_140 : memref<128x128xf32, #tpu.memory_space<hbm>>)
      } else {
      }
      %add3A_47 = arith.constant 1 : i32
      %add3A_48 = arith.addi %mul3A_42, %add3A_47 : i32
      %mul3A_49 = arith.constant 128 : i32
      %mul3A_50 = arith.muli %add3A_48, %mul3A_49 : i32
      %dma_start3A_51 = tpu.memref_slice %arg10[%mul3A_50] : memref<5120xi32, #tpu.memory_space<vmem>> -> memref<128xi32, #tpu.memory_space<vmem>>
      %dma_start3A_52 = arith.constant 0 : i32
      %dma_start3A_53 = arith.constant 0 : i32
      %dma_start3A_54 = tpu.memref_slice %arg2[%dma_start3A_52, %dma_start3A_53] : memref<10240x128xf32, #tpu.memory_space<hbm>> -> memref<10240x128xf32, #tpu.memory_space<hbm>>
      tpu.enqueue_indirect_dma source(%dma_start3A_54 : memref<10240x128xf32, #tpu.memory_space<hbm>>) target(%arg14 : memref<128x128xf32, #tpu.memory_space<vmem>>) offsets(%dma_start3A_51 : memref<128xi32, #tpu.memory_space<vmem>>) semaphore(%arg20 : memref<!tpu.dma_semaphore, #tpu.memory_space<semaphore_mem>>)
      %dma_start3A_55 = tpu.memref_slice %arg12[%mul3A_50] : memref<5120xi32, #tpu.memory_space<vmem>> -> memref<128xi32, #tpu.memory_space<vmem>>
      %dma_start3A_56 = arith.constant 0 : i32
      %dma_start3A_57 = arith.constant 0 : i32
      %dma_start3A_58 = tpu.memref_slice %arg4[%dma_start3A_56, %dma_start3A_57] : memref<8000x128xf32, #tpu.memory_space<hbm>> -> memref<8000x128xf32, #tpu.memory_space<hbm>>
      tpu.enqueue_indirect_dma source(%dma_start3A_58 : memref<8000x128xf32, #tpu.memory_space<hbm>>) target(%arg16 : memref<128x128xf32, #tpu.memory_space<vmem>>) offsets(%dma_start3A_55 : memref<128xi32, #tpu.memory_space<vmem>>) semaphore(%arg22 : memref<!tpu.dma_semaphore, #tpu.memory_space<semaphore_mem>>)
      %dma_start3A_59 = tpu.memref_slice %arg11[%mul3A_50] : memref<5120xi32, #tpu.memory_space<vmem>> -> memref<128xi32, #tpu.memory_space<vmem>>
      %dma_start3A_60 = arith.constant 0 : i32
      %dma_start3A_61 = arith.constant 0 : i32
      %dma_start3A_62 = tpu.memref_slice %arg3[%dma_start3A_60, %dma_start3A_61] : memref<10240x128xf32, #tpu.memory_space<hbm>> -> memref<10240x128xf32, #tpu.memory_space<hbm>>
      tpu.enqueue_indirect_dma source(%dma_start3A_62 : memref<10240x128xf32, #tpu.memory_space<hbm>>) target(%arg18 : memref<128x128xf32, #tpu.memory_space<vmem>>) offsets(%dma_start3A_59 : memref<128xi32, #tpu.memory_space<vmem>>) semaphore(%arg24 : memref<!tpu.dma_semaphore, #tpu.memory_space<semaphore_mem>>)
      %dma_wait3A_63 = arith.constant 0 : i32
      %dma_wait3A_64 = tpu.memref_slice %arg10[%dma_wait3A_63] : memref<5120xi32, #tpu.memory_space<vmem>> -> memref<128xi32, #tpu.memory_space<vmem>>
      %dma_wait3A_65 = arith.constant 0 : i32
      %dma_wait3A_66 = arith.constant 0 : i32
      %dma_wait3A_67 = tpu.memref_slice %arg2[%dma_wait3A_65, %dma_wait3A_66] : memref<10240x128xf32, #tpu.memory_space<hbm>> -> memref<10240x128xf32, #tpu.memory_space<hbm>>
      tpu.wait_indirect_dma semaphore(%arg19 : memref<!tpu.dma_semaphore, #tpu.memory_space<semaphore_mem>>) src(%dma_wait3A_67 : memref<10240x128xf32, #tpu.memory_space<hbm>>) dst(%arg13 : memref<128x128xf32, #tpu.memory_space<vmem>>)
      %dma_wait3A_68 = arith.constant 0 : i32
      %dma_wait3A_69 = tpu.memref_slice %arg12[%dma_wait3A_68] : memref<5120xi32, #tpu.memory_space<vmem>> -> memref<128xi32, #tpu.memory_space<vmem>>
      %dma_wait3A_70 = arith.constant 0 : i32
      %dma_wait3A_71 = arith.constant 0 : i32
      %dma_wait3A_72 = tpu.memref_slice %arg4[%dma_wait3A_70, %dma_wait3A_71] : memref<8000x128xf32, #tpu.memory_space<hbm>> -> memref<8000x128xf32, #tpu.memory_space<hbm>>
      tpu.wait_indirect_dma semaphore(%arg21 : memref<!tpu.dma_semaphore, #tpu.memory_space<semaphore_mem>>) src(%dma_wait3A_72 : memref<8000x128xf32, #tpu.memory_space<hbm>>) dst(%arg15 : memref<128x128xf32, #tpu.memory_space<vmem>>)
      %dma_wait3A_73 = arith.constant 0 : i32
      %dma_wait3A_74 = tpu.memref_slice %arg11[%dma_wait3A_73] : memref<5120xi32, #tpu.memory_space<vmem>> -> memref<128xi32, #tpu.memory_space<vmem>>
      %dma_wait3A_75 = arith.constant 0 : i32
      %dma_wait3A_76 = arith.constant 0 : i32
      %dma_wait3A_77 = tpu.memref_slice %arg3[%dma_wait3A_75, %dma_wait3A_76] : memref<10240x128xf32, #tpu.memory_space<hbm>> -> memref<10240x128xf32, #tpu.memory_space<hbm>>
      tpu.wait_indirect_dma semaphore(%arg23 : memref<!tpu.dma_semaphore, #tpu.memory_space<semaphore_mem>>) src(%dma_wait3A_77 : memref<10240x128xf32, #tpu.memory_space<hbm>>) dst(%arg17 : memref<128x128xf32, #tpu.memory_space<vmem>>)
      %parallel_loop3A = arith.constant 0 : i32
      %parallel_loop3A_78 = arith.constant 128 : i32
      %parallel_loop3A_79 = arith.constant 1 : i32
      scf.for %parallel_loop3A_135 = %parallel_loop3A to %parallel_loop3A_78 step %parallel_loop3A_79  : i32 {
        %parallel_loop3A_136 = arith.index_cast %parallel_loop3A_135 : i32 to index
        %parallel_loop3A_137 = arith.constant 0 : index
        %parallel_loop3A_138 = tpu.vector_load %arg13[%parallel_loop3A_136, %parallel_loop3A_137] {strides = array<i32>} : memref<128x128xf32, #tpu.memory_space<vmem>>, vector<1x16xf32>,
        %parallel_loop3A_139 = vector.shape_cast %parallel_loop3A_138 : vector<1x16xf32> to vector<16xf32>
        %parallel_loop3A_140 = arith.index_cast %parallel_loop3A_135 : i32 to index
        %parallel_loop3A_141 = arith.constant 0 : index
        %parallel_loop3A_142 = tpu.vector_load %arg15[%parallel_loop3A_140, %parallel_loop3A_141] {strides = array<i32>} : memref<128x128xf32, #tpu.memory_space<vmem>>, vector<1x16xf32>,
        %parallel_loop3A_143 = vector.shape_cast %parallel_loop3A_142 : vector<1x16xf32> to vector<16xf32>
        %parallel_loop3A_144 = arith.addf %parallel_loop3A_139, %parallel_loop3A_143 : vector<16xf32>
        %parallel_loop3A_145 = arith.index_cast %parallel_loop3A_135 : i32 to index
        %parallel_loop3A_146 = arith.constant 0 : index
        %parallel_loop3A_147 = tpu.vector_load %arg17[%parallel_loop3A_145, %parallel_loop3A_146] {strides = array<i32>} : memref<128x128xf32, #tpu.memory_space<vmem>>, vector<1x16xf32>,
        %parallel_loop3A_148 = vector.shape_cast %parallel_loop3A_147 : vector<1x16xf32> to vector<16xf32>
        %parallel_loop3A_149 = arith.addf %parallel_loop3A_144, %parallel_loop3A_148 : vector<16xf32>
        %parallel_loop3A_150 = arith.index_cast %parallel_loop3A_135 : i32 to index
        %parallel_loop3A_151 = arith.constant 0 : index
        %parallel_loop3A_152 = tpu.vector_load %arg13[%parallel_loop3A_150, %parallel_loop3A_151] {strides = array<i32>} : memref<128x128xf32, #tpu.memory_space<vmem>>, vector<1x16xf32>,
        %parallel_loop3A_153 = vector.shape_cast %parallel_loop3A_152 : vector<1x16xf32> to vector<16xf32>
        %parallel_loop3A_154 = vector.shape_cast %parallel_loop3A_149 : vector<16xf32> to vector<1x16xf32>
        tpu.vector_store %arg13[%parallel_loop3A_150, %parallel_loop3A_151], %parallel_loop3A_154 {strides = array<i32>} : memref<128x128xf32, #tpu.memory_space<vmem>>, vector<1x16xf32>,
        %parallel_loop3A_155 = arith.index_cast %parallel_loop3A_135 : i32 to index
        %parallel_loop3A_156 = arith.constant 16 : index
        %parallel_loop3A_157 = tpu.vector_load %arg13[%parallel_loop3A_155, %parallel_loop3A_156] {strides = array<i32>} : memref<128x128xf32, #tpu.memory_space<vmem>>, vector<1x16xf32>,
        %parallel_loop3A_158 = vector.shape_cast %parallel_loop3A_157 : vector<1x16xf32> to vector<16xf32>
        %parallel_loop3A_159 = arith.index_cast %parallel_loop3A_135 : i32 to index
        %parallel_loop3A_160 = arith.constant 16 : index
        %parallel_loop3A_161 = tpu.vector_load %arg15[%parallel_loop3A_159, %parallel_loop3A_160] {strides = array<i32>} : memref<128x128xf32, #tpu.memory_space<vmem>>, vector<1x16xf32>,
        %parallel_loop3A_162 = vector.shape_cast %parallel_loop3A_161 : vector<1x16xf32> to vector<16xf32>
        %parallel_loop3A_163 = arith.addf %parallel_loop3A_158, %parallel_loop3A_162 : vector<16xf32>
        %parallel_loop3A_164 = arith.index_cast %parallel_loop3A_135 : i32 to index
        %parallel_loop3A_165 = arith.constant 16 : index
        %parallel_loop3A_166 = tpu.vector_load %arg17[%parallel_loop3A_164, %parallel_loop3A_165] {strides = array<i32>} : memref<128x128xf32, #tpu.memory_space<vmem>>, vector<1x16xf32>,
        %parallel_loop3A_167 = vector.shape_cast %parallel_loop3A_166 : vector<1x16xf32> to vector<16xf32>
        %parallel_loop3A_168 = arith.addf %parallel_loop3A_163, %parallel_loop3A_167 : vector<16xf32>
        %parallel_loop3A_169 = arith.index_cast %parallel_loop3A_135 : i32 to index
        %parallel_loop3A_170 = arith.constant 16 : index
        %parallel_loop3A_171 = tpu.vector_load %arg13[%parallel_loop3A_169, %parallel_loop3A_170] {strides = array<i32>} : memref<128x128xf32, #tpu.memory_space<vmem>>, vector<1x16xf32>,
        %parallel_loop3A_172 = vector.shape_cast %parallel_loop3A_171 : vector<1x16xf32> to vector<16xf32>
        %parallel_loop3A_173 = vector.shape_cast %parallel_loop3A_168 : vector<16xf32> to vector<1x16xf32>
        tpu.vector_store %arg13[%parallel_loop3A_169, %parallel_loop3A_170], %parallel_loop3A_173 {strides = array<i32>} : memref<128x128xf32, #tpu.memory_space<vmem>>, vector<1x16xf32>,
        %parallel_loop3A_174 = arith.index_cast %parallel_loop3A_135 : i32 to index
        %parallel_loop3A_175 = arith.constant 32 : index
        %parallel_loop3A_176 = tpu.vector_load %arg13[%parallel_loop3A_174, %parallel_loop3A_175] {strides = array<i32>} : memref<128x128xf32, #tpu.memory_space<vmem>>, vector<1x16xf32>,
        %parallel_loop3A_177 = vector.shape_cast %parallel_loop3A_176 : vector<1x16xf32> to vector<16xf32>
        %parallel_loop3A_178 = arith.index_cast %parallel_loop3A_135 : i32 to index
        %parallel_loop3A_179 = arith.constant 32 : index
        %parallel_loop3A_180 = tpu.vector_load %arg15[%parallel_loop3A_178, %parallel_loop3A_179] {strides = array<i32>} : memref<128x128xf32, #tpu.memory_space<vmem>>, vector<1x16xf32>,
        %parallel_loop3A_181 = vector.shape_cast %parallel_loop3A_180 : vector<1x16xf32> to vector<16xf32>
        %parallel_loop3A_182 = arith.addf %parallel_loop3A_177, %parallel_loop3A_181 : vector<16xf32>
        %parallel_loop3A_183 = arith.index_cast %parallel_loop3A_135 : i32 to index
        %parallel_loop3A_184 = arith.constant 32 : index
        %parallel_loop3A_185 = tpu.vector_load %arg17[%parallel_loop3A_183, %parallel_loop3A_184] {strides = array<i32>} : memref<128x128xf32, #tpu.memory_space<vmem>>, vector<1x16xf32>,
        %parallel_loop3A_186 = vector.shape_cast %parallel_loop3A_185 : vector<1x16xf32> to vector<16xf32>
        %parallel_loop3A_187 = arith.addf %parallel_loop3A_182, %parallel_loop3A_186 : vector<16xf32>
        %parallel_loop3A_188 = arith.index_cast %parallel_loop3A_135 : i32 to index
        %parallel_loop3A_189 = arith.constant 32 : index
        %parallel_loop3A_190 = tpu.vector_load %arg13[%parallel_loop3A_188, %parallel_loop3A_189] {strides = array<i32>} : memref<128x128xf32, #tpu.memory_space<vmem>>, vector<1x16xf32>,
        %parallel_loop3A_191 = vector.shape_cast %parallel_loop3A_190 : vector<1x16xf32> to vector<16xf32>
        %parallel_loop3A_192 = vector.shape_cast %parallel_loop3A_187 : vector<16xf32> to vector<1x16xf32>
        tpu.vector_store %arg13[%parallel_loop3A_188, %parallel_loop3A_189], %parallel_loop3A_192 {strides = array<i32>} : memref<128x128xf32, #tpu.memory_space<vmem>>, vector<1x16xf32>,
        %parallel_loop3A_193 = arith.index_cast %parallel_loop3A_135 : i32 to index
        %parallel_loop3A_194 = arith.constant 48 : index
        %parallel_loop3A_195 = tpu.vector_load %arg13[%parallel_loop3A_193, %parallel_loop3A_194] {strides = array<i32>} : memref<128x128xf32, #tpu.memory_space<vmem>>, vector<1x16xf32>,
        %parallel_loop3A_196 = vector.shape_cast %parallel_loop3A_195 : vector<1x16xf32> to vector<16xf32>
        %parallel_loop3A_197 = arith.index_cast %parallel_loop3A_135 : i32 to index
        %parallel_loop3A_198 = arith.constant 48 : index
        %parallel_loop3A_199 = tpu.vector_load %arg15[%parallel_loop3A_197, %parallel_loop3A_198] {strides = array<i32>} : memref<128x128xf32, #tpu.memory_space<vmem>>, vector<1x16xf32>,
        %parallel_loop3A_200 = vector.shape_cast %parallel_loop3A_199 : vector<1x16xf32> to vector<16xf32>
        %parallel_loop3A_201 = arith.addf %parallel_loop3A_196, %parallel_loop3A_200 : vector<16xf32>
        %parallel_loop3A_202 = arith.index_cast %parallel_loop3A_135 : i32 to index
        %parallel_loop3A_203 = arith.constant 48 : index
        %parallel_loop3A_204 = tpu.vector_load %arg17[%parallel_loop3A_202, %parallel_loop3A_203] {strides = array<i32>} : memref<128x128xf32, #tpu.memory_space<vmem>>, vector<1x16xf32>,
        %parallel_loop3A_205 = vector.shape_cast %parallel_loop3A_204 : vector<1x16xf32> to vector<16xf32>
        %parallel_loop3A_206 = arith.addf %parallel_loop3A_201, %parallel_loop3A_205 : vector<16xf32>
        %parallel_loop3A_207 = arith.index_cast %parallel_loop3A_135 : i32 to index
        %parallel_loop3A_208 = arith.constant 48 : index
        %parallel_loop3A_209 = tpu.vector_load %arg13[%parallel_loop3A_207, %parallel_loop3A_208] {strides = array<i32>} : memref<128x128xf32, #tpu.memory_space<vmem>>, vector<1x16xf32>,
        %parallel_loop3A_210 = vector.shape_cast %parallel_loop3A_209 : vector<1x16xf32> to vector<16xf32>
        %parallel_loop3A_211 = vector.shape_cast %parallel_loop3A_206 : vector<16xf32> to vector<1x16xf32>
        tpu.vector_store %arg13[%parallel_loop3A_207, %parallel_loop3A_208], %parallel_loop3A_211 {strides = array<i32>} : memref<128x128xf32, #tpu.memory_space<vmem>>, vector<1x16xf32>,
        %parallel_loop3A_212 = arith.index_cast %parallel_loop3A_135 : i32 to index
        %parallel_loop3A_213 = arith.constant 64 : index
        %parallel_loop3A_214 = tpu.vector_load %arg13[%parallel_loop3A_212, %parallel_loop3A_213] {strides = array<i32>} : memref<128x128xf32, #tpu.memory_space<vmem>>, vector<1x16xf32>,
        %parallel_loop3A_215 = vector.shape_cast %parallel_loop3A_214 : vector<1x16xf32> to vector<16xf32>
        %parallel_loop3A_216 = arith.index_cast %parallel_loop3A_135 : i32 to index
        %parallel_loop3A_217 = arith.constant 64 : index
        %parallel_loop3A_218 = tpu.vector_load %arg15[%parallel_loop3A_216, %parallel_loop3A_217] {strides = array<i32>} : memref<128x128xf32, #tpu.memory_space<vmem>>, vector<1x16xf32>,
        %parallel_loop3A_219 = vector.shape_cast %parallel_loop3A_218 : vector<1x16xf32> to vector<16xf32>
        %parallel_loop3A_220 = arith.addf %parallel_loop3A_215, %parallel_loop3A_219 : vector<16xf32>
        %parallel_loop3A_221 = arith.index_cast %parallel_loop3A_135 : i32 to index
        %parallel_loop3A_222 = arith.constant 64 : index
        %parallel_loop3A_223 = tpu.vector_load %arg17[%parallel_loop3A_221, %parallel_loop3A_222] {strides = array<i32>} : memref<128x128xf32, #tpu.memory_space<vmem>>, vector<1x16xf32>,
        %parallel_loop3A_224 = vector.shape_cast %parallel_loop3A_223 : vector<1x16xf32> to vector<16xf32>
        %parallel_loop3A_225 = arith.addf %parallel_loop3A_220, %parallel_loop3A_224 : vector<16xf32>
        %parallel_loop3A_226 = arith.index_cast %parallel_loop3A_135 : i32 to index
        %parallel_loop3A_227 = arith.constant 64 : index
        %parallel_loop3A_228 = tpu.vector_load %arg13[%parallel_loop3A_226, %parallel_loop3A_227] {strides = array<i32>} : memref<128x128xf32, #tpu.memory_space<vmem>>, vector<1x16xf32>,
        %parallel_loop3A_229 = vector.shape_cast %parallel_loop3A_228 : vector<1x16xf32> to vector<16xf32>
        %parallel_loop3A_230 = vector.shape_cast %parallel_loop3A_225 : vector<16xf32> to vector<1x16xf32>
        tpu.vector_store %arg13[%parallel_loop3A_226, %parallel_loop3A_227], %parallel_loop3A_230 {strides = array<i32>} : memref<128x128xf32, #tpu.memory_space<vmem>>, vector<1x16xf32>,
        %parallel_loop3A_231 = arith.index_cast %parallel_loop3A_135 : i32 to index
        %parallel_loop3A_232 = arith.constant 80 : index
        %parallel_loop3A_233 = tpu.vector_load %arg13[%parallel_loop3A_231, %parallel_loop3A_232] {strides = array<i32>} : memref<128x128xf32, #tpu.memory_space<vmem>>, vector<1x16xf32>,
        %parallel_loop3A_234 = vector.shape_cast %parallel_loop3A_233 : vector<1x16xf32> to vector<16xf32>
        %parallel_loop3A_235 = arith.index_cast %parallel_loop3A_135 : i32 to index
        %parallel_loop3A_236 = arith.constant 80 : index
        %parallel_loop3A_237 = tpu.vector_load %arg15[%parallel_loop3A_235, %parallel_loop3A_236] {strides = array<i32>} : memref<128x128xf32, #tpu.memory_space<vmem>>, vector<1x16xf32>,
        %parallel_loop3A_238 = vector.shape_cast %parallel_loop3A_237 : vector<1x16xf32> to vector<16xf32>
        %parallel_loop3A_239 = arith.addf %parallel_loop3A_234, %parallel_loop3A_238 : vector<16xf32>
        %parallel_loop3A_240 = arith.index_cast %parallel_loop3A_135 : i32 to index
        %parallel_loop3A_241 = arith.constant 80 : index
        %parallel_loop3A_242 = tpu.vector_load %arg17[%parallel_loop3A_240, %parallel_loop3A_241] {strides = array<i32>} : memref<128x128xf32, #tpu.memory_space<vmem>>, vector<1x16xf32>,
        %parallel_loop3A_243 = vector.shape_cast %parallel_loop3A_242 : vector<1x16xf32> to vector<16xf32>
        %parallel_loop3A_244 = arith.addf %parallel_loop3A_239, %parallel_loop3A_243 : vector<16xf32>
        %parallel_loop3A_245 = arith.index_cast %parallel_loop3A_135 : i32 to index
        %parallel_loop3A_246 = arith.constant 80 : index
        %parallel_loop3A_247 = tpu.vector_load %arg13[%parallel_loop3A_245, %parallel_loop3A_246] {strides = array<i32>} : memref<128x128xf32, #tpu.memory_space<vmem>>, vector<1x16xf32>,
        %parallel_loop3A_248 = vector.shape_cast %parallel_loop3A_247 : vector<1x16xf32> to vector<16xf32>
        %parallel_loop3A_249 = vector.shape_cast %parallel_loop3A_244 : vector<16xf32> to vector<1x16xf32>
        tpu.vector_store %arg13[%parallel_loop3A_245, %parallel_loop3A_246], %parallel_loop3A_249 {strides = array<i32>} : memref<128x128xf32, #tpu.memory_space<vmem>>, vector<1x16xf32>,
        %parallel_loop3A_250 = arith.index_cast %parallel_loop3A_135 : i32 to index
        %parallel_loop3A_251 = arith.constant 96 : index
        %parallel_loop3A_252 = tpu.vector_load %arg13[%parallel_loop3A_250, %parallel_loop3A_251] {strides = array<i32>} : memref<128x128xf32, #tpu.memory_space<vmem>>, vector<1x16xf32>,
        %parallel_loop3A_253 = vector.shape_cast %parallel_loop3A_252 : vector<1x16xf32> to vector<16xf32>
        %parallel_loop3A_254 = arith.index_cast %parallel_loop3A_135 : i32 to index
        %parallel_loop3A_255 = arith.constant 96 : index
        %parallel_loop3A_256 = tpu.vector_load %arg15[%parallel_loop3A_254, %parallel_loop3A_255] {strides = array<i32>} : memref<128x128xf32, #tpu.memory_space<vmem>>, vector<1x16xf32>,
        %parallel_loop3A_257 = vector.shape_cast %parallel_loop3A_256 : vector<1x16xf32> to vector<16xf32>
        %parallel_loop3A_258 = arith.addf %parallel_loop3A_253, %parallel_loop3A_257 : vector<16xf32>
        %parallel_loop3A_259 = arith.index_cast %parallel_loop3A_135 : i32 to index
        %parallel_loop3A_260 = arith.constant 96 : index
        %parallel_loop3A_261 = tpu.vector_load %arg17[%parallel_loop3A_259, %parallel_loop3A_260] {strides = array<i32>} : memref<128x128xf32, #tpu.memory_space<vmem>>, vector<1x16xf32>,
        %parallel_loop3A_262 = vector.shape_cast %parallel_loop3A_261 : vector<1x16xf32> to vector<16xf32>
        %parallel_loop3A_263 = arith.addf %parallel_loop3A_258, %parallel_loop3A_262 : vector<16xf32>
        %parallel_loop3A_264 = arith.index_cast %parallel_loop3A_135 : i32 to index
        %parallel_loop3A_265 = arith.constant 96 : index
        %parallel_loop3A_266 = tpu.vector_load %arg13[%parallel_loop3A_264, %parallel_loop3A_265] {strides = array<i32>} : memref<128x128xf32, #tpu.memory_space<vmem>>, vector<1x16xf32>,
        %parallel_loop3A_267 = vector.shape_cast %parallel_loop3A_266 : vector<1x16xf32> to vector<16xf32>
        %parallel_loop3A_268 = vector.shape_cast %parallel_loop3A_263 : vector<16xf32> to vector<1x16xf32>
        tpu.vector_store %arg13[%parallel_loop3A_264, %parallel_loop3A_265], %parallel_loop3A_268 {strides = array<i32>} : memref<128x128xf32, #tpu.memory_space<vmem>>, vector<1x16xf32>,
        %parallel_loop3A_269 = arith.index_cast %parallel_loop3A_135 : i32 to index
        %parallel_loop3A_270 = arith.constant 112 : index
        %parallel_loop3A_271 = tpu.vector_load %arg13[%parallel_loop3A_269, %parallel_loop3A_270] {strides = array<i32>} : memref<128x128xf32, #tpu.memory_space<vmem>>, vector<1x16xf32>,
        %parallel_loop3A_272 = vector.shape_cast %parallel_loop3A_271 : vector<1x16xf32> to vector<16xf32>
        %parallel_loop3A_273 = arith.index_cast %parallel_loop3A_135 : i32 to index
        %parallel_loop3A_274 = arith.constant 112 : index
        %parallel_loop3A_275 = tpu.vector_load %arg15[%parallel_loop3A_273, %parallel_loop3A_274] {strides = array<i32>} : memref<128x128xf32, #tpu.memory_space<vmem>>, vector<1x16xf32>,
        %parallel_loop3A_276 = vector.shape_cast %parallel_loop3A_275 : vector<1x16xf32> to vector<16xf32>
        %parallel_loop3A_277 = arith.addf %parallel_loop3A_272, %parallel_loop3A_276 : vector<16xf32>
        %parallel_loop3A_278 = arith.index_cast %parallel_loop3A_135 : i32 to index
        %parallel_loop3A_279 = arith.constant 112 : index
        %parallel_loop3A_280 = tpu.vector_load %arg17[%parallel_loop3A_278, %parallel_loop3A_279] {strides = array<i32>} : memref<128x128xf32, #tpu.memory_space<vmem>>, vector<1x16xf32>,
        %parallel_loop3A_281 = vector.shape_cast %parallel_loop3A_280 : vector<1x16xf32> to vector<16xf32>
        %parallel_loop3A_282 = arith.addf %parallel_loop3A_277, %parallel_loop3A_281 : vector<16xf32>
        %parallel_loop3A_283 = arith.index_cast %parallel_loop3A_135 : i32 to index
        %parallel_loop3A_284 = arith.constant 112 : index
        %parallel_loop3A_285 = tpu.vector_load %arg13[%parallel_loop3A_283, %parallel_loop3A_284] {strides = array<i32>} : memref<128x128xf32, #tpu.memory_space<vmem>>, vector<1x16xf32>,
        %parallel_loop3A_286 = vector.shape_cast %parallel_loop3A_285 : vector<1x16xf32> to vector<16xf32>
        %parallel_loop3A_287 = vector.shape_cast %parallel_loop3A_282 : vector<16xf32> to vector<1x16xf32>
        tpu.vector_store %arg13[%parallel_loop3A_283, %parallel_loop3A_284], %parallel_loop3A_287 {strides = array<i32>} : memref<128x128xf32, #tpu.memory_space<vmem>>, vector<1x16xf32>,
      } {sc.loop_unroll_factor = 4 : i64, sc.parallel_access}
      %mul3A_80 = arith.constant 128 : i32
      %mul3A_81 = arith.muli %mul3A_42, %mul3A_80 : i32
      %add3A_82 = arith.addi %select_n3A, %mul3A_81 : i32
      %lt3A = arith.constant 160000 : i32
      %lt3A_83 = arith.cmpi slt, %add3A_82, %lt3A : i32
      %convert_element_type3A_84 = arith.extui %lt3A_83 : i1 to i32
      %cond3A_85 = arith.constant 0 : i32
      %cond3A_86 = arith.cmpi ne, %convert_element_type3A_84, %cond3A_85 : i32
      scf.if %cond3A_86 {
        %dma_start3A_135 = arith.constant 0 : i32
        %dma_start3A_136 = tpu.memref_slice %arg8[%add3A_82, %dma_start3A_135] : memref<160000x128xf32, #tpu.memory_space<hbm>> -> memref<128x128xf32, #tpu.memory_space<hbm>>
        %dma_start3A_137 = arith.constant 0 : i32
        %dma_start3A_138 = tpu.memref_slice %arg8[%add3A_82, %dma_start3A_137] : memref<160000x128xf32, #tpu.memory_space<hbm>> -> memref<128x128xf32, #tpu.memory_space<hbm>>
        tpu.enqueue_dma source(%arg13 : memref<128x128xf32, #tpu.memory_space<vmem>>) target(%dma_start3A_138 : memref<128x128xf32, #tpu.memory_space<hbm>>) target_semaphore(%arg25 : memref<!tpu.dma_semaphore, #tpu.memory_space<semaphore_mem>>)
      } else {
      }
      %ge3A = arith.constant 160000 : i32
      %ge3A_87 = arith.cmpi sge, %add3A_82, %ge3A : i32
      %convert_element_type3A_88 = arith.extui %ge3A_87 : i1 to i32
      %cond3A_89 = arith.constant 0 : i32
      %cond3A_90 = arith.cmpi ne, %convert_element_type3A_88, %cond3A_89 : i32
      scf.if %cond3A_90 {
        %sub3A_135 = arith.constant 160000 : i32
        %sub3A_136 = arith.subi %add3A_82, %sub3A_135 : i32
        %dma_start3A_137 = arith.constant 0 : i32
        %dma_start3A_138 = tpu.memref_slice %arg9[%sub3A_136, %dma_start3A_137] : memref<3840x128xf32, #tpu.memory_space<hbm>> -> memref<128x128xf32, #tpu.memory_space<hbm>>
        %dma_start3A_139 = arith.constant 0 : i32
        %dma_start3A_140 = tpu.memref_slice %arg9[%sub3A_136, %dma_start3A_139] : memref<3840x128xf32, #tpu.memory_space<hbm>> -> memref<128x128xf32, #tpu.memory_space<hbm>>
        tpu.enqueue_dma source(%arg13 : memref<128x128xf32, #tpu.memory_space<vmem>>) target(%dma_start3A_140 : memref<128x128xf32, #tpu.memory_space<hbm>>) target_semaphore(%arg25 : memref<!tpu.dma_semaphore, #tpu.memory_space<semaphore_mem>>)
      } else {
      }
      %dma_wait3A_91 = arith.constant 0 : i32
      %dma_wait3A_92 = arith.constant 0 : i32
      %dma_wait3A_93 = tpu.memref_slice %arg8[%dma_wait3A_91, %dma_wait3A_92] : memref<160000x128xf32, #tpu.memory_space<hbm>> -> memref<128x128xf32, #tpu.memory_space<hbm>>
      %dma_wait3A_94 = arith.constant 0 : i32
      %dma_wait3A_95 = arith.constant 0 : i32
      %dma_wait3A_96 = tpu.memref_slice %arg8[%dma_wait3A_94, %dma_wait3A_95] : memref<160000x128xf32, #tpu.memory_space<hbm>> -> memref<128x128xf32, #tpu.memory_space<hbm>>
      tpu.wait_dma2 semaphore(%arg25 : memref<!tpu.dma_semaphore, #tpu.memory_space<semaphore_mem>>) src(%arg13 : memref<128x128xf32, #tpu.memory_space<vmem>>) dst(%dma_wait3A_96 : memref<128x128xf32, #tpu.memory_space<hbm>>)
      %sub3A = arith.constant 1 : i32
      %sub3A_97 = arith.subi %select_n3A_6, %sub3A : i32
      %lt3A_98 = arith.cmpi slt, %while3A_40, %sub3A_97 : i32
      %convert_element_type3A_99 = arith.extui %lt3A_98 : i1 to i32
      %cond3A_100 = arith.constant 0 : i32
      %cond3A_101 = arith.cmpi ne, %convert_element_type3A_99, %cond3A_100 : i32
      scf.if %cond3A_101 {
        %add3A_135 = arith.constant 2 : i32
        %add3A_136 = arith.addi %mul3A_42, %add3A_135 : i32
        %mul3A_137 = arith.constant 128 : i32
        %mul3A_138 = arith.muli %add3A_136, %mul3A_137 : i32
        %dma_start3A_139 = tpu.memref_slice %arg10[%mul3A_138] : memref<5120xi32, #tpu.memory_space<vmem>> -> memref<128xi32, #tpu.memory_space<vmem>>
        %dma_start3A_140 = arith.constant 0 : i32
        %dma_start3A_141 = arith.constant 0 : i32
        %dma_start3A_142 = tpu.memref_slice %arg2[%dma_start3A_140, %dma_start3A_141] : memref<10240x128xf32, #tpu.memory_space<hbm>> -> memref<10240x128xf32, #tpu.memory_space<hbm>>
        tpu.enqueue_indirect_dma source(%dma_start3A_142 : memref<10240x128xf32, #tpu.memory_space<hbm>>) target(%arg13 : memref<128x128xf32, #tpu.memory_space<vmem>>) offsets(%dma_start3A_139 : memref<128xi32, #tpu.memory_space<vmem>>) semaphore(%arg19 : memref<!tpu.dma_semaphore, #tpu.memory_space<semaphore_mem>>)
        %dma_start3A_143 = tpu.memref_slice %arg12[%mul3A_138] : memref<5120xi32, #tpu.memory_space<vmem>> -> memref<128xi32, #tpu.memory_space<vmem>>
        %dma_start3A_144 = arith.constant 0 : i32
        %dma_start3A_145 = arith.constant 0 : i32
        %dma_start3A_146 = tpu.memref_slice %arg4[%dma_start3A_144, %dma_start3A_145] : memref<8000x128xf32, #tpu.memory_space<hbm>> -> memref<8000x128xf32, #tpu.memory_space<hbm>>
        tpu.enqueue_indirect_dma source(%dma_start3A_146 : memref<8000x128xf32, #tpu.memory_space<hbm>>) target(%arg15 : memref<128x128xf32, #tpu.memory_space<vmem>>) offsets(%dma_start3A_143 : memref<128xi32, #tpu.memory_space<vmem>>) semaphore(%arg21 : memref<!tpu.dma_semaphore, #tpu.memory_space<semaphore_mem>>)
        %dma_start3A_147 = tpu.memref_slice %arg11[%mul3A_138] : memref<5120xi32, #tpu.memory_space<vmem>> -> memref<128xi32, #tpu.memory_space<vmem>>
        %dma_start3A_148 = arith.constant 0 : i32
        %dma_start3A_149 = arith.constant 0 : i32
        %dma_start3A_150 = tpu.memref_slice %arg3[%dma_start3A_148, %dma_start3A_149] : memref<10240x128xf32, #tpu.memory_space<hbm>> -> memref<10240x128xf32, #tpu.memory_space<hbm>>
        tpu.enqueue_indirect_dma source(%dma_start3A_150 : memref<10240x128xf32, #tpu.memory_space<hbm>>) target(%arg17 : memref<128x128xf32, #tpu.memory_space<vmem>>) offsets(%dma_start3A_147 : memref<128xi32, #tpu.memory_space<vmem>>) semaphore(%arg23 : memref<!tpu.dma_semaphore, #tpu.memory_space<semaphore_mem>>)
      } else {
      }
      %add3A_102 = arith.constant 1 : i32
      %add3A_103 = arith.addi %mul3A_42, %add3A_102 : i32
      %dma_wait3A_104 = arith.constant 0 : i32
      %dma_wait3A_105 = tpu.memref_slice %arg10[%dma_wait3A_104] : memref<5120xi32, #tpu.memory_space<vmem>> -> memref<128xi32, #tpu.memory_space<vmem>>
      %dma_wait3A_106 = arith.constant 0 : i32
      %dma_wait3A_107 = arith.constant 0 : i32
      %dma_wait3A_108 = tpu.memref_slice %arg2[%dma_wait3A_106, %dma_wait3A_107] : memref<10240x128xf32, #tpu.memory_space<hbm>> -> memref<10240x128xf32, #tpu.memory_space<hbm>>
      tpu.wait_indirect_dma semaphore(%arg20 : memref<!tpu.dma_semaphore, #tpu.memory_space<semaphore_mem>>) src(%dma_wait3A_108 : memref<10240x128xf32, #tpu.memory_space<hbm>>) dst(%arg14 : memref<128x128xf32, #tpu.memory_space<vmem>>)
      %dma_wait3A_109 = arith.constant 0 : i32
      %dma_wait3A_110 = tpu.memref_slice %arg12[%dma_wait3A_109] : memref<5120xi32, #tpu.memory_space<vmem>> -> memref<128xi32, #tpu.memory_space<vmem>>
      %dma_wait3A_111 = arith.constant 0 : i32
      %dma_wait3A_112 = arith.constant 0 : i32
      %dma_wait3A_113 = tpu.memref_slice %arg4[%dma_wait3A_111, %dma_wait3A_112] : memref<8000x128xf32, #tpu.memory_space<hbm>> -> memref<8000x128xf32, #tpu.memory_space<hbm>>
      tpu.wait_indirect_dma semaphore(%arg22 : memref<!tpu.dma_semaphore, #tpu.memory_space<semaphore_mem>>) src(%dma_wait3A_113 : memref<8000x128xf32, #tpu.memory_space<hbm>>) dst(%arg16 : memref<128x128xf32, #tpu.memory_space<vmem>>)
      %dma_wait3A_114 = arith.constant 0 : i32
      %dma_wait3A_115 = tpu.memref_slice %arg11[%dma_wait3A_114] : memref<5120xi32, #tpu.memory_space<vmem>> -> memref<128xi32, #tpu.memory_space<vmem>>
      %dma_wait3A_116 = arith.constant 0 : i32
      %dma_wait3A_117 = arith.constant 0 : i32
      %dma_wait3A_118 = tpu.memref_slice %arg3[%dma_wait3A_116, %dma_wait3A_117] : memref<10240x128xf32, #tpu.memory_space<hbm>> -> memref<10240x128xf32, #tpu.memory_space<hbm>>
      tpu.wait_indirect_dma semaphore(%arg24 : memref<!tpu.dma_semaphore, #tpu.memory_space<semaphore_mem>>) src(%dma_wait3A_118 : memref<10240x128xf32, #tpu.memory_space<hbm>>) dst(%arg18 : memref<128x128xf32, #tpu.memory_space<vmem>>)
      %parallel_loop3A_119 = arith.constant 0 : i32
      %parallel_loop3A_120 = arith.constant 128 : i32
      %parallel_loop3A_121 = arith.constant 1 : i32
      scf.for %parallel_loop3A_135 = %parallel_loop3A_119 to %parallel_loop3A_120 step %parallel_loop3A_121  : i32 {
        %parallel_loop3A_136 = arith.index_cast %parallel_loop3A_135 : i32 to index
        %parallel_loop3A_137 = arith.constant 0 : index
        %parallel_loop3A_138 = tpu.vector_load %arg14[%parallel_loop3A_136, %parallel_loop3A_137] {strides = array<i32>} : memref<128x128xf32, #tpu.memory_space<vmem>>, vector<1x16xf32>,
        %parallel_loop3A_139 = vector.shape_cast %parallel_loop3A_138 : vector<1x16xf32> to vector<16xf32>
        %parallel_loop3A_140 = arith.index_cast %parallel_loop3A_135 : i32 to index
        %parallel_loop3A_141 = arith.constant 0 : index
        %parallel_loop3A_142 = tpu.vector_load %arg16[%parallel_loop3A_140, %parallel_loop3A_141] {strides = array<i32>} : memref<128x128xf32, #tpu.memory_space<vmem>>, vector<1x16xf32>,
        %parallel_loop3A_143 = vector.shape_cast %parallel_loop3A_142 : vector<1x16xf32> to vector<16xf32>
        %parallel_loop3A_144 = arith.addf %parallel_loop3A_139, %parallel_loop3A_143 : vector<16xf32>
        %parallel_loop3A_145 = arith.index_cast %parallel_loop3A_135 : i32 to index
        %parallel_loop3A_146 = arith.constant 0 : index
        %parallel_loop3A_147 = tpu.vector_load %arg18[%parallel_loop3A_145, %parallel_loop3A_146] {strides = array<i32>} : memref<128x128xf32, #tpu.memory_space<vmem>>, vector<1x16xf32>,
        %parallel_loop3A_148 = vector.shape_cast %parallel_loop3A_147 : vector<1x16xf32> to vector<16xf32>
        %parallel_loop3A_149 = arith.addf %parallel_loop3A_144, %parallel_loop3A_148 : vector<16xf32>
        %parallel_loop3A_150 = arith.index_cast %parallel_loop3A_135 : i32 to index
        %parallel_loop3A_151 = arith.constant 0 : index
        %parallel_loop3A_152 = tpu.vector_load %arg14[%parallel_loop3A_150, %parallel_loop3A_151] {strides = array<i32>} : memref<128x128xf32, #tpu.memory_space<vmem>>, vector<1x16xf32>,
        %parallel_loop3A_153 = vector.shape_cast %parallel_loop3A_152 : vector<1x16xf32> to vector<16xf32>
        %parallel_loop3A_154 = vector.shape_cast %parallel_loop3A_149 : vector<16xf32> to vector<1x16xf32>
        tpu.vector_store %arg14[%parallel_loop3A_150, %parallel_loop3A_151], %parallel_loop3A_154 {strides = array<i32>} : memref<128x128xf32, #tpu.memory_space<vmem>>, vector<1x16xf32>,
        %parallel_loop3A_155 = arith.index_cast %parallel_loop3A_135 : i32 to index
        %parallel_loop3A_156 = arith.constant 16 : index
        %parallel_loop3A_157 = tpu.vector_load %arg14[%parallel_loop3A_155, %parallel_loop3A_156] {strides = array<i32>} : memref<128x128xf32, #tpu.memory_space<vmem>>, vector<1x16xf32>,
        %parallel_loop3A_158 = vector.shape_cast %parallel_loop3A_157 : vector<1x16xf32> to vector<16xf32>
        %parallel_loop3A_159 = arith.index_cast %parallel_loop3A_135 : i32 to index
        %parallel_loop3A_160 = arith.constant 16 : index
        %parallel_loop3A_161 = tpu.vector_load %arg16[%parallel_loop3A_159, %parallel_loop3A_160] {strides = array<i32>} : memref<128x128xf32, #tpu.memory_space<vmem>>, vector<1x16xf32>,
        %parallel_loop3A_162 = vector.shape_cast %parallel_loop3A_161 : vector<1x16xf32> to vector<16xf32>
        %parallel_loop3A_163 = arith.addf %parallel_loop3A_158, %parallel_loop3A_162 : vector<16xf32>
        %parallel_loop3A_164 = arith.index_cast %parallel_loop3A_135 : i32 to index
        %parallel_loop3A_165 = arith.constant 16 : index
        %parallel_loop3A_166 = tpu.vector_load %arg18[%parallel_loop3A_164, %parallel_loop3A_165] {strides = array<i32>} : memref<128x128xf32, #tpu.memory_space<vmem>>, vector<1x16xf32>,
        %parallel_loop3A_167 = vector.shape_cast %parallel_loop3A_166 : vector<1x16xf32> to vector<16xf32>
        %parallel_loop3A_168 = arith.addf %parallel_loop3A_163, %parallel_loop3A_167 : vector<16xf32>
        %parallel_loop3A_169 = arith.index_cast %parallel_loop3A_135 : i32 to index
        %parallel_loop3A_170 = arith.constant 16 : index
        %parallel_loop3A_171 = tpu.vector_load %arg14[%parallel_loop3A_169, %parallel_loop3A_170] {strides = array<i32>} : memref<128x128xf32, #tpu.memory_space<vmem>>, vector<1x16xf32>,
        %parallel_loop3A_172 = vector.shape_cast %parallel_loop3A_171 : vector<1x16xf32> to vector<16xf32>
        %parallel_loop3A_173 = vector.shape_cast %parallel_loop3A_168 : vector<16xf32> to vector<1x16xf32>
        tpu.vector_store %arg14[%parallel_loop3A_169, %parallel_loop3A_170], %parallel_loop3A_173 {strides = array<i32>} : memref<128x128xf32, #tpu.memory_space<vmem>>, vector<1x16xf32>,
        %parallel_loop3A_174 = arith.index_cast %parallel_loop3A_135 : i32 to index
        %parallel_loop3A_175 = arith.constant 32 : index
        %parallel_loop3A_176 = tpu.vector_load %arg14[%parallel_loop3A_174, %parallel_loop3A_175] {strides = array<i32>} : memref<128x128xf32, #tpu.memory_space<vmem>>, vector<1x16xf32>,
        %parallel_loop3A_177 = vector.shape_cast %parallel_loop3A_176 : vector<1x16xf32> to vector<16xf32>
        %parallel_loop3A_178 = arith.index_cast %parallel_loop3A_135 : i32 to index
        %parallel_loop3A_179 = arith.constant 32 : index
        %parallel_loop3A_180 = tpu.vector_load %arg16[%parallel_loop3A_178, %parallel_loop3A_179] {strides = array<i32>} : memref<128x128xf32, #tpu.memory_space<vmem>>, vector<1x16xf32>,
        %parallel_loop3A_181 = vector.shape_cast %parallel_loop3A_180 : vector<1x16xf32> to vector<16xf32>
        %parallel_loop3A_182 = arith.addf %parallel_loop3A_177, %parallel_loop3A_181 : vector<16xf32>
        %parallel_loop3A_183 = arith.index_cast %parallel_loop3A_135 : i32 to index
        %parallel_loop3A_184 = arith.constant 32 : index
        %parallel_loop3A_185 = tpu.vector_load %arg18[%parallel_loop3A_183, %parallel_loop3A_184] {strides = array<i32>} : memref<128x128xf32, #tpu.memory_space<vmem>>, vector<1x16xf32>,
        %parallel_loop3A_186 = vector.shape_cast %parallel_loop3A_185 : vector<1x16xf32> to vector<16xf32>
        %parallel_loop3A_187 = arith.addf %parallel_loop3A_182, %parallel_loop3A_186 : vector<16xf32>
        %parallel_loop3A_188 = arith.index_cast %parallel_loop3A_135 : i32 to index
        %parallel_loop3A_189 = arith.constant 32 : index
        %parallel_loop3A_190 = tpu.vector_load %arg14[%parallel_loop3A_188, %parallel_loop3A_189] {strides = array<i32>} : memref<128x128xf32, #tpu.memory_space<vmem>>, vector<1x16xf32>,
        %parallel_loop3A_191 = vector.shape_cast %parallel_loop3A_190 : vector<1x16xf32> to vector<16xf32>
        %parallel_loop3A_192 = vector.shape_cast %parallel_loop3A_187 : vector<16xf32> to vector<1x16xf32>
        tpu.vector_store %arg14[%parallel_loop3A_188, %parallel_loop3A_189], %parallel_loop3A_192 {strides = array<i32>} : memref<128x128xf32, #tpu.memory_space<vmem>>, vector<1x16xf32>,
        %parallel_loop3A_193 = arith.index_cast %parallel_loop3A_135 : i32 to index
        %parallel_loop3A_194 = arith.constant 48 : index
        %parallel_loop3A_195 = tpu.vector_load %arg14[%parallel_loop3A_193, %parallel_loop3A_194] {strides = array<i32>} : memref<128x128xf32, #tpu.memory_space<vmem>>, vector<1x16xf32>,
        %parallel_loop3A_196 = vector.shape_cast %parallel_loop3A_195 : vector<1x16xf32> to vector<16xf32>
        %parallel_loop3A_197 = arith.index_cast %parallel_loop3A_135 : i32 to index
        %parallel_loop3A_198 = arith.constant 48 : index
        %parallel_loop3A_199 = tpu.vector_load %arg16[%parallel_loop3A_197, %parallel_loop3A_198] {strides = array<i32>} : memref<128x128xf32, #tpu.memory_space<vmem>>, vector<1x16xf32>,
        %parallel_loop3A_200 = vector.shape_cast %parallel_loop3A_199 : vector<1x16xf32> to vector<16xf32>
        %parallel_loop3A_201 = arith.addf %parallel_loop3A_196, %parallel_loop3A_200 : vector<16xf32>
        %parallel_loop3A_202 = arith.index_cast %parallel_loop3A_135 : i32 to index
        %parallel_loop3A_203 = arith.constant 48 : index
        %parallel_loop3A_204 = tpu.vector_load %arg18[%parallel_loop3A_202, %parallel_loop3A_203] {strides = array<i32>} : memref<128x128xf32, #tpu.memory_space<vmem>>, vector<1x16xf32>,
        %parallel_loop3A_205 = vector.shape_cast %parallel_loop3A_204 : vector<1x16xf32> to vector<16xf32>
        %parallel_loop3A_206 = arith.addf %parallel_loop3A_201, %parallel_loop3A_205 : vector<16xf32>
        %parallel_loop3A_207 = arith.index_cast %parallel_loop3A_135 : i32 to index
        %parallel_loop3A_208 = arith.constant 48 : index
        %parallel_loop3A_209 = tpu.vector_load %arg14[%parallel_loop3A_207, %parallel_loop3A_208] {strides = array<i32>} : memref<128x128xf32, #tpu.memory_space<vmem>>, vector<1x16xf32>,
        %parallel_loop3A_210 = vector.shape_cast %parallel_loop3A_209 : vector<1x16xf32> to vector<16xf32>
        %parallel_loop3A_211 = vector.shape_cast %parallel_loop3A_206 : vector<16xf32> to vector<1x16xf32>
        tpu.vector_store %arg14[%parallel_loop3A_207, %parallel_loop3A_208], %parallel_loop3A_211 {strides = array<i32>} : memref<128x128xf32, #tpu.memory_space<vmem>>, vector<1x16xf32>,
        %parallel_loop3A_212 = arith.index_cast %parallel_loop3A_135 : i32 to index
        %parallel_loop3A_213 = arith.constant 64 : index
        %parallel_loop3A_214 = tpu.vector_load %arg14[%parallel_loop3A_212, %parallel_loop3A_213] {strides = array<i32>} : memref<128x128xf32, #tpu.memory_space<vmem>>, vector<1x16xf32>,
        %parallel_loop3A_215 = vector.shape_cast %parallel_loop3A_214 : vector<1x16xf32> to vector<16xf32>
        %parallel_loop3A_216 = arith.index_cast %parallel_loop3A_135 : i32 to index
        %parallel_loop3A_217 = arith.constant 64 : index
        %parallel_loop3A_218 = tpu.vector_load %arg16[%parallel_loop3A_216, %parallel_loop3A_217] {strides = array<i32>} : memref<128x128xf32, #tpu.memory_space<vmem>>, vector<1x16xf32>,
        %parallel_loop3A_219 = vector.shape_cast %parallel_loop3A_218 : vector<1x16xf32> to vector<16xf32>
        %parallel_loop3A_220 = arith.addf %parallel_loop3A_215, %parallel_loop3A_219 : vector<16xf32>
        %parallel_loop3A_221 = arith.index_cast %parallel_loop3A_135 : i32 to index
        %parallel_loop3A_222 = arith.constant 64 : index
        %parallel_loop3A_223 = tpu.vector_load %arg18[%parallel_loop3A_221, %parallel_loop3A_222] {strides = array<i32>} : memref<128x128xf32, #tpu.memory_space<vmem>>, vector<1x16xf32>,
        %parallel_loop3A_224 = vector.shape_cast %parallel_loop3A_223 : vector<1x16xf32> to vector<16xf32>
        %parallel_loop3A_225 = arith.addf %parallel_loop3A_220, %parallel_loop3A_224 : vector<16xf32>
        %parallel_loop3A_226 = arith.index_cast %parallel_loop3A_135 : i32 to index
        %parallel_loop3A_227 = arith.constant 64 : index
        %parallel_loop3A_228 = tpu.vector_load %arg14[%parallel_loop3A_226, %parallel_loop3A_227] {strides = array<i32>} : memref<128x128xf32, #tpu.memory_space<vmem>>, vector<1x16xf32>,
        %parallel_loop3A_229 = vector.shape_cast %parallel_loop3A_228 : vector<1x16xf32> to vector<16xf32>
        %parallel_loop3A_230 = vector.shape_cast %parallel_loop3A_225 : vector<16xf32> to vector<1x16xf32>
        tpu.vector_store %arg14[%parallel_loop3A_226, %parallel_loop3A_227], %parallel_loop3A_230 {strides = array<i32>} : memref<128x128xf32, #tpu.memory_space<vmem>>, vector<1x16xf32>,
        %parallel_loop3A_231 = arith.index_cast %parallel_loop3A_135 : i32 to index
        %parallel_loop3A_232 = arith.constant 80 : index
        %parallel_loop3A_233 = tpu.vector_load %arg14[%parallel_loop3A_231, %parallel_loop3A_232] {strides = array<i32>} : memref<128x128xf32, #tpu.memory_space<vmem>>, vector<1x16xf32>,
        %parallel_loop3A_234 = vector.shape_cast %parallel_loop3A_233 : vector<1x16xf32> to vector<16xf32>
        %parallel_loop3A_235 = arith.index_cast %parallel_loop3A_135 : i32 to index
        %parallel_loop3A_236 = arith.constant 80 : index
        %parallel_loop3A_237 = tpu.vector_load %arg16[%parallel_loop3A_235, %parallel_loop3A_236] {strides = array<i32>} : memref<128x128xf32, #tpu.memory_space<vmem>>, vector<1x16xf32>,
        %parallel_loop3A_238 = vector.shape_cast %parallel_loop3A_237 : vector<1x16xf32> to vector<16xf32>
        %parallel_loop3A_239 = arith.addf %parallel_loop3A_234, %parallel_loop3A_238 : vector<16xf32>
        %parallel_loop3A_240 = arith.index_cast %parallel_loop3A_135 : i32 to index
        %parallel_loop3A_241 = arith.constant 80 : index
        %parallel_loop3A_242 = tpu.vector_load %arg18[%parallel_loop3A_240, %parallel_loop3A_241] {strides = array<i32>} : memref<128x128xf32, #tpu.memory_space<vmem>>, vector<1x16xf32>,
        %parallel_loop3A_243 = vector.shape_cast %parallel_loop3A_242 : vector<1x16xf32> to vector<16xf32>
        %parallel_loop3A_244 = arith.addf %parallel_loop3A_239, %parallel_loop3A_243 : vector<16xf32>
        %parallel_loop3A_245 = arith.index_cast %parallel_loop3A_135 : i32 to index
        %parallel_loop3A_246 = arith.constant 80 : index
        %parallel_loop3A_247 = tpu.vector_load %arg14[%parallel_loop3A_245, %parallel_loop3A_246] {strides = array<i32>} : memref<128x128xf32, #tpu.memory_space<vmem>>, vector<1x16xf32>,
        %parallel_loop3A_248 = vector.shape_cast %parallel_loop3A_247 : vector<1x16xf32> to vector<16xf32>
        %parallel_loop3A_249 = vector.shape_cast %parallel_loop3A_244 : vector<16xf32> to vector<1x16xf32>
        tpu.vector_store %arg14[%parallel_loop3A_245, %parallel_loop3A_246], %parallel_loop3A_249 {strides = array<i32>} : memref<128x128xf32, #tpu.memory_space<vmem>>, vector<1x16xf32>,
        %parallel_loop3A_250 = arith.index_cast %parallel_loop3A_135 : i32 to index
        %parallel_loop3A_251 = arith.constant 96 : index
        %parallel_loop3A_252 = tpu.vector_load %arg14[%parallel_loop3A_250, %parallel_loop3A_251] {strides = array<i32>} : memref<128x128xf32, #tpu.memory_space<vmem>>, vector<1x16xf32>,
        %parallel_loop3A_253 = vector.shape_cast %parallel_loop3A_252 : vector<1x16xf32> to vector<16xf32>
        %parallel_loop3A_254 = arith.index_cast %parallel_loop3A_135 : i32 to index
        %parallel_loop3A_255 = arith.constant 96 : index
        %parallel_loop3A_256 = tpu.vector_load %arg16[%parallel_loop3A_254, %parallel_loop3A_255] {strides = array<i32>} : memref<128x128xf32, #tpu.memory_space<vmem>>, vector<1x16xf32>,
        %parallel_loop3A_257 = vector.shape_cast %parallel_loop3A_256 : vector<1x16xf32> to vector<16xf32>
        %parallel_loop3A_258 = arith.addf %parallel_loop3A_253, %parallel_loop3A_257 : vector<16xf32>
        %parallel_loop3A_259 = arith.index_cast %parallel_loop3A_135 : i32 to index
        %parallel_loop3A_260 = arith.constant 96 : index
        %parallel_loop3A_261 = tpu.vector_load %arg18[%parallel_loop3A_259, %parallel_loop3A_260] {strides = array<i32>} : memref<128x128xf32, #tpu.memory_space<vmem>>, vector<1x16xf32>,
        %parallel_loop3A_262 = vector.shape_cast %parallel_loop3A_261 : vector<1x16xf32> to vector<16xf32>
        %parallel_loop3A_263 = arith.addf %parallel_loop3A_258, %parallel_loop3A_262 : vector<16xf32>
        %parallel_loop3A_264 = arith.index_cast %parallel_loop3A_135 : i32 to index
        %parallel_loop3A_265 = arith.constant 96 : index
        %parallel_loop3A_266 = tpu.vector_load %arg14[%parallel_loop3A_264, %parallel_loop3A_265] {strides = array<i32>} : memref<128x128xf32, #tpu.memory_space<vmem>>, vector<1x16xf32>,
        %parallel_loop3A_267 = vector.shape_cast %parallel_loop3A_266 : vector<1x16xf32> to vector<16xf32>
        %parallel_loop3A_268 = vector.shape_cast %parallel_loop3A_263 : vector<16xf32> to vector<1x16xf32>
        tpu.vector_store %arg14[%parallel_loop3A_264, %parallel_loop3A_265], %parallel_loop3A_268 {strides = array<i32>} : memref<128x128xf32, #tpu.memory_space<vmem>>, vector<1x16xf32>,
        %parallel_loop3A_269 = arith.index_cast %parallel_loop3A_135 : i32 to index
        %parallel_loop3A_270 = arith.constant 112 : index
        %parallel_loop3A_271 = tpu.vector_load %arg14[%parallel_loop3A_269, %parallel_loop3A_270] {strides = array<i32>} : memref<128x128xf32, #tpu.memory_space<vmem>>, vector<1x16xf32>,
        %parallel_loop3A_272 = vector.shape_cast %parallel_loop3A_271 : vector<1x16xf32> to vector<16xf32>
        %parallel_loop3A_273 = arith.index_cast %parallel_loop3A_135 : i32 to index
        %parallel_loop3A_274 = arith.constant 112 : index
        %parallel_loop3A_275 = tpu.vector_load %arg16[%parallel_loop3A_273, %parallel_loop3A_274] {strides = array<i32>} : memref<128x128xf32, #tpu.memory_space<vmem>>, vector<1x16xf32>,
        %parallel_loop3A_276 = vector.shape_cast %parallel_loop3A_275 : vector<1x16xf32> to vector<16xf32>
        %parallel_loop3A_277 = arith.addf %parallel_loop3A_272, %parallel_loop3A_276 : vector<16xf32>
        %parallel_loop3A_278 = arith.index_cast %parallel_loop3A_135 : i32 to index
        %parallel_loop3A_279 = arith.constant 112 : index
        %parallel_loop3A_280 = tpu.vector_load %arg18[%parallel_loop3A_278, %parallel_loop3A_279] {strides = array<i32>} : memref<128x128xf32, #tpu.memory_space<vmem>>, vector<1x16xf32>,
        %parallel_loop3A_281 = vector.shape_cast %parallel_loop3A_280 : vector<1x16xf32> to vector<16xf32>
        %parallel_loop3A_282 = arith.addf %parallel_loop3A_277, %parallel_loop3A_281 : vector<16xf32>
        %parallel_loop3A_283 = arith.index_cast %parallel_loop3A_135 : i32 to index
        %parallel_loop3A_284 = arith.constant 112 : index
        %parallel_loop3A_285 = tpu.vector_load %arg14[%parallel_loop3A_283, %parallel_loop3A_284] {strides = array<i32>} : memref<128x128xf32, #tpu.memory_space<vmem>>, vector<1x16xf32>,
        %parallel_loop3A_286 = vector.shape_cast %parallel_loop3A_285 : vector<1x16xf32> to vector<16xf32>
        %parallel_loop3A_287 = vector.shape_cast %parallel_loop3A_282 : vector<16xf32> to vector<1x16xf32>
        tpu.vector_store %arg14[%parallel_loop3A_283, %parallel_loop3A_284], %parallel_loop3A_287 {strides = array<i32>} : memref<128x128xf32, #tpu.memory_space<vmem>>, vector<1x16xf32>,
      } {sc.loop_unroll_factor = 4 : i64, sc.parallel_access}
      %mul3A_122 = arith.constant 128 : i32
      %mul3A_123 = arith.muli %add3A_103, %mul3A_122 : i32
      %add3A_124 = arith.addi %select_n3A, %mul3A_123 : i32
      %lt3A_125 = arith.constant 160000 : i32
      %lt3A_126 = arith.cmpi slt, %add3A_124, %lt3A_125 : i32
      %convert_element_type3A_127 = arith.extui %lt3A_126 : i1 to i32
      %cond3A_128 = arith.constant 0 : i32
      %cond3A_129 = arith.cmpi ne, %convert_element_type3A_127, %cond3A_128 : i32
      scf.if %cond3A_129 {
        %dma_start3A_135 = arith.constant 0 : i32
        %dma_start3A_136 = tpu.memref_slice %arg8[%add3A_124, %dma_start3A_135] : memref<160000x128xf32, #tpu.memory_space<hbm>> -> memref<128x128xf32, #tpu.memory_space<hbm>>
        %dma_start3A_137 = arith.constant 0 : i32
        %dma_start3A_138 = tpu.memref_slice %arg8[%add3A_124, %dma_start3A_137] : memref<160000x128xf32, #tpu.memory_space<hbm>> -> memref<128x128xf32, #tpu.memory_space<hbm>>
        tpu.enqueue_dma source(%arg14 : memref<128x128xf32, #tpu.memory_space<vmem>>) target(%dma_start3A_138 : memref<128x128xf32, #tpu.memory_space<hbm>>) target_semaphore(%arg26 : memref<!tpu.dma_semaphore, #tpu.memory_space<semaphore_mem>>)
      } else {
      }
      %ge3A_130 = arith.constant 160000 : i32
      %ge3A_131 = arith.cmpi sge, %add3A_124, %ge3A_130 : i32
      %convert_element_type3A_132 = arith.extui %ge3A_131 : i1 to i32
      %cond3A_133 = arith.constant 0 : i32
      %cond3A_134 = arith.cmpi ne, %convert_element_type3A_132, %cond3A_133 : i32
      scf.if %cond3A_134 {
        %sub3A_135 = arith.constant 160000 : i32
        %sub3A_136 = arith.subi %add3A_124, %sub3A_135 : i32
        %dma_start3A_137 = arith.constant 0 : i32
        %dma_start3A_138 = tpu.memref_slice %arg9[%sub3A_136, %dma_start3A_137] : memref<3840x128xf32, #tpu.memory_space<hbm>> -> memref<128x128xf32, #tpu.memory_space<hbm>>
        %dma_start3A_139 = arith.constant 0 : i32
        %dma_start3A_140 = tpu.memref_slice %arg9[%sub3A_136, %dma_start3A_139] : memref<3840x128xf32, #tpu.memory_space<hbm>> -> memref<128x128xf32, #tpu.memory_space<hbm>>
        tpu.enqueue_dma source(%arg14 : memref<128x128xf32, #tpu.memory_space<vmem>>) target(%dma_start3A_140 : memref<128x128xf32, #tpu.memory_space<hbm>>) target_semaphore(%arg26 : memref<!tpu.dma_semaphore, #tpu.memory_space<semaphore_mem>>)
      } else {
      }
    }
    %dma_wait3A = arith.constant 0 : i32
    %dma_wait3A_35 = arith.constant 0 : i32
    %dma_wait3A_36 = tpu.memref_slice %arg8[%dma_wait3A, %dma_wait3A_35] : memref<160000x128xf32, #tpu.memory_space<hbm>> -> memref<128x128xf32, #tpu.memory_space<hbm>>
    %dma_wait3A_37 = arith.constant 0 : i32
    %dma_wait3A_38 = arith.constant 0 : i32
    %dma_wait3A_39 = tpu.memref_slice %arg8[%dma_wait3A_37, %dma_wait3A_38] : memref<160000x128xf32, #tpu.memory_space<hbm>> -> memref<128x128xf32, #tpu.memory_space<hbm>>
    tpu.wait_dma2 semaphore(%arg26 : memref<!tpu.dma_semaphore, #tpu.memory_space<semaphore_mem>>) src(%arg14 : memref<128x128xf32, #tpu.memory_space<vmem>>) dst(%dma_wait3A_39 : memref<128x128xf32, #tpu.memory_space<hbm>>)
    return
  }
}

module attributes {stable_mosaic.version = 14 : i64} {
  func.func @body(%arg0: memref<1000x128xf32, #tpu.memory_space<vmem>>, %arg1: memref<128x128xf32, #tpu.memory_space<vmem>>, %arg2: memref<128x128xf32, #tpu.memory_space<vmem>>, %arg3: memref<1x128xf32, #tpu.memory_space<vmem>>, %arg4: memref<16x128xf32, #tpu.memory_space<vmem>>, %arg5: memref<128x128xf32, #tpu.memory_space<vmem>>, %arg6: memref<8000x128xf32, #tpu.memory_space<vmem>>, %arg7: memref<16x128xf32, #tpu.memory_space<vmem>>) attributes {dimension_semantics = [], scalar_prefetch = 0 : i64, scratch_operands = 0 : i64, tpu.core_type = #tpu.core_type<tc>} {
    %get3A = arith.constant 0 : index
    %get3A_0 = arith.constant 0 : index
    %get3A_1 = vector.load %arg0[%get3A, %get3A_0] : memref<1000x128xf32, #tpu.memory_space<vmem>>, vector<1000x128xf32>
    %get3A_2 = arith.constant 0 : index
    %get3A_3 = arith.constant 0 : index
    %get3A_4 = vector.load %arg1[%get3A_2, %get3A_3] : memref<128x128xf32, #tpu.memory_space<vmem>>, vector<128x128xf32>
    %dot_general3A = arith.constant dense<0.000000e+00> : vector<1000x128xf32>
    %dot_general3A_5 = tpu.matmul %get3A_1, %get3A_4, %dot_general3A {dimension_numbers = #tpu.dot_dimension_numbers<[1], [0], [0], [1], [0, 0, 1, 1], [], []>, transpose_lhs_hint = false} : vector<1000x128xf32>, vector<128x128xf32>, vector<1000x128xf32> -> vector<1000x128xf32>
    %get3A_6 = arith.constant 0 : index
    %get3A_7 = arith.constant 0 : index
    %get3A_8 = vector.load %arg2[%get3A_6, %get3A_7] : memref<128x128xf32, #tpu.memory_space<vmem>>, vector<128x128xf32>
    %dot_general3A_9 = arith.constant dense<0.000000e+00> : vector<1000x128xf32>
    %dot_general3A_10 = tpu.matmul %dot_general3A_5, %get3A_8, %dot_general3A_9 {dimension_numbers = #tpu.dot_dimension_numbers<[1], [0], [0], [1], [0, 0, 1, 1], [], []>, transpose_lhs_hint = false} : vector<1000x128xf32>, vector<128x128xf32>, vector<1000x128xf32> -> vector<1000x128xf32>
    %get3A_11 = arith.constant 0 : index
    %get3A_12 = arith.constant 0 : index
    %get3A_13 = vector.load %arg3[%get3A_11, %get3A_12] : memref<1x128xf32, #tpu.memory_space<vmem>>, vector<1x128xf32>
    %add3A = vector.broadcast %get3A_13 : vector<1x128xf32> to vector<1000x128xf32>
    %add3A_14 = arith.addf %dot_general3A_10, %add3A : vector<1000x128xf32>
    %swap3A = arith.constant 0 : index
    %swap3A_15 = arith.constant 0 : index
    %swap3A_16 = vector.load %arg6[%swap3A, %swap3A_15] : memref<8000x128xf32, #tpu.memory_space<vmem>>, vector<1000x128xf32>
    tpu.vector_store %arg6[%swap3A, %swap3A_15], %add3A_14 {strides = array<i32>} : memref<8000x128xf32, #tpu.memory_space<vmem>>, vector<1000x128xf32>,
    %swap3A_17 = arith.constant 1000 : index
    %swap3A_18 = arith.constant 0 : index
    %swap3A_19 = vector.load %arg6[%swap3A_17, %swap3A_18] : memref<8000x128xf32, #tpu.memory_space<vmem>>, vector<1000x128xf32>
    tpu.vector_store %arg6[%swap3A_17, %swap3A_18], %add3A_14 {strides = array<i32>} : memref<8000x128xf32, #tpu.memory_space<vmem>>, vector<1000x128xf32>,
    %swap3A_20 = arith.constant 2000 : index
    %swap3A_21 = arith.constant 0 : index
    %swap3A_22 = vector.load %arg6[%swap3A_20, %swap3A_21] : memref<8000x128xf32, #tpu.memory_space<vmem>>, vector<1000x128xf32>
    tpu.vector_store %arg6[%swap3A_20, %swap3A_21], %add3A_14 {strides = array<i32>} : memref<8000x128xf32, #tpu.memory_space<vmem>>, vector<1000x128xf32>,
    %swap3A_23 = arith.constant 3000 : index
    %swap3A_24 = arith.constant 0 : index
    %swap3A_25 = vector.load %arg6[%swap3A_23, %swap3A_24] : memref<8000x128xf32, #tpu.memory_space<vmem>>, vector<1000x128xf32>
    tpu.vector_store %arg6[%swap3A_23, %swap3A_24], %add3A_14 {strides = array<i32>} : memref<8000x128xf32, #tpu.memory_space<vmem>>, vector<1000x128xf32>,
    %swap3A_26 = arith.constant 4000 : index
    %swap3A_27 = arith.constant 0 : index
    %swap3A_28 = vector.load %arg6[%swap3A_26, %swap3A_27] : memref<8000x128xf32, #tpu.memory_space<vmem>>, vector<1000x128xf32>
    tpu.vector_store %arg6[%swap3A_26, %swap3A_27], %add3A_14 {strides = array<i32>} : memref<8000x128xf32, #tpu.memory_space<vmem>>, vector<1000x128xf32>,
    %swap3A_29 = arith.constant 5000 : index
    %swap3A_30 = arith.constant 0 : index
    %swap3A_31 = vector.load %arg6[%swap3A_29, %swap3A_30] : memref<8000x128xf32, #tpu.memory_space<vmem>>, vector<1000x128xf32>
    tpu.vector_store %arg6[%swap3A_29, %swap3A_30], %add3A_14 {strides = array<i32>} : memref<8000x128xf32, #tpu.memory_space<vmem>>, vector<1000x128xf32>,
    %swap3A_32 = arith.constant 6000 : index
    %swap3A_33 = arith.constant 0 : index
    %swap3A_34 = vector.load %arg6[%swap3A_32, %swap3A_33] : memref<8000x128xf32, #tpu.memory_space<vmem>>, vector<1000x128xf32>
    tpu.vector_store %arg6[%swap3A_32, %swap3A_33], %add3A_14 {strides = array<i32>} : memref<8000x128xf32, #tpu.memory_space<vmem>>, vector<1000x128xf32>,
    %swap3A_35 = arith.constant 7000 : index
    %swap3A_36 = arith.constant 0 : index
    %swap3A_37 = vector.load %arg6[%swap3A_35, %swap3A_36] : memref<8000x128xf32, #tpu.memory_space<vmem>>, vector<1000x128xf32>
    tpu.vector_store %arg6[%swap3A_35, %swap3A_36], %add3A_14 {strides = array<i32>} : memref<8000x128xf32, #tpu.memory_space<vmem>>, vector<1000x128xf32>,
    %get3A_38 = arith.constant 0 : index
    %get3A_39 = arith.constant 0 : index
    %get3A_40 = vector.load %arg4[%get3A_38, %get3A_39] : memref<16x128xf32, #tpu.memory_space<vmem>>, vector<16x128xf32>
    %get3A_41 = arith.constant 0 : index
    %get3A_42 = arith.constant 0 : index
    %get3A_43 = vector.load %arg5[%get3A_41, %get3A_42] : memref<128x128xf32, #tpu.memory_space<vmem>>, vector<128x128xf32>
    %dot_general3A_44 = arith.constant dense<0.000000e+00> : vector<16x128xf32>
    %dot_general3A_45 = tpu.matmul %get3A_40, %get3A_43, %dot_general3A_44 {dimension_numbers = #tpu.dot_dimension_numbers<[1], [0], [0], [1], [0, 0, 1, 1], [], []>, transpose_lhs_hint = false} : vector<16x128xf32>, vector<128x128xf32>, vector<16x128xf32> -> vector<16x128xf32>
    %swap3A_46 = arith.constant 0 : index
    %swap3A_47 = arith.constant 0 : index
    %swap3A_48 = vector.load %arg7[%swap3A_46, %swap3A_47] : memref<16x128xf32, #tpu.memory_space<vmem>>, vector<16x128xf32>
    tpu.vector_store %arg7[%swap3A_46, %swap3A_47], %dot_general3A_45 {strides = array<i32>} : memref<16x128xf32, #tpu.memory_space<vmem>>, vector<16x128xf32>,
    return
  }
}

module attributes {stable_mosaic.version = 14 : i64} {
  func.func @body(%arg0: i32, %arg1: memref<512x128xf32, #tpu.memory_space<vmem>>, %arg2: memref<128x128xf32, #tpu.memory_space<vmem>>, %arg3: memref<128x128xf32, #tpu.memory_space<vmem>>, %arg4: memref<128x128xf32, #tpu.memory_space<vmem>>, %arg5: memref<512x128xf32, #tpu.memory_space<vmem>>, %arg6: memref<512x128xf32, #tpu.memory_space<vmem>>, %arg7: memref<512x128xf32, #tpu.memory_space<vmem>>) attributes {dimension_semantics = [#tpu.dimension_semantics<arbitrary>], iteration_bounds = array<i64: 20>, scalar_prefetch = 0 : i64, scratch_operands = 0 : i64, tpu.core_type = #tpu.core_type<tc>, window_params = [{transform_indices = @transform_0, window_bounds = array<i64: 512, 128>}, {pipeline_mode = #tpu.pipeline_mode<synchronous>, transform_indices = @transform_1, window_bounds = array<i64: 128, 128>}, {pipeline_mode = #tpu.pipeline_mode<synchronous>, transform_indices = @transform_2, window_bounds = array<i64: 128, 128>}, {pipeline_mode = #tpu.pipeline_mode<synchronous>, transform_indices = @transform_3, window_bounds = array<i64: 128, 128>}, {transform_indices = @transform_4, window_bounds = array<i64: 512, 128>}, {transform_indices = @transform_5, window_bounds = array<i64: 512, 128>}, {transform_indices = @transform_6, window_bounds = array<i64: 512, 128>}]} {
    %get3A = arith.constant 0 : index
    %get3A_0 = arith.constant 0 : index
    %get3A_1 = vector.load %arg1[%get3A, %get3A_0] : memref<512x128xf32, #tpu.memory_space<vmem>>, vector<512x128xf32>
    %get3A_2 = arith.constant 0 : index
    %get3A_3 = arith.constant 0 : index
    %get3A_4 = vector.load %arg2[%get3A_2, %get3A_3] : memref<128x128xf32, #tpu.memory_space<vmem>>, vector<128x128xf32>
    %dot_general3A = arith.constant dense<0.000000e+00> : vector<512x128xf32>
    %dot_general3A_5 = tpu.matmul %get3A_1, %get3A_4, %dot_general3A {dimension_numbers = #tpu.dot_dimension_numbers<[1], [0], [0], [1], [0, 0, 1, 1], [], []>, transpose_lhs_hint = false} : vector<512x128xf32>, vector<128x128xf32>, vector<512x128xf32> -> vector<512x128xf32>
    %swap3A = arith.constant 0 : index
    %swap3A_6 = arith.constant 0 : index
    %swap3A_7 = vector.load %arg5[%swap3A, %swap3A_6] : memref<512x128xf32, #tpu.memory_space<vmem>>, vector<512x128xf32>
    tpu.vector_store %arg5[%swap3A, %swap3A_6], %dot_general3A_5 {strides = array<i32>} : memref<512x128xf32, #tpu.memory_space<vmem>>, vector<512x128xf32>,
    %get3A_8 = arith.constant 0 : index
    %get3A_9 = arith.constant 0 : index
    %get3A_10 = vector.load %arg3[%get3A_8, %get3A_9] : memref<128x128xf32, #tpu.memory_space<vmem>>, vector<128x128xf32>
    %dot_general3A_11 = arith.constant dense<0.000000e+00> : vector<512x128xf32>
    %dot_general3A_12 = tpu.matmul %dot_general3A_5, %get3A_10, %dot_general3A_11 {dimension_numbers = #tpu.dot_dimension_numbers<[1], [0], [0], [1], [0, 0, 1, 1], [], []>, transpose_lhs_hint = false} : vector<512x128xf32>, vector<128x128xf32>, vector<512x128xf32> -> vector<512x128xf32>
    %swap3A_13 = arith.constant 0 : index
    %swap3A_14 = arith.constant 0 : index
    %swap3A_15 = vector.load %arg6[%swap3A_13, %swap3A_14] : memref<512x128xf32, #tpu.memory_space<vmem>>, vector<512x128xf32>
    tpu.vector_store %arg6[%swap3A_13, %swap3A_14], %dot_general3A_12 {strides = array<i32>} : memref<512x128xf32, #tpu.memory_space<vmem>>, vector<512x128xf32>,
    %get3A_16 = arith.constant 0 : index
    %get3A_17 = arith.constant 0 : index
    %get3A_18 = vector.load %arg4[%get3A_16, %get3A_17] : memref<128x128xf32, #tpu.memory_space<vmem>>, vector<128x128xf32>
    %dot_general3A_19 = arith.constant dense<0.000000e+00> : vector<512x128xf32>
    %dot_general3A_20 = tpu.matmul %dot_general3A_5, %get3A_18, %dot_general3A_19 {dimension_numbers = #tpu.dot_dimension_numbers<[1], [0], [0], [1], [0, 0, 1, 1], [], []>, transpose_lhs_hint = false} : vector<512x128xf32>, vector<128x128xf32>, vector<512x128xf32> -> vector<512x128xf32>
    %swap3A_21 = arith.constant 0 : index
    %swap3A_22 = arith.constant 0 : index
    %swap3A_23 = vector.load %arg7[%swap3A_21, %swap3A_22] : memref<512x128xf32, #tpu.memory_space<vmem>>, vector<512x128xf32>
    tpu.vector_store %arg7[%swap3A_21, %swap3A_22], %dot_general3A_20 {strides = array<i32>} : memref<512x128xf32, #tpu.memory_space<vmem>>, vector<512x128xf32>,
    return
  }
  func.func @transform_0(%arg0: i32) -> (i32, i32) {
    %c0_i32 = arith.constant 0 : i32
    %c0_i32_0 = arith.constant 0 : i32
    return %arg0, %c0_i32 : i32, i32
  }
  func.func @transform_1(%arg0: i32) -> (i32, i32) {
    %c0_i32 = arith.constant 0 : i32
    %c0_i32_0 = arith.constant 0 : i32
    %c0_i32_1 = arith.constant 0 : i32
    return %c0_i32, %c0_i32_0 : i32, i32
  }
  func.func @transform_2(%arg0: i32) -> (i32, i32) {
    %c0_i32 = arith.constant 0 : i32
    %c0_i32_0 = arith.constant 0 : i32
    %c0_i32_1 = arith.constant 0 : i32
    return %c0_i32, %c0_i32_0 : i32, i32
  }
  func.func @transform_3(%arg0: i32) -> (i32, i32) {
    %c0_i32 = arith.constant 0 : i32
    %c0_i32_0 = arith.constant 0 : i32
    %c0_i32_1 = arith.constant 0 : i32
    return %c0_i32, %c0_i32_0 : i32, i32
  }
  func.func @transform_4(%arg0: i32) -> (i32, i32) {
    %c0_i32 = arith.constant 0 : i32
    %c0_i32_0 = arith.constant 0 : i32
    return %arg0, %c0_i32 : i32, i32
  }
  func.func @transform_5(%arg0: i32) -> (i32, i32) {
    %c0_i32 = arith.constant 0 : i32
    %c0_i32_0 = arith.constant 0 : i32
    return %arg0, %c0_i32 : i32, i32
  }
  func.func @transform_6(%arg0: i32) -> (i32, i32) {
    %c0_i32 = arith.constant 0 : i32
    %c0_i32_0 = arith.constant 0 : i32
    return %arg0, %c0_i32 : i32, i32
  }
}

module attributes {stable_mosaic.version = 14 : i64} {
  func.func @body(%arg0: memref<1280x128xi32, #tpu.memory_space<vmem>>, %arg1: memref<17xi32, #tpu.memory_space<smem>>, %arg2: memref<1280x128xi32, #tpu.memory_space<vmem>>, %arg3: memref<8x128xi32, #tpu.memory_space<vmem>>) attributes {dimension_semantics = [], scalar_prefetch = 0 : i64, scratch_operands = 0 : i64, tpu.core_type = #tpu.core_type<tc>} {
    %get3A = arith.constant 0 : index
    %get3A_0 = arith.constant 0 : index
    %get3A_1 = vector.load %arg0[%get3A, %get3A_0] : memref<1280x128xi32, #tpu.memory_space<vmem>>, vector<1280x128xi32>
    %broadcast_in_dim3A = arith.constant 0 : i32
    %broadcast_in_dim3A_2 = vector.broadcast %broadcast_in_dim3A : i32 to vector<1280x128xi32>
    %iota3A = tpu.iota {dimensions = array<i32: 1>} : vector<8x128xi32>
    %broadcast_in_dim3A_3 = arith.constant 0 : i32
    %broadcast_in_dim3A_4 = vector.broadcast %broadcast_in_dim3A_3 : i32 to vector<8x128xi32>
    %get3A_5 = arith.constant 1 : index
    %get3A_6 = memref.load %arg1[%get3A_5] : memref<17xi32, #tpu.memory_space<smem>>
    %lt3A = vector.broadcast %get3A_6 : i32 to vector<1280x128xi32>
    %lt3A_7 = arith.cmpi slt, %get3A_1, %lt3A : vector<1280x128xi32>
    %convert_element_type3A = arith.extui %lt3A_7 : vector<1280x128xi1> to vector<1280x128xi32>
    %sub3A = arith.constant 1 : i32
    %sub3A_8 = vector.broadcast %sub3A : i32 to vector<1280x128xi32>
    %sub3A_9 = arith.subi %sub3A_8, %convert_element_type3A : vector<1280x128xi32>
    %add3A = arith.addi %broadcast_in_dim3A_2, %sub3A_9 : vector<1280x128xi32>
    %reduce_sum3A = vector.shape_cast %convert_element_type3A : vector<1280x128xi32> to vector<1x1280x128xi32>
    %reduce_sum3A_10 = arith.constant dense<0> : vector<1xi32>
    %reduce_sum3A_11 = vector.multi_reduction <add>, %reduce_sum3A, %reduce_sum3A_10 [1, 2] : vector<1x1280x128xi32> to vector<1xi32>
    %reduce_sum3A_12 = vector.shape_cast %reduce_sum3A_11 : vector<1xi32> to vector<1x1x1xi32>
    %reduce_sum3A_13 = vector.extract %reduce_sum3A_12[0, 0, 0] : i32 from vector<1x1x1xi32>
    %eq3A = arith.constant 1 : i32
    %eq3A_14 = vector.broadcast %eq3A : i32 to vector<8x128xi32>
    %eq3A_15 = arith.cmpi eq, %iota3A, %eq3A_14 : vector<8x128xi32>
    %jit3A = arith.constant 0 : i32
    %broadcast_in_dim3A_16 = vector.broadcast %reduce_sum3A_13 : i32 to vector<8x128xi32>
    %broadcast_in_dim3A_17 = vector.broadcast %jit3A : i32 to vector<8x128xi32>
    %select_n3A = arith.select %eq3A_15, %broadcast_in_dim3A_16, %broadcast_in_dim3A_17 : vector<8x128xi1>, vector<8x128xi32>
    %add3A_18 = arith.addi %broadcast_in_dim3A_4, %select_n3A : vector<8x128xi32>
    %get3A_19 = arith.constant 2 : index
    %get3A_20 = memref.load %arg1[%get3A_19] : memref<17xi32, #tpu.memory_space<smem>>
    %lt3A_21 = vector.broadcast %get3A_20 : i32 to vector<1280x128xi32>
    %lt3A_22 = arith.cmpi slt, %get3A_1, %lt3A_21 : vector<1280x128xi32>
    %convert_element_type3A_23 = arith.extui %lt3A_22 : vector<1280x128xi1> to vector<1280x128xi32>
    %sub3A_24 = arith.constant 1 : i32
    %sub3A_25 = vector.broadcast %sub3A_24 : i32 to vector<1280x128xi32>
    %sub3A_26 = arith.subi %sub3A_25, %convert_element_type3A_23 : vector<1280x128xi32>
    %add3A_27 = arith.addi %add3A, %sub3A_26 : vector<1280x128xi32>
    %reduce_sum3A_28 = vector.shape_cast %convert_element_type3A_23 : vector<1280x128xi32> to vector<1x1280x128xi32>
    %reduce_sum3A_29 = arith.constant dense<0> : vector<1xi32>
    %reduce_sum3A_30 = vector.multi_reduction <add>, %reduce_sum3A_28, %reduce_sum3A_29 [1, 2] : vector<1x1280x128xi32> to vector<1xi32>
    %reduce_sum3A_31 = vector.shape_cast %reduce_sum3A_30 : vector<1xi32> to vector<1x1x1xi32>
    %reduce_sum3A_32 = vector.extract %reduce_sum3A_31[0, 0, 0] : i32 from vector<1x1x1xi32>
    %eq3A_33 = arith.constant 2 : i32
    %eq3A_34 = vector.broadcast %eq3A_33 : i32 to vector<8x128xi32>
    %eq3A_35 = arith.cmpi eq, %iota3A, %eq3A_34 : vector<8x128xi32>
    %jit3A_36 = arith.constant 0 : i32
    %broadcast_in_dim3A_37 = vector.broadcast %reduce_sum3A_32 : i32 to vector<8x128xi32>
    %broadcast_in_dim3A_38 = vector.broadcast %jit3A_36 : i32 to vector<8x128xi32>
    %select_n3A_39 = arith.select %eq3A_35, %broadcast_in_dim3A_37, %broadcast_in_dim3A_38 : vector<8x128xi1>, vector<8x128xi32>
    %add3A_40 = arith.addi %add3A_18, %select_n3A_39 : vector<8x128xi32>
    %get3A_41 = arith.constant 3 : index
    %get3A_42 = memref.load %arg1[%get3A_41] : memref<17xi32, #tpu.memory_space<smem>>
    %lt3A_43 = vector.broadcast %get3A_42 : i32 to vector<1280x128xi32>
    %lt3A_44 = arith.cmpi slt, %get3A_1, %lt3A_43 : vector<1280x128xi32>
    %convert_element_type3A_45 = arith.extui %lt3A_44 : vector<1280x128xi1> to vector<1280x128xi32>
    %sub3A_46 = arith.constant 1 : i32
    %sub3A_47 = vector.broadcast %sub3A_46 : i32 to vector<1280x128xi32>
    %sub3A_48 = arith.subi %sub3A_47, %convert_element_type3A_45 : vector<1280x128xi32>
    %add3A_49 = arith.addi %add3A_27, %sub3A_48 : vector<1280x128xi32>
    %reduce_sum3A_50 = vector.shape_cast %convert_element_type3A_45 : vector<1280x128xi32> to vector<1x1280x128xi32>
    %reduce_sum3A_51 = arith.constant dense<0> : vector<1xi32>
    %reduce_sum3A_52 = vector.multi_reduction <add>, %reduce_sum3A_50, %reduce_sum3A_51 [1, 2] : vector<1x1280x128xi32> to vector<1xi32>
    %reduce_sum3A_53 = vector.shape_cast %reduce_sum3A_52 : vector<1xi32> to vector<1x1x1xi32>
    %reduce_sum3A_54 = vector.extract %reduce_sum3A_53[0, 0, 0] : i32 from vector<1x1x1xi32>
    %eq3A_55 = arith.constant 3 : i32
    %eq3A_56 = vector.broadcast %eq3A_55 : i32 to vector<8x128xi32>
    %eq3A_57 = arith.cmpi eq, %iota3A, %eq3A_56 : vector<8x128xi32>
    %jit3A_58 = arith.constant 0 : i32
    %broadcast_in_dim3A_59 = vector.broadcast %reduce_sum3A_54 : i32 to vector<8x128xi32>
    %broadcast_in_dim3A_60 = vector.broadcast %jit3A_58 : i32 to vector<8x128xi32>
    %select_n3A_61 = arith.select %eq3A_57, %broadcast_in_dim3A_59, %broadcast_in_dim3A_60 : vector<8x128xi1>, vector<8x128xi32>
    %add3A_62 = arith.addi %add3A_40, %select_n3A_61 : vector<8x128xi32>
    %get3A_63 = arith.constant 4 : index
    %get3A_64 = memref.load %arg1[%get3A_63] : memref<17xi32, #tpu.memory_space<smem>>
    %lt3A_65 = vector.broadcast %get3A_64 : i32 to vector<1280x128xi32>
    %lt3A_66 = arith.cmpi slt, %get3A_1, %lt3A_65 : vector<1280x128xi32>
    %convert_element_type3A_67 = arith.extui %lt3A_66 : vector<1280x128xi1> to vector<1280x128xi32>
    %sub3A_68 = arith.constant 1 : i32
    %sub3A_69 = vector.broadcast %sub3A_68 : i32 to vector<1280x128xi32>
    %sub3A_70 = arith.subi %sub3A_69, %convert_element_type3A_67 : vector<1280x128xi32>
    %add3A_71 = arith.addi %add3A_49, %sub3A_70 : vector<1280x128xi32>
    %reduce_sum3A_72 = vector.shape_cast %convert_element_type3A_67 : vector<1280x128xi32> to vector<1x1280x128xi32>
    %reduce_sum3A_73 = arith.constant dense<0> : vector<1xi32>
    %reduce_sum3A_74 = vector.multi_reduction <add>, %reduce_sum3A_72, %reduce_sum3A_73 [1, 2] : vector<1x1280x128xi32> to vector<1xi32>
    %reduce_sum3A_75 = vector.shape_cast %reduce_sum3A_74 : vector<1xi32> to vector<1x1x1xi32>
    %reduce_sum3A_76 = vector.extract %reduce_sum3A_75[0, 0, 0] : i32 from vector<1x1x1xi32>
    %eq3A_77 = arith.constant 4 : i32
    %eq3A_78 = vector.broadcast %eq3A_77 : i32 to vector<8x128xi32>
    %eq3A_79 = arith.cmpi eq, %iota3A, %eq3A_78 : vector<8x128xi32>
    %jit3A_80 = arith.constant 0 : i32
    %broadcast_in_dim3A_81 = vector.broadcast %reduce_sum3A_76 : i32 to vector<8x128xi32>
    %broadcast_in_dim3A_82 = vector.broadcast %jit3A_80 : i32 to vector<8x128xi32>
    %select_n3A_83 = arith.select %eq3A_79, %broadcast_in_dim3A_81, %broadcast_in_dim3A_82 : vector<8x128xi1>, vector<8x128xi32>
    %add3A_84 = arith.addi %add3A_62, %select_n3A_83 : vector<8x128xi32>
    %get3A_85 = arith.constant 5 : index
    %get3A_86 = memref.load %arg1[%get3A_85] : memref<17xi32, #tpu.memory_space<smem>>
    %lt3A_87 = vector.broadcast %get3A_86 : i32 to vector<1280x128xi32>
    %lt3A_88 = arith.cmpi slt, %get3A_1, %lt3A_87 : vector<1280x128xi32>
    %convert_element_type3A_89 = arith.extui %lt3A_88 : vector<1280x128xi1> to vector<1280x128xi32>
    %sub3A_90 = arith.constant 1 : i32
    %sub3A_91 = vector.broadcast %sub3A_90 : i32 to vector<1280x128xi32>
    %sub3A_92 = arith.subi %sub3A_91, %convert_element_type3A_89 : vector<1280x128xi32>
    %add3A_93 = arith.addi %add3A_71, %sub3A_92 : vector<1280x128xi32>
    %reduce_sum3A_94 = vector.shape_cast %convert_element_type3A_89 : vector<1280x128xi32> to vector<1x1280x128xi32>
    %reduce_sum3A_95 = arith.constant dense<0> : vector<1xi32>
    %reduce_sum3A_96 = vector.multi_reduction <add>, %reduce_sum3A_94, %reduce_sum3A_95 [1, 2] : vector<1x1280x128xi32> to vector<1xi32>
    %reduce_sum3A_97 = vector.shape_cast %reduce_sum3A_96 : vector<1xi32> to vector<1x1x1xi32>
    %reduce_sum3A_98 = vector.extract %reduce_sum3A_97[0, 0, 0] : i32 from vector<1x1x1xi32>
    %eq3A_99 = arith.constant 5 : i32
    %eq3A_100 = vector.broadcast %eq3A_99 : i32 to vector<8x128xi32>
    %eq3A_101 = arith.cmpi eq, %iota3A, %eq3A_100 : vector<8x128xi32>
    %jit3A_102 = arith.constant 0 : i32
    %broadcast_in_dim3A_103 = vector.broadcast %reduce_sum3A_98 : i32 to vector<8x128xi32>
    %broadcast_in_dim3A_104 = vector.broadcast %jit3A_102 : i32 to vector<8x128xi32>
    %select_n3A_105 = arith.select %eq3A_101, %broadcast_in_dim3A_103, %broadcast_in_dim3A_104 : vector<8x128xi1>, vector<8x128xi32>
    %add3A_106 = arith.addi %add3A_84, %select_n3A_105 : vector<8x128xi32>
    %get3A_107 = arith.constant 6 : index
    %get3A_108 = memref.load %arg1[%get3A_107] : memref<17xi32, #tpu.memory_space<smem>>
    %lt3A_109 = vector.broadcast %get3A_108 : i32 to vector<1280x128xi32>
    %lt3A_110 = arith.cmpi slt, %get3A_1, %lt3A_109 : vector<1280x128xi32>
    %convert_element_type3A_111 = arith.extui %lt3A_110 : vector<1280x128xi1> to vector<1280x128xi32>
    %sub3A_112 = arith.constant 1 : i32
    %sub3A_113 = vector.broadcast %sub3A_112 : i32 to vector<1280x128xi32>
    %sub3A_114 = arith.subi %sub3A_113, %convert_element_type3A_111 : vector<1280x128xi32>
    %add3A_115 = arith.addi %add3A_93, %sub3A_114 : vector<1280x128xi32>
    %reduce_sum3A_116 = vector.shape_cast %convert_element_type3A_111 : vector<1280x128xi32> to vector<1x1280x128xi32>
    %reduce_sum3A_117 = arith.constant dense<0> : vector<1xi32>
    %reduce_sum3A_118 = vector.multi_reduction <add>, %reduce_sum3A_116, %reduce_sum3A_117 [1, 2] : vector<1x1280x128xi32> to vector<1xi32>
    %reduce_sum3A_119 = vector.shape_cast %reduce_sum3A_118 : vector<1xi32> to vector<1x1x1xi32>
    %reduce_sum3A_120 = vector.extract %reduce_sum3A_119[0, 0, 0] : i32 from vector<1x1x1xi32>
    %eq3A_121 = arith.constant 6 : i32
    %eq3A_122 = vector.broadcast %eq3A_121 : i32 to vector<8x128xi32>
    %eq3A_123 = arith.cmpi eq, %iota3A, %eq3A_122 : vector<8x128xi32>
    %jit3A_124 = arith.constant 0 : i32
    %broadcast_in_dim3A_125 = vector.broadcast %reduce_sum3A_120 : i32 to vector<8x128xi32>
    %broadcast_in_dim3A_126 = vector.broadcast %jit3A_124 : i32 to vector<8x128xi32>
    %select_n3A_127 = arith.select %eq3A_123, %broadcast_in_dim3A_125, %broadcast_in_dim3A_126 : vector<8x128xi1>, vector<8x128xi32>
    %add3A_128 = arith.addi %add3A_106, %select_n3A_127 : vector<8x128xi32>
    %get3A_129 = arith.constant 7 : index
    %get3A_130 = memref.load %arg1[%get3A_129] : memref<17xi32, #tpu.memory_space<smem>>
    %lt3A_131 = vector.broadcast %get3A_130 : i32 to vector<1280x128xi32>
    %lt3A_132 = arith.cmpi slt, %get3A_1, %lt3A_131 : vector<1280x128xi32>
    %convert_element_type3A_133 = arith.extui %lt3A_132 : vector<1280x128xi1> to vector<1280x128xi32>
    %sub3A_134 = arith.constant 1 : i32
    %sub3A_135 = vector.broadcast %sub3A_134 : i32 to vector<1280x128xi32>
    %sub3A_136 = arith.subi %sub3A_135, %convert_element_type3A_133 : vector<1280x128xi32>
    %add3A_137 = arith.addi %add3A_115, %sub3A_136 : vector<1280x128xi32>
    %reduce_sum3A_138 = vector.shape_cast %convert_element_type3A_133 : vector<1280x128xi32> to vector<1x1280x128xi32>
    %reduce_sum3A_139 = arith.constant dense<0> : vector<1xi32>
    %reduce_sum3A_140 = vector.multi_reduction <add>, %reduce_sum3A_138, %reduce_sum3A_139 [1, 2] : vector<1x1280x128xi32> to vector<1xi32>
    %reduce_sum3A_141 = vector.shape_cast %reduce_sum3A_140 : vector<1xi32> to vector<1x1x1xi32>
    %reduce_sum3A_142 = vector.extract %reduce_sum3A_141[0, 0, 0] : i32 from vector<1x1x1xi32>
    %eq3A_143 = arith.constant 7 : i32
    %eq3A_144 = vector.broadcast %eq3A_143 : i32 to vector<8x128xi32>
    %eq3A_145 = arith.cmpi eq, %iota3A, %eq3A_144 : vector<8x128xi32>
    %jit3A_146 = arith.constant 0 : i32
    %broadcast_in_dim3A_147 = vector.broadcast %reduce_sum3A_142 : i32 to vector<8x128xi32>
    %broadcast_in_dim3A_148 = vector.broadcast %jit3A_146 : i32 to vector<8x128xi32>
    %select_n3A_149 = arith.select %eq3A_145, %broadcast_in_dim3A_147, %broadcast_in_dim3A_148 : vector<8x128xi1>, vector<8x128xi32>
    %add3A_150 = arith.addi %add3A_128, %select_n3A_149 : vector<8x128xi32>
    %get3A_151 = arith.constant 8 : index
    %get3A_152 = memref.load %arg1[%get3A_151] : memref<17xi32, #tpu.memory_space<smem>>
    %lt3A_153 = vector.broadcast %get3A_152 : i32 to vector<1280x128xi32>
    %lt3A_154 = arith.cmpi slt, %get3A_1, %lt3A_153 : vector<1280x128xi32>
    %convert_element_type3A_155 = arith.extui %lt3A_154 : vector<1280x128xi1> to vector<1280x128xi32>
    %sub3A_156 = arith.constant 1 : i32
    %sub3A_157 = vector.broadcast %sub3A_156 : i32 to vector<1280x128xi32>
    %sub3A_158 = arith.subi %sub3A_157, %convert_element_type3A_155 : vector<1280x128xi32>
    %add3A_159 = arith.addi %add3A_137, %sub3A_158 : vector<1280x128xi32>
    %reduce_sum3A_160 = vector.shape_cast %convert_element_type3A_155 : vector<1280x128xi32> to vector<1x1280x128xi32>
    %reduce_sum3A_161 = arith.constant dense<0> : vector<1xi32>
    %reduce_sum3A_162 = vector.multi_reduction <add>, %reduce_sum3A_160, %reduce_sum3A_161 [1, 2] : vector<1x1280x128xi32> to vector<1xi32>
    %reduce_sum3A_163 = vector.shape_cast %reduce_sum3A_162 : vector<1xi32> to vector<1x1x1xi32>
    %reduce_sum3A_164 = vector.extract %reduce_sum3A_163[0, 0, 0] : i32 from vector<1x1x1xi32>
    %eq3A_165 = arith.constant 8 : i32
    %eq3A_166 = vector.broadcast %eq3A_165 : i32 to vector<8x128xi32>
    %eq3A_167 = arith.cmpi eq, %iota3A, %eq3A_166 : vector<8x128xi32>
    %jit3A_168 = arith.constant 0 : i32
    %broadcast_in_dim3A_169 = vector.broadcast %reduce_sum3A_164 : i32 to vector<8x128xi32>
    %broadcast_in_dim3A_170 = vector.broadcast %jit3A_168 : i32 to vector<8x128xi32>
    %select_n3A_171 = arith.select %eq3A_167, %broadcast_in_dim3A_169, %broadcast_in_dim3A_170 : vector<8x128xi1>, vector<8x128xi32>
    %add3A_172 = arith.addi %add3A_150, %select_n3A_171 : vector<8x128xi32>
    %get3A_173 = arith.constant 9 : index
    %get3A_174 = memref.load %arg1[%get3A_173] : memref<17xi32, #tpu.memory_space<smem>>
    %lt3A_175 = vector.broadcast %get3A_174 : i32 to vector<1280x128xi32>
    %lt3A_176 = arith.cmpi slt, %get3A_1, %lt3A_175 : vector<1280x128xi32>
    %convert_element_type3A_177 = arith.extui %lt3A_176 : vector<1280x128xi1> to vector<1280x128xi32>
    %sub3A_178 = arith.constant 1 : i32
    %sub3A_179 = vector.broadcast %sub3A_178 : i32 to vector<1280x128xi32>
    %sub3A_180 = arith.subi %sub3A_179, %convert_element_type3A_177 : vector<1280x128xi32>
    %add3A_181 = arith.addi %add3A_159, %sub3A_180 : vector<1280x128xi32>
    %reduce_sum3A_182 = vector.shape_cast %convert_element_type3A_177 : vector<1280x128xi32> to vector<1x1280x128xi32>
    %reduce_sum3A_183 = arith.constant dense<0> : vector<1xi32>
    %reduce_sum3A_184 = vector.multi_reduction <add>, %reduce_sum3A_182, %reduce_sum3A_183 [1, 2] : vector<1x1280x128xi32> to vector<1xi32>
    %reduce_sum3A_185 = vector.shape_cast %reduce_sum3A_184 : vector<1xi32> to vector<1x1x1xi32>
    %reduce_sum3A_186 = vector.extract %reduce_sum3A_185[0, 0, 0] : i32 from vector<1x1x1xi32>
    %eq3A_187 = arith.constant 9 : i32
    %eq3A_188 = vector.broadcast %eq3A_187 : i32 to vector<8x128xi32>
    %eq3A_189 = arith.cmpi eq, %iota3A, %eq3A_188 : vector<8x128xi32>
    %jit3A_190 = arith.constant 0 : i32
    %broadcast_in_dim3A_191 = vector.broadcast %reduce_sum3A_186 : i32 to vector<8x128xi32>
    %broadcast_in_dim3A_192 = vector.broadcast %jit3A_190 : i32 to vector<8x128xi32>
    %select_n3A_193 = arith.select %eq3A_189, %broadcast_in_dim3A_191, %broadcast_in_dim3A_192 : vector<8x128xi1>, vector<8x128xi32>
    %add3A_194 = arith.addi %add3A_172, %select_n3A_193 : vector<8x128xi32>
    %get3A_195 = arith.constant 10 : index
    %get3A_196 = memref.load %arg1[%get3A_195] : memref<17xi32, #tpu.memory_space<smem>>
    %lt3A_197 = vector.broadcast %get3A_196 : i32 to vector<1280x128xi32>
    %lt3A_198 = arith.cmpi slt, %get3A_1, %lt3A_197 : vector<1280x128xi32>
    %convert_element_type3A_199 = arith.extui %lt3A_198 : vector<1280x128xi1> to vector<1280x128xi32>
    %sub3A_200 = arith.constant 1 : i32
    %sub3A_201 = vector.broadcast %sub3A_200 : i32 to vector<1280x128xi32>
    %sub3A_202 = arith.subi %sub3A_201, %convert_element_type3A_199 : vector<1280x128xi32>
    %add3A_203 = arith.addi %add3A_181, %sub3A_202 : vector<1280x128xi32>
    %reduce_sum3A_204 = vector.shape_cast %convert_element_type3A_199 : vector<1280x128xi32> to vector<1x1280x128xi32>
    %reduce_sum3A_205 = arith.constant dense<0> : vector<1xi32>
    %reduce_sum3A_206 = vector.multi_reduction <add>, %reduce_sum3A_204, %reduce_sum3A_205 [1, 2] : vector<1x1280x128xi32> to vector<1xi32>
    %reduce_sum3A_207 = vector.shape_cast %reduce_sum3A_206 : vector<1xi32> to vector<1x1x1xi32>
    %reduce_sum3A_208 = vector.extract %reduce_sum3A_207[0, 0, 0] : i32 from vector<1x1x1xi32>
    %eq3A_209 = arith.constant 10 : i32
    %eq3A_210 = vector.broadcast %eq3A_209 : i32 to vector<8x128xi32>
    %eq3A_211 = arith.cmpi eq, %iota3A, %eq3A_210 : vector<8x128xi32>
    %jit3A_212 = arith.constant 0 : i32
    %broadcast_in_dim3A_213 = vector.broadcast %reduce_sum3A_208 : i32 to vector<8x128xi32>
    %broadcast_in_dim3A_214 = vector.broadcast %jit3A_212 : i32 to vector<8x128xi32>
    %select_n3A_215 = arith.select %eq3A_211, %broadcast_in_dim3A_213, %broadcast_in_dim3A_214 : vector<8x128xi1>, vector<8x128xi32>
    %add3A_216 = arith.addi %add3A_194, %select_n3A_215 : vector<8x128xi32>
    %get3A_217 = arith.constant 11 : index
    %get3A_218 = memref.load %arg1[%get3A_217] : memref<17xi32, #tpu.memory_space<smem>>
    %lt3A_219 = vector.broadcast %get3A_218 : i32 to vector<1280x128xi32>
    %lt3A_220 = arith.cmpi slt, %get3A_1, %lt3A_219 : vector<1280x128xi32>
    %convert_element_type3A_221 = arith.extui %lt3A_220 : vector<1280x128xi1> to vector<1280x128xi32>
    %sub3A_222 = arith.constant 1 : i32
    %sub3A_223 = vector.broadcast %sub3A_222 : i32 to vector<1280x128xi32>
    %sub3A_224 = arith.subi %sub3A_223, %convert_element_type3A_221 : vector<1280x128xi32>
    %add3A_225 = arith.addi %add3A_203, %sub3A_224 : vector<1280x128xi32>
    %reduce_sum3A_226 = vector.shape_cast %convert_element_type3A_221 : vector<1280x128xi32> to vector<1x1280x128xi32>
    %reduce_sum3A_227 = arith.constant dense<0> : vector<1xi32>
    %reduce_sum3A_228 = vector.multi_reduction <add>, %reduce_sum3A_226, %reduce_sum3A_227 [1, 2] : vector<1x1280x128xi32> to vector<1xi32>
    %reduce_sum3A_229 = vector.shape_cast %reduce_sum3A_228 : vector<1xi32> to vector<1x1x1xi32>
    %reduce_sum3A_230 = vector.extract %reduce_sum3A_229[0, 0, 0] : i32 from vector<1x1x1xi32>
    %eq3A_231 = arith.constant 11 : i32
    %eq3A_232 = vector.broadcast %eq3A_231 : i32 to vector<8x128xi32>
    %eq3A_233 = arith.cmpi eq, %iota3A, %eq3A_232 : vector<8x128xi32>
    %jit3A_234 = arith.constant 0 : i32
    %broadcast_in_dim3A_235 = vector.broadcast %reduce_sum3A_230 : i32 to vector<8x128xi32>
    %broadcast_in_dim3A_236 = vector.broadcast %jit3A_234 : i32 to vector<8x128xi32>
    %select_n3A_237 = arith.select %eq3A_233, %broadcast_in_dim3A_235, %broadcast_in_dim3A_236 : vector<8x128xi1>, vector<8x128xi32>
    %add3A_238 = arith.addi %add3A_216, %select_n3A_237 : vector<8x128xi32>
    %get3A_239 = arith.constant 12 : index
    %get3A_240 = memref.load %arg1[%get3A_239] : memref<17xi32, #tpu.memory_space<smem>>
    %lt3A_241 = vector.broadcast %get3A_240 : i32 to vector<1280x128xi32>
    %lt3A_242 = arith.cmpi slt, %get3A_1, %lt3A_241 : vector<1280x128xi32>
    %convert_element_type3A_243 = arith.extui %lt3A_242 : vector<1280x128xi1> to vector<1280x128xi32>
    %sub3A_244 = arith.constant 1 : i32
    %sub3A_245 = vector.broadcast %sub3A_244 : i32 to vector<1280x128xi32>
    %sub3A_246 = arith.subi %sub3A_245, %convert_element_type3A_243 : vector<1280x128xi32>
    %add3A_247 = arith.addi %add3A_225, %sub3A_246 : vector<1280x128xi32>
    %reduce_sum3A_248 = vector.shape_cast %convert_element_type3A_243 : vector<1280x128xi32> to vector<1x1280x128xi32>
    %reduce_sum3A_249 = arith.constant dense<0> : vector<1xi32>
    %reduce_sum3A_250 = vector.multi_reduction <add>, %reduce_sum3A_248, %reduce_sum3A_249 [1, 2] : vector<1x1280x128xi32> to vector<1xi32>
    %reduce_sum3A_251 = vector.shape_cast %reduce_sum3A_250 : vector<1xi32> to vector<1x1x1xi32>
    %reduce_sum3A_252 = vector.extract %reduce_sum3A_251[0, 0, 0] : i32 from vector<1x1x1xi32>
    %eq3A_253 = arith.constant 12 : i32
    %eq3A_254 = vector.broadcast %eq3A_253 : i32 to vector<8x128xi32>
    %eq3A_255 = arith.cmpi eq, %iota3A, %eq3A_254 : vector<8x128xi32>
    %jit3A_256 = arith.constant 0 : i32
    %broadcast_in_dim3A_257 = vector.broadcast %reduce_sum3A_252 : i32 to vector<8x128xi32>
    %broadcast_in_dim3A_258 = vector.broadcast %jit3A_256 : i32 to vector<8x128xi32>
    %select_n3A_259 = arith.select %eq3A_255, %broadcast_in_dim3A_257, %broadcast_in_dim3A_258 : vector<8x128xi1>, vector<8x128xi32>
    %add3A_260 = arith.addi %add3A_238, %select_n3A_259 : vector<8x128xi32>
    %get3A_261 = arith.constant 13 : index
    %get3A_262 = memref.load %arg1[%get3A_261] : memref<17xi32, #tpu.memory_space<smem>>
    %lt3A_263 = vector.broadcast %get3A_262 : i32 to vector<1280x128xi32>
    %lt3A_264 = arith.cmpi slt, %get3A_1, %lt3A_263 : vector<1280x128xi32>
    %convert_element_type3A_265 = arith.extui %lt3A_264 : vector<1280x128xi1> to vector<1280x128xi32>
    %sub3A_266 = arith.constant 1 : i32
    %sub3A_267 = vector.broadcast %sub3A_266 : i32 to vector<1280x128xi32>
    %sub3A_268 = arith.subi %sub3A_267, %convert_element_type3A_265 : vector<1280x128xi32>
    %add3A_269 = arith.addi %add3A_247, %sub3A_268 : vector<1280x128xi32>
    %reduce_sum3A_270 = vector.shape_cast %convert_element_type3A_265 : vector<1280x128xi32> to vector<1x1280x128xi32>
    %reduce_sum3A_271 = arith.constant dense<0> : vector<1xi32>
    %reduce_sum3A_272 = vector.multi_reduction <add>, %reduce_sum3A_270, %reduce_sum3A_271 [1, 2] : vector<1x1280x128xi32> to vector<1xi32>
    %reduce_sum3A_273 = vector.shape_cast %reduce_sum3A_272 : vector<1xi32> to vector<1x1x1xi32>
    %reduce_sum3A_274 = vector.extract %reduce_sum3A_273[0, 0, 0] : i32 from vector<1x1x1xi32>
    %eq3A_275 = arith.constant 13 : i32
    %eq3A_276 = vector.broadcast %eq3A_275 : i32 to vector<8x128xi32>
    %eq3A_277 = arith.cmpi eq, %iota3A, %eq3A_276 : vector<8x128xi32>
    %jit3A_278 = arith.constant 0 : i32
    %broadcast_in_dim3A_279 = vector.broadcast %reduce_sum3A_274 : i32 to vector<8x128xi32>
    %broadcast_in_dim3A_280 = vector.broadcast %jit3A_278 : i32 to vector<8x128xi32>
    %select_n3A_281 = arith.select %eq3A_277, %broadcast_in_dim3A_279, %broadcast_in_dim3A_280 : vector<8x128xi1>, vector<8x128xi32>
    %add3A_282 = arith.addi %add3A_260, %select_n3A_281 : vector<8x128xi32>
    %get3A_283 = arith.constant 14 : index
    %get3A_284 = memref.load %arg1[%get3A_283] : memref<17xi32, #tpu.memory_space<smem>>
    %lt3A_285 = vector.broadcast %get3A_284 : i32 to vector<1280x128xi32>
    %lt3A_286 = arith.cmpi slt, %get3A_1, %lt3A_285 : vector<1280x128xi32>
    %convert_element_type3A_287 = arith.extui %lt3A_286 : vector<1280x128xi1> to vector<1280x128xi32>
    %sub3A_288 = arith.constant 1 : i32
    %sub3A_289 = vector.broadcast %sub3A_288 : i32 to vector<1280x128xi32>
    %sub3A_290 = arith.subi %sub3A_289, %convert_element_type3A_287 : vector<1280x128xi32>
    %add3A_291 = arith.addi %add3A_269, %sub3A_290 : vector<1280x128xi32>
    %reduce_sum3A_292 = vector.shape_cast %convert_element_type3A_287 : vector<1280x128xi32> to vector<1x1280x128xi32>
    %reduce_sum3A_293 = arith.constant dense<0> : vector<1xi32>
    %reduce_sum3A_294 = vector.multi_reduction <add>, %reduce_sum3A_292, %reduce_sum3A_293 [1, 2] : vector<1x1280x128xi32> to vector<1xi32>
    %reduce_sum3A_295 = vector.shape_cast %reduce_sum3A_294 : vector<1xi32> to vector<1x1x1xi32>
    %reduce_sum3A_296 = vector.extract %reduce_sum3A_295[0, 0, 0] : i32 from vector<1x1x1xi32>
    %eq3A_297 = arith.constant 14 : i32
    %eq3A_298 = vector.broadcast %eq3A_297 : i32 to vector<8x128xi32>
    %eq3A_299 = arith.cmpi eq, %iota3A, %eq3A_298 : vector<8x128xi32>
    %jit3A_300 = arith.constant 0 : i32
    %broadcast_in_dim3A_301 = vector.broadcast %reduce_sum3A_296 : i32 to vector<8x128xi32>
    %broadcast_in_dim3A_302 = vector.broadcast %jit3A_300 : i32 to vector<8x128xi32>
    %select_n3A_303 = arith.select %eq3A_299, %broadcast_in_dim3A_301, %broadcast_in_dim3A_302 : vector<8x128xi1>, vector<8x128xi32>
    %add3A_304 = arith.addi %add3A_282, %select_n3A_303 : vector<8x128xi32>
    %get3A_305 = arith.constant 15 : index
    %get3A_306 = memref.load %arg1[%get3A_305] : memref<17xi32, #tpu.memory_space<smem>>
    %lt3A_307 = vector.broadcast %get3A_306 : i32 to vector<1280x128xi32>
    %lt3A_308 = arith.cmpi slt, %get3A_1, %lt3A_307 : vector<1280x128xi32>
    %convert_element_type3A_309 = arith.extui %lt3A_308 : vector<1280x128xi1> to vector<1280x128xi32>
    %sub3A_310 = arith.constant 1 : i32
    %sub3A_311 = vector.broadcast %sub3A_310 : i32 to vector<1280x128xi32>
    %sub3A_312 = arith.subi %sub3A_311, %convert_element_type3A_309 : vector<1280x128xi32>
    %add3A_313 = arith.addi %add3A_291, %sub3A_312 : vector<1280x128xi32>
    %reduce_sum3A_314 = vector.shape_cast %convert_element_type3A_309 : vector<1280x128xi32> to vector<1x1280x128xi32>
    %reduce_sum3A_315 = arith.constant dense<0> : vector<1xi32>
    %reduce_sum3A_316 = vector.multi_reduction <add>, %reduce_sum3A_314, %reduce_sum3A_315 [1, 2] : vector<1x1280x128xi32> to vector<1xi32>
    %reduce_sum3A_317 = vector.shape_cast %reduce_sum3A_316 : vector<1xi32> to vector<1x1x1xi32>
    %reduce_sum3A_318 = vector.extract %reduce_sum3A_317[0, 0, 0] : i32 from vector<1x1x1xi32>
    %eq3A_319 = arith.constant 15 : i32
    %eq3A_320 = vector.broadcast %eq3A_319 : i32 to vector<8x128xi32>
    %eq3A_321 = arith.cmpi eq, %iota3A, %eq3A_320 : vector<8x128xi32>
    %jit3A_322 = arith.constant 0 : i32
    %broadcast_in_dim3A_323 = vector.broadcast %reduce_sum3A_318 : i32 to vector<8x128xi32>
    %broadcast_in_dim3A_324 = vector.broadcast %jit3A_322 : i32 to vector<8x128xi32>
    %select_n3A_325 = arith.select %eq3A_321, %broadcast_in_dim3A_323, %broadcast_in_dim3A_324 : vector<8x128xi1>, vector<8x128xi32>
    %add3A_326 = arith.addi %add3A_304, %select_n3A_325 : vector<8x128xi32>
    %get3A_327 = arith.constant 16 : index
    %get3A_328 = memref.load %arg1[%get3A_327] : memref<17xi32, #tpu.memory_space<smem>>
    %lt3A_329 = vector.broadcast %get3A_328 : i32 to vector<1280x128xi32>
    %lt3A_330 = arith.cmpi slt, %get3A_1, %lt3A_329 : vector<1280x128xi32>
    %convert_element_type3A_331 = arith.extui %lt3A_330 : vector<1280x128xi1> to vector<1280x128xi32>
    %sub3A_332 = arith.constant 1 : i32
    %sub3A_333 = vector.broadcast %sub3A_332 : i32 to vector<1280x128xi32>
    %sub3A_334 = arith.subi %sub3A_333, %convert_element_type3A_331 : vector<1280x128xi32>
    %add3A_335 = arith.addi %add3A_313, %sub3A_334 : vector<1280x128xi32>
    %reduce_sum3A_336 = vector.shape_cast %convert_element_type3A_331 : vector<1280x128xi32> to vector<1x1280x128xi32>
    %reduce_sum3A_337 = arith.constant dense<0> : vector<1xi32>
    %reduce_sum3A_338 = vector.multi_reduction <add>, %reduce_sum3A_336, %reduce_sum3A_337 [1, 2] : vector<1x1280x128xi32> to vector<1xi32>
    %reduce_sum3A_339 = vector.shape_cast %reduce_sum3A_338 : vector<1xi32> to vector<1x1x1xi32>
    %reduce_sum3A_340 = vector.extract %reduce_sum3A_339[0, 0, 0] : i32 from vector<1x1x1xi32>
    %eq3A_341 = arith.constant 16 : i32
    %eq3A_342 = vector.broadcast %eq3A_341 : i32 to vector<8x128xi32>
    %eq3A_343 = arith.cmpi eq, %iota3A, %eq3A_342 : vector<8x128xi32>
    %jit3A_344 = arith.constant 0 : i32
    %broadcast_in_dim3A_345 = vector.broadcast %reduce_sum3A_340 : i32 to vector<8x128xi32>
    %broadcast_in_dim3A_346 = vector.broadcast %jit3A_344 : i32 to vector<8x128xi32>
    %select_n3A_347 = arith.select %eq3A_343, %broadcast_in_dim3A_345, %broadcast_in_dim3A_346 : vector<8x128xi1>, vector<8x128xi32>
    %add3A_348 = arith.addi %add3A_326, %select_n3A_347 : vector<8x128xi32>
    %min3A = arith.constant 15 : i32
    %min3A_349 = vector.broadcast %min3A : i32 to vector<1280x128xi32>
    %min3A_350 = arith.minsi %add3A_335, %min3A_349 : vector<1280x128xi32>
    %swap3A = arith.constant 0 : index
    %swap3A_351 = arith.constant 0 : index
    %swap3A_352 = vector.load %arg2[%swap3A, %swap3A_351] : memref<1280x128xi32, #tpu.memory_space<vmem>>, vector<1280x128xi32>
    tpu.vector_store %arg2[%swap3A, %swap3A_351], %min3A_350 {strides = array<i32>} : memref<1280x128xi32, #tpu.memory_space<vmem>>, vector<1280x128xi32>,
    %swap3A_353 = arith.constant 0 : index
    %swap3A_354 = arith.constant 0 : index
    %swap3A_355 = vector.load %arg3[%swap3A_353, %swap3A_354] : memref<8x128xi32, #tpu.memory_space<vmem>>, vector<8x128xi32>
    tpu.vector_store %arg3[%swap3A_353, %swap3A_354], %add3A_348 {strides = array<i32>} : memref<8x128xi32, #tpu.memory_space<vmem>>, vector<8x128xi32>,
    return
  }
}

</mosaic_0001>

<sc_bundles>
// kernel: kernel.10.cloned.1.call-start
scs
__scs_entry_jumppad:
0x0: {  	(pc) =	sbr.rel $0x88, $3  }
0x1: {  	(tag) =	ssettag $0x0;
	lr =	simm.s32 $0x1  }
0x2: {  	[smem:$0x3F95] =	sst lr;
	_ =	strace $0xD0000000  }
0x3: {  	_ = 	snop  }
0x4: {  	_ = 	snop  }
0x5: {  	_ = 	snop  }
0x6: {  	_ = 	snop  }
0x7: {  	_ = 	snop  }
__scs_overlays_trampoline_lowered:
0x8: {  	[smem:$0x3FA4] =	sst s0  }
0x9: {  	[smem:$0x3FA5] =	sst s1  }
0xa: {  	[smem:$0x3FA6] =	sst s2  }
0xb: {  	[smem:$0x3FA7] =	sst s3  }
0xc: {  	[smem:$0x3FA8] =	sst s4  }
0xd: {  	[smem:$0x3FA9] =	sst s5  }
0xe: {  	[smem:$0x3FAA] =	sst s6  }
0xf: {  	[smem:$0x3FAB] =	sst s7  }
0x10: {  	[smem:$0x3FAC] =	sst s8  }
0x11: {  	[smem:$0x3FAD] =	sst s9;
	s0 =	simm.s32 @!p0 $0x0  }
0x12: {  	s1 =	sld [smem:$0x3F93];
	s0 =	simm.s32 @p0 $0x1  }
0x13: {  	[smem:$0x3FAE] =	sst s0;
	s0 =	simm.s32 @!p1 $0x0  }
0x14: {  	s2 =	sld [smem:$0x3F92];
	s0 =	simm.s32 @p1 $0x1  }
0x15: {  	[smem:$0x3FAF] =	sst s0;
	s0 =	simm.s32 @!p2 $0x0  }
0x16: {  	s3 =	sld [smem:$0x3FDB];
	s0 =	simm.s32 @p2 $0x1  }
0x17: {  	s4 =	simm.s32 $0x1BF5;
	[smem:$0x3FB1] =	sst s0  }
0x18: {  	s0 =	sld [smem:$0x3F94];
	_ =	swait.ge [sflag:s4], $0x0  }
0x19: {  	s7 =	sld [smem:$0x3F95]  }
0x1a: {  	s8 =	sadd.s32 $0xFFFFE003, lr  }
0x1b: {  	s9 =	sadd.s32 $0xFFFFFEF7, lr;
	s5 =	simm.s32 $0xFFFFFFFF;
	p2 =	slt.u32 s8, $0xFFFFF086  }
0x1c: {  	p1 =	slt.u32 s9, $0xF7A;
	s5 =	simm.s32 @!p2 $0x0  }
0x1d: {  	s5 =	simm.s32 @p1 $0x1;
	p0 =	seq.s32 s7, s2  }
0x1e: {  	s7 =	smul.u32 @!p0 $0xF7A, s2;
	p2 =	seq.s32 @!p0 s5, $0x0  }
0x1f: {  	s9 =	smul.u32 $0xF7A, s1;
	s8 =	simm.s32 @!p0 $0x1BF5;
	p2 =	por !p2, p0  }
0x20: {  	[sflag:s8] =	ssyncset.s32 @!p0 $0xFFFFF086;
	s6 =	sadd.s32 @!p0 s3, s7;
	s7 =	simm.s32 @!p0 $0x108  }
0x21: {  	s3 =	sadd.s32 s3, s9;
	s6 =	sadd.s32 @!p0 $0x88, s6;
	s7 =	simm.s32 @p2 $0x1082  }
0x22: {  	[simem:s7], [sflag:s8] =	dma.local @!p0 [hbm:s6], $0xF7A  }
0x23: {  	s9 =	sor.u32 $0xD0000000, s2;
	s6 =	simm.s32 $0x108;
	_ =	swait.ge @!p0 [sflag:s8], $0x0  }
0x24: {  	s3 =	sadd.s32 $0x88, s3;
	s6 =	simm.s32 @!p1 $0x1082;
	[sflag:s4] =	ssyncset.s32 $0xFFFFF086  }
0x25: {  	[simem:s6], [sflag:s4] =	dma.local [hbm:s3], $0xF7A  }
0x26: {  	[smem:$0x3F95] =	sst s1;
	(tag) =	ssettag s2;
	_ =	strace s9  }
0x27: {  	s1 =	sld [smem:$0x3FA5]  }
0x28: {  	s2 =	sld [smem:$0x3FA6]  }
0x29: {  	s4 =	sld [smem:$0x3FA8]  }
0x2a: {  	p0 =	seq.s32 s5, $0x0;
	s5 =	sld [smem:$0x3FA9]  }
0x2b: {  	s6 =	sld [smem:$0x3FAA]  }
0x2c: {  	s7 =	sld [smem:$0x3FAB]  }
0x2d: {  	s3 =	simm.s32 $0x108;
	s8 =	sld [smem:$0x3FAC]  }
0x2e: {  	s3 =	simm.s32 @!p0 $0x1082;
	s9 =	sld [smem:$0x3FAD]  }
0x2f: {  	lr =	sadd.s32 s0, s3;
	s0 =	sld [smem:$0x3FA4]  }
0x30: {  	s3 =	sld [smem:$0x3FA7]  }
0x31: {  	[smem:$0x3FB0] =	sst s10  }
0x32: {  	s10 =	sld [smem:$0x3FAE];
	_ =	sdelay $0x3  }
0x33: {  	p0 =	seq.s32 s10, $0x1;
	s10 =	sld [smem:$0x3FB0];
	_ =	sdelay $0x3  }
0x34: {  	[smem:$0x3FB0] =	sst s10  }
0x35: {  	s10 =	sld [smem:$0x3FAF];
	_ =	sdelay $0x3  }
0x36: {  	p1 =	seq.s32 s10, $0x1;
	s10 =	sld [smem:$0x3FB0];
	_ =	sdelay $0x3  }
0x37: {  	[smem:$0x3FB0] =	sst s10  }
0x38: {  	s10 =	sld [smem:$0x3FB1]  }
0x39: {  	_ = 	snop;
	(pc) =	sbr.ind lr, $3  }
0x3a: {  	_ = 	snop  }
0x3b: {  	_ = 	snop  }
0x3c: {  	p2 =	seq.s32 s10, $0x1;
	s10 =	sld [smem:$0x3FB0]  }
0x3d: {  	_ =	shalt  }
0x3e: {  	_ =	shalt  }
0x3f: {  	_ =	shalt  }
0x40: {  	_ =	shalt  }
0x41: {  	_ =	shalt  }
0x42: {  	_ =	shalt  }
0x43: {  	_ =	shalt  }
0x44: {  	_ =	shalt  }
0x45: {  	_ =	shalt  }
0x46: {  	_ =	shalt  }
0x47: {  	_ =	shalt  }
0x48: {  	_ =	shalt  }
0x49: {  	_ =	shalt  }
0x4a: {  	_ =	shalt  }
0x4b: {  	_ =	shalt  }
0x4c: {  	_ =	shalt  }
0x4d: {  	_ =	shalt  }
0x4e: {  	_ =	shalt  }
0x4f: {  	_ =	shalt  }
0x50: {  	_ =	shalt  }
0x51: {  	_ =	shalt  }
0x52: {  	_ =	shalt  }
0x53: {  	_ =	shalt  }
0x54: {  	_ =	shalt  }
0x55: {  	_ =	shalt  }
0x56: {  	_ =	shalt  }
0x57: {  	_ =	shalt  }
0x58: {  	_ =	shalt  }
0x59: {  	_ =	shalt  }
0x5a: {  	_ =	shalt  }
0x5b: {  	_ =	shalt  }
0x5c: {  	_ =	shalt  }
0x5d: {  	_ =	shalt  }
0x5e: {  	_ =	shalt  }
0x5f: {  	_ =	shalt  }
0x60: {  	_ =	shalt  }
0x61: {  	_ =	shalt  }
0x62: {  	_ =	shalt  }
0x63: {  	_ =	shalt  }
0x64: {  	_ =	shalt  }
0x65: {  	_ =	shalt  }
0x66: {  	_ =	shalt  }
0x67: {  	_ =	shalt  }
0x68: {  	_ =	shalt  }
0x69: {  	_ =	shalt  }
0x6a: {  	_ =	shalt  }
0x6b: {  	_ =	shalt  }
0x6c: {  	_ =	shalt  }
0x6d: {  	_ =	shalt  }
0x6e: {  	_ =	shalt  }
0x6f: {  	_ =	shalt  }
0x70: {  	_ =	shalt  }
0x71: {  	_ =	shalt  }
0x72: {  	_ =	shalt  }
0x73: {  	_ =	shalt  }
0x74: {  	_ =	shalt  }
0x75: {  	_ =	shalt  }
0x76: {  	_ =	shalt  }
0x77: {  	_ =	shalt  }
0x78: {  	_ =	shalt  }
0x79: {  	_ =	shalt  }
0x7a: {  	_ =	shalt  }
0x7b: {  	_ =	shalt  }
0x7c: {  	_ =	shalt  }
0x7d: {  	_ =	shalt  }
0x7e: {  	_ =	shalt  }
0x7f: {  	_ =	shalt  }
0x80: {  	_ =	shalt  }
0x81: {  	_ =	shalt  }
0x82: {  	_ =	shalt  }
0x83: {  	_ =	shalt  }
0x84: {  	_ =	shalt  }
0x85: {  	_ =	shalt  }
0x86: {  	_ =	shalt  }
0x87: {  	_ =	shalt  }
.Lfunc_end0:
.L_simem_size_0:
called_computation.1_lowered:
.L_overlay_start_0:
0x88: {  	s2 =	sld [smem:$0x3FD9]  }
0x89: {  	s3 =	sld [smem:$0x3FFE];
	_ =	sdelay $0x1  }
0x8a: {  	s1 =	srdreg.scid  }
0x8b: {  	s0 =	sand.u32 $0x1, s1  }
0x8c: {  	s14 =	sshll.u32 s0, $0xA;
	s2 =	sadd.s32 s3, s2  }
0x8d: {  	s2 =	sadd.s32 s2, s14  }
0x8e: {  	[smem:$0x3FBC] =	sst s2  }
0x8f: {  	_ = 	snop  }
0x90: {  	s2 =	sld [smem:$0x3FD0];
	_ =	sdelay $0x2  }
0x91: {  	s15 =	simm.s32 $0xA;
	s4 =	simm.s32 $0x10  }
0x92: {  	[smem:s4], [sflag:s15] =	dma.local [hbm:s2], $0x1  }
0x93: {  	_ =	swait.eq [sflag:s15], $0x1  }
0x94: {  	[sflag:s15] =	ssyncset.done $0x0  }
0x95: {  	[sflag:s15] =	ssyncadd.s32 $0xFFFFFFFF  }
0x96: {  	s16 =	sld [smem:$0x10];
	(tm) =	ssettm $0x1  }
0x97: {  	s17 =	sld [smem:$0x3FFB];
	_ =	sdelay $0x3  }
0x98: {  	_ =	strace s17  }
0x99: {  	s3 =	sld [smem:$0x3FFC];
	_ =	sdelay $0x3  }
0x9a: {  	_ =	strace s3  }
0x9b: {  	s3 =	sld [smem:$0x3FFD];
	_ =	sdelay $0x3  }
0x9c: {  	_ =	strace s3  }
0x9d: {  	_ =	strace $0x8FFFFFFF  }
0x9e: {  	s18 =	sld [smem:$0x3FDB];
	_ =	sdelay $0x1  }
0x9f: {  	s19 =	simm.s32 $_scs_section_size  }
0xa0: {  	s5 =	simm.s32 $_size__tile_overlayer_lowered;
	s6 =	simm.s32 $_tile_overlayer_lowered  }
0xa1: {  	s22 =	simm.s32 $0x1BFF;
	s21 =	sshll.u32 s6, $0x1;
	s3 =	sadd.s32 s19, s18  }
0xa2: {  	s7 =	simm.s32 $0x0;
	s20 =	sshll.u32 s5, $0x1;
	s5 =	sadd.s32 s21, s3  }
0xa3: {  	[timem:s7], [sflag:s22] =	dma.local [hbm:s5], s20  }
0xa4: {  	_ =	swait.ge [sflag:s22], s20  }
0xa5: {  	s4 =	ssub.s32 $0x0, s20;
	[sflag:s22] =	ssyncset.done $0x0  }
0xa6: {  	[sflag:s22] =	ssyncadd.s32 s4;
	_ =	sdelay $0x1  }
0xa7: {  	s23 =	simm.s32 $0x1B8B  }
0xa8: {  	_ =	swait.ge [sflag:s23], $0x1  }
0xa9: {  	[sflag:s23] =	ssyncset.done $0x0  }
0xaa: {  	s25 =	simm.s32 $0x1B8E;
	s24 =	sld [smem:$0x3FFE];
	[sflag:s23] =	ssyncadd.s32 $0xFFFFFFFF  }
0xab: {  	s26 =	simm.s32 $execute0_lowered;
	[smem:$0x3FD2] =	sst s25  }
0xac: {  	s5 =	sshll.u32 s26, $0x1;
	_ =	strace $0x80000049;
	[dreg:$0x1] =	wrdreg $0xFFFFFFFF  }
0xad: {  	s28 =	simm.s32 $_size_execute0_lowered;
	s3 =	sadd.s32 s3, s5;
	[dreg:$0x0] =	wrdreg $0x0  }
0xae: {  	s5 =	sshll.u32 s28, $0x1;
	[dreg:$0x2] =	wrdreg s3  }
0xaf: {  	[dreg:$0x3] =	wrdreg s5  }
0xb0: {  	[dreg:$0x4] =	wrdreg $0xC0  }
0xb1: {  	_ =	task [dreg:s7], $0x5FFFF  }
0xb2: {  	[dreg:$0x1] =	wrdreg $0xFFFFFFFF  }
0xb3: {  	[dreg:$0x0] =	wrdreg $0x60  }
0xb4: {  	[dreg:$0x2] =	wrdreg s24  }
0xb5: {  	[dreg:$0x3] =	wrdreg s16  }
0xb6: {  	[dreg:$0x4] =	wrdreg $0x9  }
0xb7: {  	_ =	task.clear_ibuf [dreg:s7], $0x5FFFF;
	_ =	strace $0x90000049  }
0xb8: {  	s29 =	simm.s32 $0x9;
	_ =	strace $0x8000004B  }
0xb9: {  	_ =	swait.ge [sflag:s29], $0x1  }
0xba: {  	[sflag:s29] =	ssyncadd.s32 $0xFFFFFFFF  }
0xbb: {  	_ =	strace $0x9000004B  }
0xbc: {  	_ =	sfence  }
0xbd: {  	s30 =	sld [smem:$0x0];
	_ =	sdelay $0x2  }
0xbe: {  	s31 =	sshll.u32 s1, $0xD;
	s1 =	sshrl.u32 s1, $0x2  }
0xbf: {  	s3 =	sand.u32 $0x4000, s31;
	s1 =	sadd.s32 s1, s30  }
0xc0: {  	s0 =	sor.u32 s3, s0;
	s1 =	sshll.u32 s1, $0x11  }
0xc1: {  	s0 =	sor.u32 s1, s0  }
0xc2: {  	s0 =	sadd.s32 $0x8F2B, s0  }
0xc3: {  	[sflag:s0] =	ssyncadd.remote.s32 $0x1  }
0xc4: {  	_ =	sfence.sel $0xFFFF  }
0xc5: {  	[dreg:$0x0] =	wrdreg $0xFFFFFFFF;
	(pc) =	sbr.abs _section_cstart, $3  }
0xc6: {  	[dreg:$0x1] =	wrdreg $0xFFFFFFFF  }
0xc7: {  	_ =	task.clear_ibuf [dreg:s7], $0x2FFFF;
	_ =	strace $0x9FFFFFFF  }
0xc8: {  	(tm) =	ssettm $0x7FFFFFFF  }
0xc9: {  	_ =	shalt  }
tec
execute0_lowered:
.L_overlay_start_1:
0x0: {  	(tag) =	ssettag $0x1  }
0x1: {  	s0 =	rddreg [dreg:$0x0]  }
0x2: {  	s2 =	rddreg [dreg:$0x1];
	s4 =	stileid.u32  }
0x3: {  	s3 =	simm.s32 $0x0;
	s1 =	srdreg.scid;
	s16 =	simm.s32 $0x80  }
0x4: {  	s17 =	simm.s32 $0x3C00;
	s20 =	simm.s32 $0x7C00;
	s21 =	simm.s32 $0xFC00  }
0x5: {  	s22 =	simm.s32 $0x17C00;
	s23 =	simm.s32 $0x1;
	s28 =	simm.s32 $0x2  }
0x6: {  	s29 =	simm.s32 $0x4;
	s30 =	simm.s32 $0x6;
	s4 =	smul.u32 $0x1400, s4  }
0x7: {  	[smem:$0x7FF] =	sst s3;
	s1 =	sand.u32 $0x1, s1;
	s5 =	sadd.s32 $0x30E00, s0  }
0x8: {  	p0 =	seq.s32 s1, $0x0;
	s1 =	ssub.s32 $0x2, s1;
	s6 =	sadd.s32 $0x14000, s4  }
0x9: {  	s7 =	sadd.s32 $0x7A00, s0;
	s9 =	sshrl.u32 s1, $0x1;
	s4 =	smov.u32 @p0 s6  }
0xa: {  	_ =	strace $0x8000004A;
	s1 =	ssub.s32 s1, s9;
	s8 =	sshrl.u32 s4, $0x3  }
0xb: {  	s6 =	sadd.s32 $0x58E00, s0;
	s24 =	smax.u32 s1, $0x1;
	s10 =	sadd.s32 s8, s0  }
0xc: {  	s8 =	sadd.s32 $0x80E00, s0;
	[dreg:$0x3] =	wrdreg s24;
	s25 =	sadd.s32 $0x26E00, s10  }
0xd: {  	s24 =	simm.s32 $0x3;
	s26 =	sadd.s32 $0x2A00, s10;
	[dreg:$0x4] =	wrdreg s25  }
0xe: {  	s0 =	simm.s32 $0x0;
	s31 =	sadd.s32 $0x2BE00, s10;
	[dreg:$0x5] =	wrdreg s26  }
0xf: {  	[dreg:$0x6] =	wrdreg s31;
	s25 =	simm.s32 $0x5;
	s26 =	simm.s32 $0x7  }
.LBB2_1:
0x10: {  	s1 =	rddreg [dreg:$0x4];
	s9 =	simm.s32 $0x9  }
0x11: {  	[tilespmem:s3], [sflag:$0x9] =	stream.linear.gather [hbm4b:s1+s3], $0x1400, $0x38;
	[tilespmem:$0x1BC00] =	vst v63  }
0x12: {  	_ =	swait.ge [sflag:s9], $0x1400  }
0x13: {  	[sflag:s9] =	ssyncset.done $0x0  }
0x14: {  	s10 =	simm.s32 $0x1400;
	s15 =	rddreg [dreg:$0x5];
	[sflag:s9] =	ssyncadd.s32 $0xFFFFEC00  }
0x15: {  	[tilespmem:s10], [sflag:$0x9] =	stream.linear.gather [hbm4b:s15+s3], $0x1400, $0x38;
	[tilespmem:$0x1BC00] =	vst v63  }
0x16: {  	_ =	swait.ge [sflag:s9], $0x1400  }
0x17: {  	[sflag:s9] =	ssyncset.done $0x0  }
0x18: {  	s11 =	simm.s32 $0x2800;
	s18 =	rddreg [dreg:$0x6];
	[sflag:s9] =	ssyncadd.s32 $0xFFFFEC00  }
0x19: {  	[tilespmem:s11], [sflag:$0x9] =	stream.linear.gather [hbm4b:s18+s3], $0x1400, $0x38;
	[tilespmem:$0x1BC00] =	vst v63  }
0x1a: {  	_ =	swait.ge [sflag:s9], $0x1400  }
0x1b: {  	[sflag:s9] =	ssyncset.done $0x0  }
0x1c: {  	[sflag:s9] =	ssyncadd.s32 $0xFFFFEC00  }
0x1d: {  	[tilespmem:s17], [sflag:$0x1] =	stream.indirect.gather [hbm4b:s5+s16], $0x80, s3, s16, $0xb8;
	[tilespmem:$0x1BC00] =	vst v63  }
0x1e: {  	s19 =	simm.s32 $0xBC00  }
0x1f: {  	[tilespmem:s19], [sflag:$0x3] =	stream.indirect.gather [hbm4b:s7+s16], $0x80, s11, s16, $0xb8;
	[tilespmem:$0x1BC00] =	vst v63  }
0x20: {  	s31 =	simm.s32 $0x13C00;
	s1 =	simm.s32 $0x0  }
0x21: {  	[tilespmem:s31], [sflag:$0x5] =	stream.indirect.gather [hbm4b:s6+s16], $0x80, s10, s16, $0xb8;
	[tilespmem:$0x1BC00] =	vst v63  }
.LBB2_2:
0x22: {  	p0 =	seq.s32 s1, $0x0  }
0x23: {  	s9 =	simm.s32 @!p0 $0x8  }
0x24: {  	_ =	swait.ge @!p0 [sflag:s9], $0x4000  }
0x25: {  	s19 =	sshll.u32 s1, $0x8;
	[sflag:s9] =	ssyncset.done @!p0 $0x0  }
0x26: {  	s18 =	sor.u32 $0x80, s19;
	[sflag:s9] =	ssyncadd.s32 @!p0 $0xFFFFC000  }
0x27: {  	[tilespmem:s20], [sflag:$0x2] =	stream.indirect.gather [hbm4b:s5+s16], $0x80, s18, s16, $0xb8;
	[tilespmem:$0x1BC00] =	vst v63  }
0x28: {  	s14 =	sadd.s32 $0x2880, s19  }
0x29: {  	[tilespmem:s21], [sflag:$0x4] =	stream.indirect.gather [hbm4b:s7+s16], $0x80, s14, s16, $0xb8;
	[tilespmem:$0x1BC00] =	vst v63  }
0x2a: {  	s15 =	sadd.s32 $0x1480, s19  }
0x2b: {  	[tilespmem:s22], [sflag:$0x6] =	stream.indirect.gather [hbm4b:s6+s16], $0x80, s15, s16, $0xb8;
	[tilespmem:$0x1BC00] =	vst v63  }
0x2c: {  	_ =	swait.ge [sflag:s23], $0x4000  }
0x2d: {  	[sflag:s23] =	ssyncset.done $0x0  }
0x2e: {  	[sflag:s23] =	ssyncadd.s32 $0xFFFFC000  }
0x2f: {  	_ =	swait.ge [sflag:s24], $0x4000  }
0x30: {  	[sflag:s24] =	ssyncset.done $0x0  }
0x31: {  	[sflag:s24] =	ssyncadd.s32 $0xFFFFC000  }
0x32: {  	_ =	swait.ge [sflag:s25], $0x4000  }
0x33: {  	[sflag:s25] =	ssyncset.done $0x0  }
0x34: {  	s14 =	simm.s32 $0x3D00;
	[sflag:s25] =	ssyncadd.s32 $0xFFFFC000  }
0x35: {  	s12 =	simm.s32 $0xBD00;
	v0 =	vld [tilespmem:s14+$0x80]  }
0x36: {  	s11 =	simm.s32 $0x13D00;
	v1 =	vld [tilespmem:s12+$0x80]  }
0x37: {  	v2 =	vld [tilespmem:s11+$0x80]  }
0x38: {  	v3 =	vld [tilespmem:s14+$0xFFFFFF80]  }
0x39: {  	v5 =	vld [tilespmem:s12+$0xFFFFFF80]  }
0x3a: {  	v6 =	vld [tilespmem:s14+$0x0]  }
0x3b: {  	v7 =	vld [tilespmem:s14+$0xFFFFFF00]  }
0x3c: {  	v8 =	vld [tilespmem:s11+$0xFFFFFF00]  }
0x3d: {  	v9 =	vld [tilespmem:s11+$0x0]  }
0x3e: {  	v10 =	vld [tilespmem:s14+$0xFFFFFF60]  }
0x3f: {  	s9 =	simm.s32 $0xBF00;
	v11 =	vld [tilespmem:s14+$0xFFFFFFE0]  }
0x40: {  	s10 =	simm.s32 $0x13F00;
	v13 =	vld [tilespmem:s9+$0x80]  }
0x41: {  	v14 =	vld [tilespmem:s10+$0x80]  }
0x42: {  	s15 =	simm.s32 $0x3F00;
	v16 =	vld [tilespmem:s9+$0xFFFFFF80];
	v0 =	vadd.f32 v1, v0  }
0x43: {  	v17 =	vld [tilespmem:s15+$0x0]  }
0x44: {  	v18 =	vld [tilespmem:s15+$0xFFFFFF00];
	v0 =	vadd.f32 v2, v0  }
0x45: {  	v19 =	vld [tilespmem:s10+$0xFFFFFF00]  }
0x46: {  	[tilespmem:s14+$0x80] =	vst v0;
	v0 =	vld [tilespmem:s14+$0x90]  }
0x47: {  	v2 =	vld [tilespmem:s12+$0x90]  }
0x48: {  	v20 =	vld [tilespmem:s10+$0x0]  }
0x49: {  	v4 =	vld [tilespmem:s11+$0x90]  }
0x4a: {  	v29 =	vld [tilespmem:s15+$0xFFFFFF10]  }
0x4b: {  	v1 =	vld [tilespmem:s12+$0xFFFFFF00]  }
0x4c: {  	v31 =	vld [tilespmem:s15+$0xFFFFFF90];
	v0 =	vadd.f32 v2, v0  }
0x4d: {  	v36 =	vld [tilespmem:s15+$0xFFFFFF20]  }
0x4e: {  	v2 =	vld [tilespmem:s12+$0x0];
	v0 =	vadd.f32 v4, v0  }
0x4f: {  	v4 =	vld [tilespmem:s11+$0xFFFFFF80]  }
0x50: {  	[tilespmem:s14+$0x90] =	vst v0;
	v0 =	vadd.f32 v1, v7;
	v1 =	vld [tilespmem:s14+$0xA0]  }
0x51: {  	v7 =	vld [tilespmem:s12+$0xA0]  }
0x52: {  	v3 =	vadd.f32 v5, v3;
	v5 =	vld [tilespmem:s11+$0xA0]  }
0x53: {  	v2 =	vadd.f32 v2, v6;
	v6 =	vld [tilespmem:s14+$0xFFFFFF90];
	v0 =	vadd.f32 v8, v0  }
0x54: {  	v8 =	vld [tilespmem:s14+$0xFFFFFF10]  }
0x55: {  	v2 =	vadd.f32 v9, v2;
	[tilespmem:s14+$0xFFFFFF00] =	vst v0;
	v0 =	vadd.f32 v4, v3;
	v4 =	vld [tilespmem:s14+$0x10]  }
0x56: {  	v3 =	vld [tilespmem:s12+$0xFFFFFF10]  }
0x57: {  	[tilespmem:s14+$0x0] =	vst v2;
	v1 =	vadd.f32 v7, v1;
	v7 =	vld [tilespmem:s11+$0xFFFFFF10]  }
0x58: {  	[tilespmem:s14+$0xFFFFFF80] =	vst v0;
	v2 =	vld [tilespmem:s12+$0x10]  }
0x59: {  	v0 =	vld [tilespmem:s12+$0xFFFFFF90];
	v1 =	vadd.f32 v5, v1  }
0x5a: {  	v5 =	vld [tilespmem:s11+$0xFFFFFF90]  }
0x5b: {  	v3 =	vadd.f32 v3, v8;
	[tilespmem:s14+$0xA0] =	vst v1;
	v1 =	vld [tilespmem:s14+$0xB0]  }
0x5c: {  	v8 =	vld [tilespmem:s11+$0x10]  }
0x5d: {  	v3 =	vadd.f32 v7, v3;
	v7 =	vld [tilespmem:s12+$0xB0]  }
0x5e: {  	v0 =	vadd.f32 v0, v6;
	v6 =	vld [tilespmem:s14+$0xFFFFFF20]  }
0x5f: {  	[tilespmem:s14+$0xFFFFFF10] =	vst v3;
	v3 =	vld [tilespmem:s11+$0xB0]  }
0x60: {  	v0 =	vadd.f32 v5, v0;
	v5 =	vld [tilespmem:s14+$0xFFFFFFA0]  }
0x61: {  	v2 =	vadd.f32 v2, v4;
	v9 =	vld [tilespmem:s12+$0xFFFFFF20]  }
0x62: {  	[tilespmem:s14+$0xFFFFFF90] =	vst v0;
	v0 =	vld [tilespmem:s14+$0x20]  }
0x63: {  	v2 =	vadd.f32 v8, v2;
	v1 =	vadd.f32 v7, v1;
	v4 =	vld [tilespmem:s12+$0xFFFFFFA0]  }
0x64: {  	v7 =	vld [tilespmem:s11+$0xFFFFFFA0]  }
0x65: {  	[tilespmem:s14+$0x10] =	vst v2;
	v1 =	vadd.f32 v3, v1;
	v3 =	vld [tilespmem:s11+$0xFFFFFF20]  }
0x66: {  	v8 =	vld [tilespmem:s12+$0x20]  }
0x67: {  	[tilespmem:s14+$0xB0] =	vst v1;
	v1 =	vld [tilespmem:s14+$0xC0]  }
0x68: {  	v6 =	vadd.f32 v9, v6;
	v2 =	vld [tilespmem:s12+$0xC0]  }
0x69: {  	v9 =	vld [tilespmem:s11+$0x20]  }
0x6a: {  	v4 =	vadd.f32 v4, v5;
	v5 =	vld [tilespmem:s11+$0xC0];
	v3 =	vadd.f32 v3, v6  }
0x6b: {  	v6 =	vld [tilespmem:s14+$0xFFFFFF30]  }
0x6c: {  	v0 =	vadd.f32 v8, v0;
	v4 =	vadd.f32 v7, v4;
	v7 =	vld [tilespmem:s14+$0xFFFFFFB0];
	[tilespmem:s14+$0xFFFFFF20] =	vst v3  }
0x6d: {  	v1 =	vadd.f32 v2, v1;
	v2 =	vld [tilespmem:s12+$0xFFFFFF30]  }
0x6e: {  	v0 =	vadd.f32 v9, v0;
	v9 =	vld [tilespmem:s14+$0x30]  }
0x6f: {  	[tilespmem:s14+$0xFFFFFFA0] =	vst v4;
	v4 =	vld [tilespmem:s11+$0xFFFFFF30];
	v1 =	vadd.f32 v5, v1  }
0x70: {  	v3 =	vld [tilespmem:s12+$0xFFFFFFB0]  }
0x71: {  	[tilespmem:s14+$0xC0] =	vst v1;
	v1 =	vld [tilespmem:s14+$0xD0]  }
0x72: {  	[tilespmem:s14+$0x20] =	vst v0;
	v0 =	vld [tilespmem:s12+$0xD0];
	v2 =	vadd.f32 v2, v6  }
0x73: {  	v5 =	vld [tilespmem:s11+$0xFFFFFFB0]  }
0x74: {  	v6 =	vld [tilespmem:s11+$0xD0];
	v2 =	vadd.f32 v4, v2  }
0x75: {  	v8 =	vld [tilespmem:s12+$0x30]  }
0x76: {  	v3 =	vadd.f32 v3, v7;
	v4 =	vld [tilespmem:s14+$0xFFFFFF40];
	[tilespmem:s14+$0xFFFFFF30] =	vst v2  }
0x77: {  	v0 =	vadd.f32 v0, v1;
	v2 =	vld [tilespmem:s12+$0xFFFFFF40]  }
0x78: {  	v7 =	vld [tilespmem:s11+$0x30];
	v3 =	vadd.f32 v5, v3  }
0x79: {  	v0 =	vadd.f32 v6, v0;
	v6 =	vld [tilespmem:s11+$0xFFFFFF40]  }
0x7a: {  	[tilespmem:s14+$0xFFFFFFB0] =	vst v3;
	v1 =	vld [tilespmem:s14+$0xFFFFFFC0]  }
0x7b: {  	v5 =	vadd.f32 v8, v9;
	v3 =	vld [tilespmem:s12+$0xFFFFFFC0]  }
0x7c: {  	[tilespmem:s14+$0xD0] =	vst v0;
	v0 =	vld [tilespmem:s14+$0xE0];
	v2 =	vadd.f32 v2, v4  }
0x7d: {  	v5 =	vadd.f32 v7, v5;
	v7 =	vld [tilespmem:s12+$0xE0]  }
0x7e: {  	v2 =	vadd.f32 v6, v2;
	v6 =	vld [tilespmem:s11+$0xFFFFFFC0]  }
0x7f: {  	v8 =	vld [tilespmem:s14+$0x40]  }
0x80: {  	[tilespmem:s14+$0x30] =	vst v5;
	v4 =	vld [tilespmem:s11+$0xE0]  }
0x81: {  	v5 =	vld [tilespmem:s12+$0x40];
	v1 =	vadd.f32 v3, v1  }
0x82: {  	v38 =	vld [tilespmem:s15+$0xFFFFFFA0]  }
0x83: {  	v9 =	vld [tilespmem:s11+$0x40];
	v0 =	vadd.f32 v7, v0;
	v1 =	vadd.f32 v6, v1  }
0x84: {  	v7 =	vld [tilespmem:s14+$0xFFFFFF50]  }
0x85: {  	v0 =	vadd.f32 v4, v0;
	v4 =	vld [tilespmem:s14+$0xFFFFFFD0];
	[tilespmem:s14+$0xFFFFFFC0] =	vst v1  }
0x86: {  	[tilespmem:s14+$0xFFFFFF40] =	vst v2;
	v2 =	vadd.f32 v5, v8;
	v5 =	vld [tilespmem:s12+$0xFFFFFFD0]  }
0x87: {  	v3 =	vld [tilespmem:s12+$0xFFFFFF50]  }
0x88: {  	v2 =	vadd.f32 v9, v2;
	v9 =	vld [tilespmem:s11+$0xFFFFFFD0]  }
0x89: {  	v43 =	vld [tilespmem:s15+$0xFFFFFF30]  }
0x8a: {  	v8 =	vld [tilespmem:s11+$0xFFFFFF50]  }
0x8b: {  	v6 =	vld [tilespmem:s14+$0x50];
	[tilespmem:s14+$0x40] =	vst v2;
	v4 =	vadd.f32 v5, v4  }
0x8c: {  	v3 =	vadd.f32 v3, v7;
	v7 =	vld [tilespmem:s12+$0x50]  }
0x8d: {  	v44 =	vld [tilespmem:s15+$0xFFFFFFB0];
	v4 =	vadd.f32 v9, v4  }
0x8e: {  	v48 =	vld [tilespmem:s15+$0x30]  }
0x8f: {  	v53 =	vld [tilespmem:s15+$0x40];
	v3 =	vadd.f32 v8, v3;
	[tilespmem:s14+$0xFFFFFFD0] =	vst v4  }
0x90: {  	v4 =	vld [tilespmem:s12+$0xFFFFFFE0]  }
0x91: {  	[tilespmem:s14+$0xFFFFFF50] =	vst v3;
	v3 =	vadd.f32 v7, v6;
	v7 =	vld [tilespmem:s15+$0x80]  }
0x92: {  	v6 =	vld [tilespmem:s11+$0xFFFFFFE0]  }
0x93: {  	v56 =	vld [tilespmem:s15+$0x50]  }
0x94: {  	v57 =	vld [tilespmem:s15+$0xF0]  }
0x95: {  	v5 =	vld [tilespmem:s11+$0x50];
	v11 =	vadd.f32 v4, v11  }
0x96: {  	[tilespmem:s14+$0xE0] =	vst v0;
	v0 =	vld [tilespmem:s14+$0xF0]  }
0x97: {  	v9 =	vld [tilespmem:s12+$0xFFFFFF60];
	v6 =	vadd.f32 v6, v11;
	v11 =	vadd.f32 v13, v7  }
0x98: {  	v1 =	vld [tilespmem:s12+$0xF0]  }
0x99: {  	v12 =	vld [tilespmem:s11+$0xFFFFFF60];
	v11 =	vadd.f32 v14, v11  }
0x9a: {  	v2 =	vld [tilespmem:s11+$0xF0];
	v5 =	vadd.f32 v5, v3  }
0x9b: {  	[tilespmem:s15+$0x80] =	vst v11;
	v11 =	vld [tilespmem:s15+$0x90]  }
0x9c: {  	[tilespmem:s14+$0x50] =	vst v5;
	v5 =	vadd.f32 v9, v10;
	v13 =	vld [tilespmem:s9+$0x90]  }
0x9d: {  	v61 =	vld [tilespmem:s15+$0x60]  }
0x9e: {  	v12 =	vadd.f32 v12, v5;
	v15 =	vld [tilespmem:s10+$0x90]  }
0x9f: {  	v8 =	vld [tilespmem:s14+$0x60];
	v0 =	vadd.f32 v1, v0  }
0xa0: {  	[tilespmem:s14+$0xFFFFFF60] =	vst v12;
	v12 =	vld [tilespmem:s9+$0xFFFFFF00]  }
0xa1: {  	v2 =	vadd.f32 v2, v0;
	v0 =	vld [tilespmem:s15+$0x70];
	v11 =	vadd.f32 v13, v11  }
0xa2: {  	v3 =	vld [tilespmem:s14+$0xFFFFFF70]  }
0xa3: {  	v14 =	vld [tilespmem:s15+$0xFFFFFF80];
	v11 =	vadd.f32 v15, v11  }
0xa4: {  	v10 =	vld [tilespmem:s12+$0x60]  }
0xa5: {  	v15 =	vld [tilespmem:s10+$0xFFFFFF80];
	[tilespmem:s15+$0x90] =	vst v11;
	v11 =	vadd.f32 v12, v18  }
0xa6: {  	v12 =	vld [tilespmem:s15+$0xA0]  }
0xa7: {  	v28 =	vld [tilespmem:s9+$0xA0];
	v11 =	vadd.f32 v19, v11  }
0xa8: {  	v14 =	vadd.f32 v16, v14;
	v13 =	vld [tilespmem:s9+$0x0]  }
0xa9: {  	v30 =	vld [tilespmem:s10+$0xA0];
	[tilespmem:s15+$0xFFFFFF00] =	vst v11  }
0xaa: {  	v11 =	vadd.f32 v15, v14;
	v14 =	vld [tilespmem:s9+$0xFFFFFF10]  }
0xab: {  	v9 =	vld [tilespmem:s11+$0x60]  }
0xac: {  	v32 =	vld [tilespmem:s10+$0xFFFFFF10];
	v12 =	vadd.f32 v28, v12;
	[tilespmem:s15+$0xFFFFFF80] =	vst v11  }
0xad: {  	v13 =	vadd.f32 v13, v17;
	v11 =	vld [tilespmem:s9+$0xFFFFFF90]  }
0xae: {  	v15 =	vld [tilespmem:s15+$0x10];
	v12 =	vadd.f32 v30, v12  }
0xaf: {  	v13 =	vadd.f32 v20, v13;
	v33 =	vld [tilespmem:s10+$0xFFFFFF90];
	v14 =	vadd.f32 v14, v29  }
0xb0: {  	[tilespmem:s15+$0xA0] =	vst v12;
	v12 =	vld [tilespmem:s15+$0xB0]  }
0xb1: {  	[tilespmem:s15+$0x0] =	vst v13;
	v34 =	vld [tilespmem:s9+$0xB0];
	v14 =	vadd.f32 v32, v14  }
0xb2: {  	v13 =	vld [tilespmem:s9+$0x10];
	v11 =	vadd.f32 v11, v31  }
0xb3: {  	[tilespmem:s15+$0xFFFFFF10] =	vst v14;
	v14 =	vld [tilespmem:s10+$0xB0]  }
0xb4: {  	v35 =	vld [tilespmem:s10+$0x10];
	v11 =	vadd.f32 v33, v11  }
0xb5: {  	v37 =	vld [tilespmem:s9+$0xFFFFFF20]  }
0xb6: {  	v12 =	vadd.f32 v34, v12;
	[tilespmem:s15+$0xFFFFFF90] =	vst v11;
	v11 =	vld [tilespmem:s15+$0x20]  }
0xb7: {  	v13 =	vadd.f32 v13, v15;
	v15 =	vld [tilespmem:s9+$0xFFFFFFA0]  }
0xb8: {  	v12 =	vadd.f32 v14, v12;
	v14 =	vld [tilespmem:s10+$0xFFFFFF20]  }
0xb9: {  	v13 =	vadd.f32 v35, v13;
	v39 =	vld [tilespmem:s10+$0xFFFFFFA0]  }
0xba: {  	[tilespmem:s15+$0xB0] =	vst v12;
	v12 =	vld [tilespmem:s15+$0xC0]  }
0xbb: {  	[tilespmem:s15+$0x10] =	vst v13;
	v17 =	vadd.f32 v37, v36;
	v13 =	vld [tilespmem:s9+$0xC0]  }
0xbc: {  	v40 =	vld [tilespmem:s9+$0x20];
	v15 =	vadd.f32 v15, v38  }
0xbd: {  	v41 =	vld [tilespmem:s10+$0xC0];
	v14 =	vadd.f32 v14, v17  }
0xbe: {  	v42 =	vld [tilespmem:s10+$0x20];
	v15 =	vadd.f32 v39, v15  }
0xbf: {  	v5 =	vld [tilespmem:s14+$0x70];
	[tilespmem:s15+$0xFFFFFF20] =	vst v14  }
0xc0: {  	[tilespmem:s15+$0xFFFFFFA0] =	vst v15;
	v12 =	vadd.f32 v13, v12;
	v13 =	vld [tilespmem:s9+$0xFFFFFF30]  }
0xc1: {  	v11 =	vadd.f32 v40, v11;
	v14 =	vld [tilespmem:s9+$0xFFFFFFB0]  }
0xc2: {  	v15 =	vld [tilespmem:s10+$0xFFFFFF30];
	v12 =	vadd.f32 v41, v12  }
0xc3: {  	v11 =	vadd.f32 v42, v11;
	v45 =	vld [tilespmem:s10+$0xFFFFFFB0]  }
0xc4: {  	[tilespmem:s15+$0xC0] =	vst v12;
	v12 =	vld [tilespmem:s15+$0xD0]  }
0xc5: {  	[tilespmem:s15+$0x20] =	vst v11;
	v11 =	vld [tilespmem:s9+$0xD0]  }
0xc6: {  	v46 =	vld [tilespmem:s9+$0x30];
	v13 =	vadd.f32 v13, v43  }
0xc7: {  	v47 =	vld [tilespmem:s10+$0xD0];
	v14 =	vadd.f32 v14, v44  }
0xc8: {  	v49 =	vld [tilespmem:s10+$0x30];
	v13 =	vadd.f32 v15, v13  }
0xc9: {  	v15 =	vld [tilespmem:s15+$0xFFFFFF40];
	v14 =	vadd.f32 v45, v14  }
0xca: {  	[tilespmem:s15+$0xFFFFFF30] =	vst v13;
	v11 =	vadd.f32 v11, v12;
	v12 =	vld [tilespmem:s15+$0xFFFFFFC0]  }
0xcb: {  	[tilespmem:s15+$0xFFFFFFB0] =	vst v14;
	v13 =	vld [tilespmem:s9+$0xFFFFFF40]  }
0xcc: {  	v14 =	vld [tilespmem:s9+$0xFFFFFFC0];
	v11 =	vadd.f32 v47, v11  }
0xcd: {  	v51 =	vld [tilespmem:s10+$0xFFFFFF40]  }
0xce: {  	v50 =	vadd.f32 v46, v48;
	[tilespmem:s15+$0xD0] =	vst v11;
	v11 =	vld [tilespmem:s15+$0xE0]  }
0xcf: {  	v52 =	vld [tilespmem:s9+$0xE0]  }
0xd0: {  	v16 =	vadd.f32 v49, v50;
	v54 =	vld [tilespmem:s10+$0xFFFFFFC0]  }
0xd1: {  	v13 =	vadd.f32 v13, v15;
	v15 =	vld [tilespmem:s10+$0xE0]  }
0xd2: {  	v4 =	vld [tilespmem:s14+$0xFFFFFFF0];
	[tilespmem:s15+$0x30] =	vst v16  }
0xd3: {  	v16 =	vld [tilespmem:s9+$0x40];
	v12 =	vadd.f32 v14, v12  }
0xd4: {  	v7 =	vld [tilespmem:s12+$0xFFFFFF70];
	v13 =	vadd.f32 v51, v13;
	v11 =	vadd.f32 v52, v11  }
0xd5: {  	[tilespmem:s14+$0xFFFFFFE0] =	vst v6;
	v55 =	vld [tilespmem:s10+$0x40];
	v12 =	vadd.f32 v54, v12  }
0xd6: {  	v6 =	vld [tilespmem:s12+$0xFFFFFFF0];
	[tilespmem:s15+$0xFFFFFF40] =	vst v13;
	v11 =	vadd.f32 v15, v11  }
0xd7: {  	v13 =	vld [tilespmem:s15+$0xFFFFFF50];
	[tilespmem:s15+$0xFFFFFFC0] =	vst v12  }
0xd8: {  	v58 =	vld [tilespmem:s9+$0xFFFFFFD0];
	[tilespmem:s15+$0xE0] =	vst v11;
	v11 =	vadd.f32 v16, v53  }
0xd9: {  	v15 =	vld [tilespmem:s15+$0xFFFFFFD0]  }
0xda: {  	v14 =	vld [tilespmem:s9+$0xFFFFFF50];
	v11 =	vadd.f32 v55, v11  }
0xdb: {  	v8 =	vadd.f32 v10, v8;
	v10 =	vld [tilespmem:s10+$0xFFFFFFD0]  }
0xdc: {  	[tilespmem:s15+$0x40] =	vst v11;
	v11 =	vld [tilespmem:s10+$0xFFFFFF50]  }
0xdd: {  	v60 =	vld [tilespmem:s9+$0x50]  }
0xde: {  	v8 =	vadd.f32 v9, v8;
	v9 =	vld [tilespmem:s15+$0xFFFFFF60];
	v15 =	vadd.f32 v58, v15  }
0xdf: {  	v13 =	vadd.f32 v14, v13;
	v14 =	vld [tilespmem:s10+$0x50]  }
0xe0: {  	[tilespmem:s14+$0x60] =	vst v8;
	v8 =	vld [tilespmem:s15+$0xFFFFFF70];
	v10 =	vadd.f32 v10, v15  }
0xe1: {  	v12 =	vld [tilespmem:s9+$0xF0]  }
0xe2: {  	v59 =	vld [tilespmem:s10+$0xF0];
	[tilespmem:s15+$0xFFFFFFD0] =	vst v10;
	v11 =	vadd.f32 v11, v13;
	v17 =	vadd.f32 v60, v56  }
0xe3: {  	v10 =	vld [tilespmem:s9+$0xFFFFFFE0]  }
0xe4: {  	v13 =	vld [tilespmem:s15+$0xFFFFFFE0];
	[tilespmem:s15+$0xFFFFFF50] =	vst v11;
	v11 =	vadd.f32 v14, v17  }
0xe5: {  	v14 =	vld [tilespmem:s9+$0xFFFFFF60]  }
0xe6: {  	v62 =	vld [tilespmem:s10+$0xFFFFFF60];
	[tilespmem:s15+$0x50] =	vst v11  }
0xe7: {  	v12 =	vadd.f32 v12, v57;
	v11 =	vld [tilespmem:s9+$0x60]  }
0xe8: {  	v1 =	vld [tilespmem:s10+$0xFFFFFFE0]  }
0xe9: {  	v12 =	vadd.f32 v59, v12;
	v63 =	vld [tilespmem:s10+$0x60]  }
0xea: {  	v15 =	vld [tilespmem:s12+$0x70];
	v14 =	vadd.f32 v14, v9  }
0xeb: {  	[tilespmem:s15+$0xF0] =	vst v12;
	v12 =	vld [tilespmem:s11+$0xFFFFFFF0];
	v10 =	vadd.f32 v10, v13  }
0xec: {  	[tilespmem:s14+$0xF0] =	vst v2;
	v13 =	vadd.f32 v62, v14;
	v2 =	vadd.f32 v11, v61;
	v11 =	vld [tilespmem:s11+$0xFFFFFF70]  }
0xed: {  	v9 =	vld [tilespmem:s15+$0xFFFFFFF0];
	v14 =	vadd.f32 v1, v10  }
0xee: {  	v10 =	vld [tilespmem:s11+$0x70];
	[tilespmem:s15+$0xFFFFFF60] =	vst v13;
	v13 =	vadd.f32 v63, v2  }
0xef: {  	s31 =	simm.s32 $0x4100;
	v1 =	vadd.f32 v7, v3;
	[tilespmem:s15+$0xFFFFFFE0] =	vst v14;
	v7 =	vld [tilespmem:s9+$0xFFFFFF70]  }
0xf0: {  	s13 =	simm.s32 $0xBF00;
	s12 =	simm.s32 $0x13F00;
	v3 =	vadd.f32 v15, v5;
	s11 =	simm.s32 $0x4;
	v2 =	vadd.f32 v6, v4;
	v4 =	vld [tilespmem:s9+$0xFFFFFFF0];
	[tilespmem:s15+$0x60] =	vst v13  }
.LBB2_3:
0xf1: {  	v5 =	vld [tilespmem:s31+$0x80];
	s9 =	sadd.s32 $0x200, s9;
	v1 =	vadd.f32 v11, v1  }
0xf2: {  	s11 =	sadd.s32 $0x4, s11;
	v6 =	vld [tilespmem:s9+$0x80];
	v2 =	vadd.f32 v12, v2  }
0xf3: {  	s10 =	sadd.s32 $0x200, s10;
	p0 =	slt.u32 s11, $0x7C;
	v11 =	vld [tilespmem:s9+$0xFFFFFF00];
	[tilespmem:s14+$0xFFFFFF70] =	vst v1;
	v3 =	vadd.f32 v10, v3  }
0xf4: {  	v10 =	vld [tilespmem:s10+$0x80];
	v1 =	vadd.f32 v7, v8;
	[tilespmem:s14+$0xFFFFFFF0] =	vst v2  }
0xf5: {  	v7 =	vld [tilespmem:s31+$0xFFFFFF80];
	v2 =	vadd.f32 v4, v9;
	[tilespmem:s14+$0x70] =	vst v3;
	s14 =	smov.u32 s15;
	s15 =	smov.u32 s31  }
0xf6: {  	v3 =	vld [tilespmem:s9+$0xFFFFFF80]  }
0xf7: {  	v4 =	vld [tilespmem:s31+$0x0];
	v5 =	vadd.f32 v6, v5  }
0xf8: {  	v6 =	vld [tilespmem:s9+$0x0]  }
0xf9: {  	v8 =	vld [tilespmem:s31+$0xFFFFFF00];
	v5 =	vadd.f32 v10, v5  }
0xfa: {  	v9 =	vld [tilespmem:s10+$0xFFFFFF00]  }
0xfb: {  	v3 =	vadd.f32 v3, v7;
	[tilespmem:s31+$0x80] =	vst v5;
	v5 =	vld [tilespmem:s31+$0x90]  }
0xfc: {  	v7 =	vld [tilespmem:s9+$0x90]  }
0xfd: {  	v10 =	vld [tilespmem:s10+$0xFFFFFF80];
	v4 =	vadd.f32 v6, v4  }
0xfe: {  	v6 =	vadd.f32 v11, v8;
	v8 =	vld [tilespmem:s10+$0x90]  }
0xff: {  	v11 =	vld [tilespmem:s10+$0x0]  }
0x100: {  	v6 =	vadd.f32 v9, v6;
	v9 =	vld [tilespmem:s31+$0xFFFFFF10]  }
0x101: {  	v12 =	vld [tilespmem:s31+$0xFFFFFF90];
	v5 =	vadd.f32 v7, v5  }
0x102: {  	[tilespmem:s31+$0xFFFFFF00] =	vst v6;
	v3 =	vadd.f32 v10, v3;
	v6 =	vld [tilespmem:s31+$0x10]  }
0x103: {  	v7 =	vld [tilespmem:s9+$0xFFFFFF10];
	v5 =	vadd.f32 v8, v5  }
0x104: {  	v8 =	vld [tilespmem:s10+$0xFFFFFF10];
	[tilespmem:s31+$0xFFFFFF80] =	vst v3;
	v3 =	vadd.f32 v11, v4  }
0x105: {  	[tilespmem:s31+$0x90] =	vst v5;
	v4 =	vld [tilespmem:s31+$0xA0]  }
0x106: {  	[tilespmem:s31+$0x0] =	vst v3;
	v3 =	vld [tilespmem:s9+$0xA0]  }
0x107: {  	v5 =	vld [tilespmem:s9+$0xFFFFFF90]  }
0x108: {  	v7 =	vadd.f32 v7, v9;
	v9 =	vld [tilespmem:s10+$0xA0]  }
0x109: {  	v10 =	vld [tilespmem:s9+$0x10]  }
0x10a: {  	v7 =	vadd.f32 v8, v7;
	v8 =	vld [tilespmem:s10+$0xFFFFFF90]  }
0x10b: {  	v11 =	vld [tilespmem:s10+$0x10];
	v3 =	vadd.f32 v3, v4  }
0x10c: {  	[tilespmem:s31+$0xFFFFFF10] =	vst v7;
	v4 =	vld [tilespmem:s31+$0xFFFFFF20];
	v5 =	vadd.f32 v5, v12  }
0x10d: {  	v7 =	vld [tilespmem:s9+$0xFFFFFF20];
	v3 =	vadd.f32 v9, v3  }
0x10e: {  	v9 =	vld [tilespmem:s31+$0xFFFFFFA0];
	v6 =	vadd.f32 v10, v6  }
0x10f: {  	v5 =	vadd.f32 v8, v5;
	[tilespmem:s31+$0xA0] =	vst v3;
	v3 =	vld [tilespmem:s31+$0xB0]  }
0x110: {  	v6 =	vadd.f32 v11, v6;
	v8 =	vld [tilespmem:s9+$0xB0]  }
0x111: {  	[tilespmem:s31+$0xFFFFFF90] =	vst v5;
	v5 =	vld [tilespmem:s31+$0x20]  }
0x112: {  	v4 =	vadd.f32 v7, v4;
	[tilespmem:s31+$0x10] =	vst v6;
	v6 =	vld [tilespmem:s10+$0xB0]  }
0x113: {  	v7 =	vld [tilespmem:s9+$0xFFFFFFA0]  }
0x114: {  	v10 =	vld [tilespmem:s9+$0x20]  }
0x115: {  	v11 =	vld [tilespmem:s10+$0xFFFFFF20];
	v3 =	vadd.f32 v8, v3  }
0x116: {  	v8 =	vld [tilespmem:s10+$0xFFFFFFA0]  }
0x117: {  	v12 =	vld [tilespmem:s10+$0x20];
	v3 =	vadd.f32 v6, v3  }
0x118: {  	v6 =	vld [tilespmem:s31+$0xFFFFFF30];
	v7 =	vadd.f32 v7, v9  }
0x119: {  	v5 =	vadd.f32 v10, v5;
	[tilespmem:s31+$0xB0] =	vst v3;
	v3 =	vld [tilespmem:s31+$0xC0]  }
0x11a: {  	v4 =	vadd.f32 v11, v4;
	v9 =	vld [tilespmem:s9+$0xC0]  }
0x11b: {  	v7 =	vadd.f32 v8, v7;
	v8 =	vld [tilespmem:s31+$0xFFFFFFB0]  }
0x11c: {  	[tilespmem:s31+$0xFFFFFF20] =	vst v4;
	v4 =	vadd.f32 v12, v5;
	v5 =	vld [tilespmem:s10+$0xC0]  }
0x11d: {  	v10 =	vld [tilespmem:s9+$0xFFFFFF30];
	[tilespmem:s31+$0xFFFFFFA0] =	vst v7  }
0x11e: {  	v7 =	vld [tilespmem:s9+$0xFFFFFFB0];
	[tilespmem:s31+$0x20] =	vst v4  }
0x11f: {  	v4 =	vld [tilespmem:s9+$0x30];
	v3 =	vadd.f32 v9, v3  }
0x120: {  	v9 =	vld [tilespmem:s31+$0x30]  }
0x121: {  	v11 =	vld [tilespmem:s10+$0xFFFFFF30];
	v3 =	vadd.f32 v5, v3  }
0x122: {  	v5 =	vadd.f32 v10, v6;
	v6 =	vld [tilespmem:s10+$0xFFFFFFB0]  }
0x123: {  	v7 =	vadd.f32 v7, v8;
	[tilespmem:s31+$0xC0] =	vst v3;
	v3 =	vld [tilespmem:s31+$0xD0]  }
0x124: {  	v8 =	vld [tilespmem:s9+$0xD0]  }
0x125: {  	v4 =	vadd.f32 v4, v9;
	v9 =	vld [tilespmem:s10+$0x30]  }
0x126: {  	v5 =	vadd.f32 v11, v5;
	v10 =	vld [tilespmem:s10+$0xD0]  }
0x127: {  	v11 =	vld [tilespmem:s31+$0xFFFFFF40];
	v6 =	vadd.f32 v6, v7  }
0x128: {  	[tilespmem:s31+$0xFFFFFF30] =	vst v5;
	v5 =	vld [tilespmem:s31+$0xFFFFFFC0]  }
0x129: {  	v7 =	vld [tilespmem:s9+$0xFFFFFF40];
	[tilespmem:s31+$0xFFFFFFB0] =	vst v6;
	v3 =	vadd.f32 v8, v3  }
0x12a: {  	v6 =	vld [tilespmem:s9+$0xFFFFFFC0];
	v4 =	vadd.f32 v9, v4  }
0x12b: {  	v8 =	vld [tilespmem:s31+$0x40];
	v3 =	vadd.f32 v10, v3  }
0x12c: {  	v9 =	vld [tilespmem:s10+$0xFFFFFF40];
	[tilespmem:s31+$0x30] =	vst v4  }
0x12d: {  	[tilespmem:s31+$0xD0] =	vst v3;
	v3 =	vld [tilespmem:s31+$0xE0]  }
0x12e: {  	v4 =	vadd.f32 v7, v11;
	v7 =	vld [tilespmem:s9+$0xE0]  }
0x12f: {  	v5 =	vadd.f32 v6, v5;
	v6 =	vld [tilespmem:s9+$0x40]  }
0x130: {  	v10 =	vld [tilespmem:s10+$0xE0]  }
0x131: {  	v4 =	vadd.f32 v9, v4;
	v9 =	vld [tilespmem:s10+$0xFFFFFFC0]  }
0x132: {  	v11 =	vld [tilespmem:s10+$0x40]  }
0x133: {  	[tilespmem:s31+$0xFFFFFF40] =	vst v4;
	v4 =	vld [tilespmem:s31+$0xFFFFFF50];
	v3 =	vadd.f32 v7, v3  }
0x134: {  	v7 =	vld [tilespmem:s9+$0xFFFFFF50];
	v6 =	vadd.f32 v6, v8  }
0x135: {  	v8 =	vld [tilespmem:s31+$0xFFFFFFD0];
	v3 =	vadd.f32 v10, v3  }
0x136: {  	v5 =	vadd.f32 v9, v5;
	v9 =	vld [tilespmem:s31+$0x50]  }
0x137: {  	v6 =	vadd.f32 v11, v6;
	[tilespmem:s31+$0xE0] =	vst v3;
	v3 =	vld [tilespmem:s31+$0xF0]  }
0x138: {  	[tilespmem:s31+$0xFFFFFFC0] =	vst v5;
	v5 =	vld [tilespmem:s9+$0xF0]  }
0x139: {  	v4 =	vadd.f32 v7, v4;
	v7 =	vld [tilespmem:s9+$0xFFFFFFD0];
	[tilespmem:s31+$0x40] =	vst v6  }
0x13a: {  	v6 =	vld [tilespmem:s10+$0xF0]  }
0x13b: {  	v10 =	vld [tilespmem:s9+$0x50]  }
0x13c: {  	v11 =	vld [tilespmem:s10+$0xFFFFFF50]  }
0x13d: {  	v12 =	vld [tilespmem:s10+$0xFFFFFFD0];
	v3 =	vadd.f32 v5, v3  }
0x13e: {  	v5 =	vadd.f32 v7, v8;
	v7 =	vld [tilespmem:s10+$0x50]  }
0x13f: {  	v13 =	vld [tilespmem:s31+$0xFFFFFF60];
	v3 =	vadd.f32 v6, v3  }
0x140: {  	v6 =	vld [tilespmem:s31+$0xFFFFFFE0];
	v9 =	vadd.f32 v10, v9  }
0x141: {  	v4 =	vadd.f32 v11, v4;
	v10 =	vld [tilespmem:s31+$0x60];
	[tilespmem:s31+$0xF0] =	vst v3  }
0x142: {  	v3 =	vadd.f32 v12, v5;
	v5 =	vld [tilespmem:s13+$0x70];
	s13 =	smov.u32 s9  }
0x143: {  	[tilespmem:s31+$0xFFFFFF50] =	vst v4;
	v8 =	vld [tilespmem:s31+$0xFFFFFF70];
	v4 =	vadd.f32 v7, v9  }
0x144: {  	v7 =	vld [tilespmem:s9+$0xFFFFFF60];
	[tilespmem:s31+$0xFFFFFFD0] =	vst v3  }
0x145: {  	v9 =	vld [tilespmem:s9+$0xFFFFFFE0];
	[tilespmem:s31+$0x50] =	vst v4  }
0x146: {  	v4 =	vld [tilespmem:s9+$0x60]  }
0x147: {  	v11 =	vld [tilespmem:s10+$0xFFFFFF60];
	v3 =	vadd.f32 v5, v0  }
0x148: {  	v5 =	vld [tilespmem:s10+$0xFFFFFFE0]  }
0x149: {  	v7 =	vadd.f32 v7, v13;
	v13 =	vld [tilespmem:s10+$0x60]  }
0x14a: {  	v6 =	vadd.f32 v9, v6;
	v9 =	vld [tilespmem:s31+$0xFFFFFFF0]  }
0x14b: {  	v4 =	vadd.f32 v4, v10;
	v0 =	vld [tilespmem:s31+$0x70]  }
.Ltmp0:
0x14c: {  	v7 =	vadd.f32 v11, v7;
	v11 =	vld [tilespmem:s12+$0xFFFFFF70];
	(pc) =	sbr.rel @p0 .LBB2_3-.Ltmp0, $4  }
0x14d: {  	v5 =	vadd.f32 v5, v6;
	v12 =	vld [tilespmem:s12+$0xFFFFFFF0]  }
0x14e: {  	[tilespmem:s31+$0xFFFFFF60] =	vst v7;
	v6 =	vadd.f32 v13, v4;
	v10 =	vld [tilespmem:s12+$0x70];
	s12 =	smov.u32 s10  }
0x14f: {  	v7 =	vld [tilespmem:s9+$0xFFFFFF70];
	[tilespmem:s31+$0xFFFFFFE0] =	vst v5  }
0x150: {  	s31 =	sadd.s32 $0x200, s31;
	v4 =	vld [tilespmem:s9+$0xFFFFFFF0];
	[tilespmem:s15+$0x60] =	vst v6  }
0x151: {  	v5 =	vld [tilespmem:s13+$0x70]  }
0x152: {  	v6 =	vld [tilespmem:s12+$0xFFFFFF70]  }
0x153: {  	v13 =	vld [tilespmem:s12+$0xFFFFFFF0]  }
0x154: {  	v1 =	vadd.f32 v11, v1;
	v11 =	vld [tilespmem:s12+$0x70]  }
0x155: {  	s9 =	sadd.s32 s4, s19;
	v2 =	vadd.f32 v12, v2;
	v7 =	vadd.f32 v7, v8  }
0x156: {  	p0 =	sgt.u32 s9, $0x270FF;
	[tilespmem:s14+$0xFFFFFF70] =	vst v1;
	v1 =	vadd.f32 v10, v3;
	v3 =	vadd.f32 v4, v9  }
0x157: {  	s10 =	sshll.u32 @p0 s9, $0x7;
	[tilespmem:s14+$0xFFFFFFF0] =	vst v2;
	v0 =	vadd.f32 v5, v0;
	v2 =	vadd.f32 v6, v7  }
0x158: {  	s10 =	sadd.s32 @p0 $0xFEC78000, s10;
	[tilespmem:s14+$0x70] =	vst v1;
	v1 =	vadd.f32 v13, v3  }
0x159: {  	s9 =	sshll.u32 @!p0 s9, $0x4;
	s10 =	sshrl.u32 @p0 s10, $0x3;
	[tilespmem:s15+$0xFFFFFF70] =	vst v2;
	v0 =	vadd.f32 v11, v0  }
0x15a: {  	s9 =	sadd.s32 @!p0 s2, s9;
	s10 =	sadd.s32 @p0 s8, s10;
	[tilespmem:s15+$0xFFFFFFF0] =	vst v1  }
0x15b: {  	s9 =	smov.u32 @p0 s10;
	[tilespmem:s15+$0x70] =	vst v0  }
0x15c: {  	[hbm4b:s9+s3] =	stream.linear.scatter [tilespmem:s17], [sflag:$0x7], $0x4000, $0x38;
	[tilespmem:$0x1BC00] =	vst v63  }
0x15d: {  	p0 =	seq.s32 s1, $0x13;
	_ =	swait.ge [sflag:s26], $0x4000  }
0x15e: {  	s10 =	simm.s32 @!p0 $0x80;
	[sflag:s26] =	ssyncset.done $0x0  }
0x15f: {  	s11 =	simm.s32 @!p0 $0x3C00;
	s9 =	sadd.s32 @!p0 $0x100, s19;
	[sflag:s26] =	ssyncadd.s32 $0xFFFFC000  }
0x160: {  	[tilespmem:s11], [sflag:$0x1] =	stream.indirect.gather @!p0 [hbm4b:s5+s10], $0x80, s9, s10, $0xb8;
	[tilespmem:$0x1BC00] =	vst v63  }
0x161: {  	s9 =	sadd.s32 @!p0 $0x2900, s19;
	s11 =	simm.s32 @!p0 $0xBC00  }
0x162: {  	[tilespmem:s11], [sflag:$0x3] =	stream.indirect.gather @!p0 [hbm4b:s7+s10], $0x80, s9, s10, $0xb8;
	[tilespmem:$0x1BC00] =	vst v63  }
0x163: {  	s9 =	sadd.s32 @!p0 $0x1500, s19;
	s11 =	simm.s32 @!p0 $0x13C00  }
0x164: {  	[tilespmem:s11], [sflag:$0x5] =	stream.indirect.gather @!p0 [hbm4b:s6+s10], $0x80, s9, s10, $0xb8;
	[tilespmem:$0x1BC00] =	vst v63  }
0x165: {  	_ =	swait.ge [sflag:s28], $0x4000  }
0x166: {  	[sflag:s28] =	ssyncset.done $0x0  }
0x167: {  	[sflag:s28] =	ssyncadd.s32 $0xFFFFC000  }
0x168: {  	_ =	swait.ge [sflag:s29], $0x4000  }
0x169: {  	[sflag:s29] =	ssyncset.done $0x0  }
0x16a: {  	[sflag:s29] =	ssyncadd.s32 $0xFFFFC000  }
0x16b: {  	_ =	swait.ge [sflag:s30], $0x4000  }
0x16c: {  	[sflag:s30] =	ssyncset.done $0x0  }
0x16d: {  	s14 =	simm.s32 $0x7D00;
	[sflag:s30] =	ssyncadd.s32 $0xFFFFC000  }
0x16e: {  	s19 =	simm.s32 $0xFD00;
	v0 =	vld [tilespmem:s14+$0x80]  }
0x16f: {  	s31 =	simm.s32 $0x17D00;
	v1 =	vld [tilespmem:s19+$0x80]  }
0x170: {  	v2 =	vld [tilespmem:s31+$0x80]  }
0x171: {  	v3 =	vld [tilespmem:s14+$0xFFFFFF80]  }
0x172: {  	v5 =	vld [tilespmem:s19+$0xFFFFFF80]  }
0x173: {  	v6 =	vld [tilespmem:s14+$0x0]  }
0x174: {  	v7 =	vld [tilespmem:s14+$0xFFFFFF00]  }
0x175: {  	v8 =	vld [tilespmem:s31+$0xFFFFFF00]  }
0x176: {  	v9 =	vld [tilespmem:s31+$0x0]  }
0x177: {  	v10 =	vld [tilespmem:s14+$0xFFFFFF60]  }
0x178: {  	s9 =	simm.s32 $0xFF00;
	v11 =	vld [tilespmem:s14+$0xFFFFFFE0]  }
0x179: {  	s10 =	simm.s32 $0x17F00;
	v13 =	vld [tilespmem:s9+$0x80]  }
0x17a: {  	v14 =	vld [tilespmem:s10+$0x80]  }
0x17b: {  	s15 =	simm.s32 $0x7F00;
	v16 =	vld [tilespmem:s9+$0xFFFFFF80];
	v0 =	vadd.f32 v1, v0  }
0x17c: {  	v17 =	vld [tilespmem:s15+$0x0]  }
0x17d: {  	v18 =	vld [tilespmem:s15+$0xFFFFFF00];
	v0 =	vadd.f32 v2, v0  }
0x17e: {  	v19 =	vld [tilespmem:s10+$0xFFFFFF00]  }
0x17f: {  	[tilespmem:s14+$0x80] =	vst v0;
	v0 =	vld [tilespmem:s14+$0x90]  }
0x180: {  	v2 =	vld [tilespmem:s19+$0x90]  }
0x181: {  	v20 =	vld [tilespmem:s10+$0x0]  }
0x182: {  	v4 =	vld [tilespmem:s31+$0x90]  }
0x183: {  	v29 =	vld [tilespmem:s15+$0xFFFFFF10]  }
0x184: {  	v1 =	vld [tilespmem:s19+$0xFFFFFF00]  }
0x185: {  	v31 =	vld [tilespmem:s15+$0xFFFFFF90];
	v0 =	vadd.f32 v2, v0  }
0x186: {  	v36 =	vld [tilespmem:s15+$0xFFFFFF20]  }
0x187: {  	v2 =	vld [tilespmem:s19+$0x0];
	v0 =	vadd.f32 v4, v0  }
0x188: {  	v4 =	vld [tilespmem:s31+$0xFFFFFF80]  }
0x189: {  	[tilespmem:s14+$0x90] =	vst v0;
	v0 =	vadd.f32 v1, v7;
	v1 =	vld [tilespmem:s14+$0xA0]  }
0x18a: {  	v7 =	vld [tilespmem:s19+$0xA0]  }
0x18b: {  	v3 =	vadd.f32 v5, v3;
	v5 =	vld [tilespmem:s31+$0xA0]  }
0x18c: {  	v2 =	vadd.f32 v2, v6;
	v6 =	vld [tilespmem:s14+$0xFFFFFF90];
	v0 =	vadd.f32 v8, v0  }
0x18d: {  	v8 =	vld [tilespmem:s14+$0xFFFFFF10]  }
0x18e: {  	v2 =	vadd.f32 v9, v2;
	[tilespmem:s14+$0xFFFFFF00] =	vst v0;
	v0 =	vadd.f32 v4, v3;
	v4 =	vld [tilespmem:s14+$0x10]  }
0x18f: {  	v3 =	vld [tilespmem:s19+$0xFFFFFF10]  }
0x190: {  	[tilespmem:s14+$0x0] =	vst v2;
	v1 =	vadd.f32 v7, v1;
	v7 =	vld [tilespmem:s31+$0xFFFFFF10]  }
0x191: {  	[tilespmem:s14+$0xFFFFFF80] =	vst v0;
	v2 =	vld [tilespmem:s19+$0x10]  }
0x192: {  	v0 =	vld [tilespmem:s19+$0xFFFFFF90];
	v1 =	vadd.f32 v5, v1  }
0x193: {  	v5 =	vld [tilespmem:s31+$0xFFFFFF90]  }
0x194: {  	v3 =	vadd.f32 v3, v8;
	[tilespmem:s14+$0xA0] =	vst v1;
	v1 =	vld [tilespmem:s14+$0xB0]  }
0x195: {  	v8 =	vld [tilespmem:s31+$0x10]  }
0x196: {  	v3 =	vadd.f32 v7, v3;
	v7 =	vld [tilespmem:s19+$0xB0]  }
0x197: {  	v0 =	vadd.f32 v0, v6;
	v6 =	vld [tilespmem:s14+$0xFFFFFF20]  }
0x198: {  	[tilespmem:s14+$0xFFFFFF10] =	vst v3;
	v3 =	vld [tilespmem:s31+$0xB0]  }
0x199: {  	v0 =	vadd.f32 v5, v0;
	v5 =	vld [tilespmem:s14+$0xFFFFFFA0]  }
0x19a: {  	v2 =	vadd.f32 v2, v4;
	v9 =	vld [tilespmem:s19+$0xFFFFFF20]  }
0x19b: {  	[tilespmem:s14+$0xFFFFFF90] =	vst v0;
	v0 =	vld [tilespmem:s14+$0x20]  }
0x19c: {  	v2 =	vadd.f32 v8, v2;
	v1 =	vadd.f32 v7, v1;
	v4 =	vld [tilespmem:s19+$0xFFFFFFA0]  }
0x19d: {  	v7 =	vld [tilespmem:s31+$0xFFFFFFA0]  }
0x19e: {  	[tilespmem:s14+$0x10] =	vst v2;
	v1 =	vadd.f32 v3, v1;
	v3 =	vld [tilespmem:s31+$0xFFFFFF20]  }
0x19f: {  	v8 =	vld [tilespmem:s19+$0x20]  }
0x1a0: {  	[tilespmem:s14+$0xB0] =	vst v1;
	v1 =	vld [tilespmem:s14+$0xC0]  }
0x1a1: {  	v6 =	vadd.f32 v9, v6;
	v2 =	vld [tilespmem:s19+$0xC0]  }
0x1a2: {  	v9 =	vld [tilespmem:s31+$0x20]  }
0x1a3: {  	v4 =	vadd.f32 v4, v5;
	v5 =	vld [tilespmem:s31+$0xC0];
	v3 =	vadd.f32 v3, v6  }
0x1a4: {  	v6 =	vld [tilespmem:s14+$0xFFFFFF30]  }
0x1a5: {  	v0 =	vadd.f32 v8, v0;
	v4 =	vadd.f32 v7, v4;
	v7 =	vld [tilespmem:s14+$0xFFFFFFB0];
	[tilespmem:s14+$0xFFFFFF20] =	vst v3  }
0x1a6: {  	v1 =	vadd.f32 v2, v1;
	v2 =	vld [tilespmem:s19+$0xFFFFFF30]  }
0x1a7: {  	v0 =	vadd.f32 v9, v0;
	v9 =	vld [tilespmem:s14+$0x30]  }
0x1a8: {  	[tilespmem:s14+$0xFFFFFFA0] =	vst v4;
	v4 =	vld [tilespmem:s31+$0xFFFFFF30];
	v1 =	vadd.f32 v5, v1  }
0x1a9: {  	v3 =	vld [tilespmem:s19+$0xFFFFFFB0]  }
0x1aa: {  	[tilespmem:s14+$0xC0] =	vst v1;
	v1 =	vld [tilespmem:s14+$0xD0]  }
0x1ab: {  	[tilespmem:s14+$0x20] =	vst v0;
	v0 =	vld [tilespmem:s19+$0xD0];
	v2 =	vadd.f32 v2, v6  }
0x1ac: {  	v5 =	vld [tilespmem:s31+$0xFFFFFFB0]  }
0x1ad: {  	v6 =	vld [tilespmem:s31+$0xD0];
	v2 =	vadd.f32 v4, v2  }
0x1ae: {  	v8 =	vld [tilespmem:s19+$0x30]  }
0x1af: {  	v3 =	vadd.f32 v3, v7;
	v4 =	vld [tilespmem:s14+$0xFFFFFF40];
	[tilespmem:s14+$0xFFFFFF30] =	vst v2  }
0x1b0: {  	v0 =	vadd.f32 v0, v1;
	v2 =	vld [tilespmem:s19+$0xFFFFFF40]  }
0x1b1: {  	v7 =	vld [tilespmem:s31+$0x30];
	v3 =	vadd.f32 v5, v3  }
0x1b2: {  	v0 =	vadd.f32 v6, v0;
	v6 =	vld [tilespmem:s31+$0xFFFFFF40]  }
0x1b3: {  	[tilespmem:s14+$0xFFFFFFB0] =	vst v3;
	v1 =	vld [tilespmem:s14+$0xFFFFFFC0]  }
0x1b4: {  	v5 =	vadd.f32 v8, v9;
	v3 =	vld [tilespmem:s19+$0xFFFFFFC0]  }
0x1b5: {  	[tilespmem:s14+$0xD0] =	vst v0;
	v0 =	vld [tilespmem:s14+$0xE0];
	v2 =	vadd.f32 v2, v4  }
0x1b6: {  	v5 =	vadd.f32 v7, v5;
	v7 =	vld [tilespmem:s19+$0xE0]  }
0x1b7: {  	v2 =	vadd.f32 v6, v2;
	v6 =	vld [tilespmem:s31+$0xFFFFFFC0]  }
0x1b8: {  	v8 =	vld [tilespmem:s14+$0x40]  }
0x1b9: {  	[tilespmem:s14+$0x30] =	vst v5;
	v4 =	vld [tilespmem:s31+$0xE0]  }
0x1ba: {  	v5 =	vld [tilespmem:s19+$0x40];
	v1 =	vadd.f32 v3, v1  }
0x1bb: {  	v38 =	vld [tilespmem:s15+$0xFFFFFFA0]  }
0x1bc: {  	v9 =	vld [tilespmem:s31+$0x40];
	v0 =	vadd.f32 v7, v0;
	v1 =	vadd.f32 v6, v1  }
0x1bd: {  	v7 =	vld [tilespmem:s14+$0xFFFFFF50]  }
0x1be: {  	v0 =	vadd.f32 v4, v0;
	v4 =	vld [tilespmem:s14+$0xFFFFFFD0];
	[tilespmem:s14+$0xFFFFFFC0] =	vst v1  }
0x1bf: {  	[tilespmem:s14+$0xFFFFFF40] =	vst v2;
	v2 =	vadd.f32 v5, v8;
	v5 =	vld [tilespmem:s19+$0xFFFFFFD0]  }
0x1c0: {  	v3 =	vld [tilespmem:s19+$0xFFFFFF50]  }
0x1c1: {  	v2 =	vadd.f32 v9, v2;
	v9 =	vld [tilespmem:s31+$0xFFFFFFD0]  }
0x1c2: {  	v43 =	vld [tilespmem:s15+$0xFFFFFF30]  }
0x1c3: {  	v8 =	vld [tilespmem:s31+$0xFFFFFF50]  }
0x1c4: {  	v6 =	vld [tilespmem:s14+$0x50];
	[tilespmem:s14+$0x40] =	vst v2;
	v4 =	vadd.f32 v5, v4  }
0x1c5: {  	v3 =	vadd.f32 v3, v7;
	v7 =	vld [tilespmem:s19+$0x50]  }
0x1c6: {  	v44 =	vld [tilespmem:s15+$0xFFFFFFB0];
	v4 =	vadd.f32 v9, v4  }
0x1c7: {  	v48 =	vld [tilespmem:s15+$0x30]  }
0x1c8: {  	v53 =	vld [tilespmem:s15+$0x40];
	v3 =	vadd.f32 v8, v3;
	[tilespmem:s14+$0xFFFFFFD0] =	vst v4  }
0x1c9: {  	v4 =	vld [tilespmem:s19+$0xFFFFFFE0]  }
0x1ca: {  	[tilespmem:s14+$0xFFFFFF50] =	vst v3;
	v3 =	vadd.f32 v7, v6;
	v7 =	vld [tilespmem:s15+$0x80]  }
0x1cb: {  	v6 =	vld [tilespmem:s31+$0xFFFFFFE0]  }
0x1cc: {  	v56 =	vld [tilespmem:s15+$0x50]  }
0x1cd: {  	v57 =	vld [tilespmem:s15+$0xF0]  }
0x1ce: {  	v5 =	vld [tilespmem:s31+$0x50];
	v11 =	vadd.f32 v4, v11  }
0x1cf: {  	[tilespmem:s14+$0xE0] =	vst v0;
	v0 =	vld [tilespmem:s14+$0xF0]  }
0x1d0: {  	v9 =	vld [tilespmem:s19+$0xFFFFFF60];
	v6 =	vadd.f32 v6, v11;
	v11 =	vadd.f32 v13, v7  }
0x1d1: {  	v1 =	vld [tilespmem:s19+$0xF0]  }
0x1d2: {  	v12 =	vld [tilespmem:s31+$0xFFFFFF60];
	v11 =	vadd.f32 v14, v11  }
0x1d3: {  	v2 =	vld [tilespmem:s31+$0xF0];
	v5 =	vadd.f32 v5, v3  }
0x1d4: {  	[tilespmem:s15+$0x80] =	vst v11;
	v11 =	vld [tilespmem:s15+$0x90]  }
0x1d5: {  	[tilespmem:s14+$0x50] =	vst v5;
	v5 =	vadd.f32 v9, v10;
	v13 =	vld [tilespmem:s9+$0x90]  }
0x1d6: {  	v61 =	vld [tilespmem:s15+$0x60]  }
0x1d7: {  	v12 =	vadd.f32 v12, v5;
	v15 =	vld [tilespmem:s10+$0x90]  }
0x1d8: {  	v8 =	vld [tilespmem:s14+$0x60];
	v0 =	vadd.f32 v1, v0  }
0x1d9: {  	[tilespmem:s14+$0xFFFFFF60] =	vst v12;
	v12 =	vld [tilespmem:s9+$0xFFFFFF00]  }
0x1da: {  	v2 =	vadd.f32 v2, v0;
	v0 =	vld [tilespmem:s15+$0x70];
	v11 =	vadd.f32 v13, v11  }
0x1db: {  	v3 =	vld [tilespmem:s14+$0xFFFFFF70]  }
0x1dc: {  	v14 =	vld [tilespmem:s15+$0xFFFFFF80];
	v11 =	vadd.f32 v15, v11  }
0x1dd: {  	v10 =	vld [tilespmem:s19+$0x60]  }
0x1de: {  	v15 =	vld [tilespmem:s10+$0xFFFFFF80];
	[tilespmem:s15+$0x90] =	vst v11;
	v11 =	vadd.f32 v12, v18  }
0x1df: {  	v12 =	vld [tilespmem:s15+$0xA0]  }
0x1e0: {  	v28 =	vld [tilespmem:s9+$0xA0];
	v11 =	vadd.f32 v19, v11  }
0x1e1: {  	v14 =	vadd.f32 v16, v14;
	v13 =	vld [tilespmem:s9+$0x0]  }
0x1e2: {  	v30 =	vld [tilespmem:s10+$0xA0];
	[tilespmem:s15+$0xFFFFFF00] =	vst v11  }
0x1e3: {  	v11 =	vadd.f32 v15, v14;
	v14 =	vld [tilespmem:s9+$0xFFFFFF10]  }
0x1e4: {  	v9 =	vld [tilespmem:s31+$0x60]  }
0x1e5: {  	v32 =	vld [tilespmem:s10+$0xFFFFFF10];
	v12 =	vadd.f32 v28, v12;
	[tilespmem:s15+$0xFFFFFF80] =	vst v11  }
0x1e6: {  	v13 =	vadd.f32 v13, v17;
	v11 =	vld [tilespmem:s9+$0xFFFFFF90]  }
0x1e7: {  	v15 =	vld [tilespmem:s15+$0x10];
	v12 =	vadd.f32 v30, v12  }
0x1e8: {  	v13 =	vadd.f32 v20, v13;
	v33 =	vld [tilespmem:s10+$0xFFFFFF90];
	v14 =	vadd.f32 v14, v29  }
0x1e9: {  	[tilespmem:s15+$0xA0] =	vst v12;
	v12 =	vld [tilespmem:s15+$0xB0]  }
0x1ea: {  	[tilespmem:s15+$0x0] =	vst v13;
	v34 =	vld [tilespmem:s9+$0xB0];
	v14 =	vadd.f32 v32, v14  }
0x1eb: {  	v13 =	vld [tilespmem:s9+$0x10];
	v11 =	vadd.f32 v11, v31  }
0x1ec: {  	[tilespmem:s15+$0xFFFFFF10] =	vst v14;
	v14 =	vld [tilespmem:s10+$0xB0]  }
0x1ed: {  	v35 =	vld [tilespmem:s10+$0x10];
	v11 =	vadd.f32 v33, v11  }
0x1ee: {  	v37 =	vld [tilespmem:s9+$0xFFFFFF20]  }
0x1ef: {  	v12 =	vadd.f32 v34, v12;
	[tilespmem:s15+$0xFFFFFF90] =	vst v11;
	v11 =	vld [tilespmem:s15+$0x20]  }
0x1f0: {  	v13 =	vadd.f32 v13, v15;
	v15 =	vld [tilespmem:s9+$0xFFFFFFA0]  }
0x1f1: {  	v12 =	vadd.f32 v14, v12;
	v14 =	vld [tilespmem:s10+$0xFFFFFF20]  }
0x1f2: {  	v13 =	vadd.f32 v35, v13;
	v39 =	vld [tilespmem:s10+$0xFFFFFFA0]  }
0x1f3: {  	[tilespmem:s15+$0xB0] =	vst v12;
	v12 =	vld [tilespmem:s15+$0xC0]  }
0x1f4: {  	[tilespmem:s15+$0x10] =	vst v13;
	v17 =	vadd.f32 v37, v36;
	v13 =	vld [tilespmem:s9+$0xC0]  }
0x1f5: {  	v40 =	vld [tilespmem:s9+$0x20];
	v15 =	vadd.f32 v15, v38  }
0x1f6: {  	v41 =	vld [tilespmem:s10+$0xC0];
	v14 =	vadd.f32 v14, v17  }
0x1f7: {  	v42 =	vld [tilespmem:s10+$0x20];
	v15 =	vadd.f32 v39, v15  }
0x1f8: {  	v5 =	vld [tilespmem:s14+$0x70];
	[tilespmem:s15+$0xFFFFFF20] =	vst v14  }
0x1f9: {  	[tilespmem:s15+$0xFFFFFFA0] =	vst v15;
	v12 =	vadd.f32 v13, v12;
	v13 =	vld [tilespmem:s9+$0xFFFFFF30]  }
0x1fa: {  	v11 =	vadd.f32 v40, v11;
	v14 =	vld [tilespmem:s9+$0xFFFFFFB0]  }
0x1fb: {  	v15 =	vld [tilespmem:s10+$0xFFFFFF30];
	v12 =	vadd.f32 v41, v12  }
0x1fc: {  	v11 =	vadd.f32 v42, v11;
	v45 =	vld [tilespmem:s10+$0xFFFFFFB0]  }
0x1fd: {  	[tilespmem:s15+$0xC0] =	vst v12;
	v12 =	vld [tilespmem:s15+$0xD0]  }
0x1fe: {  	[tilespmem:s15+$0x20] =	vst v11;
	v11 =	vld [tilespmem:s9+$0xD0]  }
0x1ff: {  	v46 =	vld [tilespmem:s9+$0x30];
	v13 =	vadd.f32 v13, v43  }
0x200: {  	v47 =	vld [tilespmem:s10+$0xD0];
	v14 =	vadd.f32 v14, v44  }
0x201: {  	v49 =	vld [tilespmem:s10+$0x30];
	v13 =	vadd.f32 v15, v13  }
0x202: {  	v15 =	vld [tilespmem:s15+$0xFFFFFF40];
	v14 =	vadd.f32 v45, v14  }
0x203: {  	[tilespmem:s15+$0xFFFFFF30] =	vst v13;
	v11 =	vadd.f32 v11, v12;
	v12 =	vld [tilespmem:s15+$0xFFFFFFC0]  }
0x204: {  	[tilespmem:s15+$0xFFFFFFB0] =	vst v14;
	v13 =	vld [tilespmem:s9+$0xFFFFFF40]  }
0x205: {  	v14 =	vld [tilespmem:s9+$0xFFFFFFC0];
	v11 =	vadd.f32 v47, v11  }
0x206: {  	v51 =	vld [tilespmem:s10+$0xFFFFFF40]  }
0x207: {  	v50 =	vadd.f32 v46, v48;
	[tilespmem:s15+$0xD0] =	vst v11;
	v11 =	vld [tilespmem:s15+$0xE0]  }
0x208: {  	v52 =	vld [tilespmem:s9+$0xE0]  }
0x209: {  	v16 =	vadd.f32 v49, v50;
	v54 =	vld [tilespmem:s10+$0xFFFFFFC0]  }
0x20a: {  	v13 =	vadd.f32 v13, v15;
	v15 =	vld [tilespmem:s10+$0xE0]  }
0x20b: {  	v4 =	vld [tilespmem:s14+$0xFFFFFFF0];
	[tilespmem:s15+$0x30] =	vst v16  }
0x20c: {  	v16 =	vld [tilespmem:s9+$0x40];
	v12 =	vadd.f32 v14, v12  }
0x20d: {  	v7 =	vld [tilespmem:s19+$0xFFFFFF70];
	v13 =	vadd.f32 v51, v13;
	v11 =	vadd.f32 v52, v11  }
0x20e: {  	[tilespmem:s14+$0xFFFFFFE0] =	vst v6;
	v55 =	vld [tilespmem:s10+$0x40];
	v12 =	vadd.f32 v54, v12  }
0x20f: {  	v6 =	vld [tilespmem:s19+$0xFFFFFFF0];
	[tilespmem:s15+$0xFFFFFF40] =	vst v13;
	v11 =	vadd.f32 v15, v11  }
0x210: {  	v13 =	vld [tilespmem:s15+$0xFFFFFF50];
	[tilespmem:s15+$0xFFFFFFC0] =	vst v12  }
0x211: {  	v58 =	vld [tilespmem:s9+$0xFFFFFFD0];
	[tilespmem:s15+$0xE0] =	vst v11;
	v11 =	vadd.f32 v16, v53  }
0x212: {  	v15 =	vld [tilespmem:s15+$0xFFFFFFD0]  }
0x213: {  	v14 =	vld [tilespmem:s9+$0xFFFFFF50];
	v11 =	vadd.f32 v55, v11  }
0x214: {  	v8 =	vadd.f32 v10, v8;
	v10 =	vld [tilespmem:s10+$0xFFFFFFD0]  }
0x215: {  	[tilespmem:s15+$0x40] =	vst v11;
	v11 =	vld [tilespmem:s10+$0xFFFFFF50]  }
0x216: {  	v60 =	vld [tilespmem:s9+$0x50]  }
0x217: {  	v8 =	vadd.f32 v9, v8;
	v9 =	vld [tilespmem:s15+$0xFFFFFF60];
	v15 =	vadd.f32 v58, v15  }
0x218: {  	v13 =	vadd.f32 v14, v13;
	v14 =	vld [tilespmem:s10+$0x50]  }
0x219: {  	[tilespmem:s14+$0x60] =	vst v8;
	v8 =	vld [tilespmem:s15+$0xFFFFFF70];
	v10 =	vadd.f32 v10, v15  }
0x21a: {  	v12 =	vld [tilespmem:s9+$0xF0]  }
0x21b: {  	v59 =	vld [tilespmem:s10+$0xF0];
	[tilespmem:s15+$0xFFFFFFD0] =	vst v10;
	v11 =	vadd.f32 v11, v13;
	v17 =	vadd.f32 v60, v56  }
0x21c: {  	v10 =	vld [tilespmem:s9+$0xFFFFFFE0]  }
0x21d: {  	v13 =	vld [tilespmem:s15+$0xFFFFFFE0];
	[tilespmem:s15+$0xFFFFFF50] =	vst v11;
	v11 =	vadd.f32 v14, v17  }
0x21e: {  	v14 =	vld [tilespmem:s9+$0xFFFFFF60]  }
0x21f: {  	v62 =	vld [tilespmem:s10+$0xFFFFFF60];
	[tilespmem:s15+$0x50] =	vst v11  }
0x220: {  	v12 =	vadd.f32 v12, v57;
	v11 =	vld [tilespmem:s9+$0x60]  }
0x221: {  	v1 =	vld [tilespmem:s10+$0xFFFFFFE0]  }
0x222: {  	v12 =	vadd.f32 v59, v12;
	v63 =	vld [tilespmem:s10+$0x60]  }
0x223: {  	v15 =	vld [tilespmem:s19+$0x70];
	v14 =	vadd.f32 v14, v9  }
0x224: {  	[tilespmem:s15+$0xF0] =	vst v12;
	v12 =	vld [tilespmem:s31+$0xFFFFFFF0];
	v10 =	vadd.f32 v10, v13  }
0x225: {  	[tilespmem:s14+$0xF0] =	vst v2;
	v13 =	vadd.f32 v62, v14;
	v2 =	vadd.f32 v11, v61;
	v11 =	vld [tilespmem:s31+$0xFFFFFF70]  }
0x226: {  	v9 =	vld [tilespmem:s15+$0xFFFFFFF0];
	v14 =	vadd.f32 v1, v10  }
0x227: {  	v10 =	vld [tilespmem:s31+$0x70];
	[tilespmem:s15+$0xFFFFFF60] =	vst v13;
	v13 =	vadd.f32 v63, v2  }
0x228: {  	s13 =	simm.s32 $0xFF00;
	v1 =	vadd.f32 v7, v3;
	[tilespmem:s15+$0xFFFFFFE0] =	vst v14;
	v7 =	vld [tilespmem:s9+$0xFFFFFF70]  }
0x229: {  	s12 =	simm.s32 $0x17F00;
	s11 =	simm.s32 $0x4;
	s19 =	simm.s32 $0x8100;
	v3 =	vadd.f32 v15, v5;
	v2 =	vadd.f32 v6, v4;
	v4 =	vld [tilespmem:s9+$0xFFFFFFF0];
	[tilespmem:s15+$0x60] =	vst v13  }
.LBB2_5:
0x22a: {  	v5 =	vld [tilespmem:s19+$0x80];
	s9 =	sadd.s32 $0x200, s9;
	v1 =	vadd.f32 v11, v1  }
0x22b: {  	s11 =	sadd.s32 $0x4, s11;
	v6 =	vld [tilespmem:s9+$0x80];
	v2 =	vadd.f32 v12, v2  }
0x22c: {  	s10 =	sadd.s32 $0x200, s10;
	p0 =	slt.u32 s11, $0x7C;
	v11 =	vld [tilespmem:s9+$0xFFFFFF00];
	[tilespmem:s14+$0xFFFFFF70] =	vst v1;
	v3 =	vadd.f32 v10, v3  }
0x22d: {  	v10 =	vld [tilespmem:s10+$0x80];
	v1 =	vadd.f32 v7, v8;
	[tilespmem:s14+$0xFFFFFFF0] =	vst v2  }
0x22e: {  	v7 =	vld [tilespmem:s19+$0xFFFFFF80];
	v2 =	vadd.f32 v4, v9;
	[tilespmem:s14+$0x70] =	vst v3;
	s14 =	smov.u32 s15;
	s15 =	smov.u32 s19  }
0x22f: {  	v3 =	vld [tilespmem:s9+$0xFFFFFF80]  }
0x230: {  	v4 =	vld [tilespmem:s19+$0x0];
	v5 =	vadd.f32 v6, v5  }
0x231: {  	v6 =	vld [tilespmem:s9+$0x0]  }
0x232: {  	v8 =	vld [tilespmem:s19+$0xFFFFFF00];
	v5 =	vadd.f32 v10, v5  }
0x233: {  	v9 =	vld [tilespmem:s10+$0xFFFFFF00]  }
0x234: {  	v3 =	vadd.f32 v3, v7;
	[tilespmem:s19+$0x80] =	vst v5;
	v5 =	vld [tilespmem:s19+$0x90]  }
0x235: {  	v7 =	vld [tilespmem:s9+$0x90]  }
0x236: {  	v10 =	vld [tilespmem:s10+$0xFFFFFF80];
	v4 =	vadd.f32 v6, v4  }
0x237: {  	v6 =	vadd.f32 v11, v8;
	v8 =	vld [tilespmem:s10+$0x90]  }
0x238: {  	v11 =	vld [tilespmem:s10+$0x0]  }
0x239: {  	v6 =	vadd.f32 v9, v6;
	v9 =	vld [tilespmem:s19+$0xFFFFFF10]  }
0x23a: {  	v12 =	vld [tilespmem:s19+$0xFFFFFF90];
	v5 =	vadd.f32 v7, v5  }
0x23b: {  	[tilespmem:s19+$0xFFFFFF00] =	vst v6;
	v3 =	vadd.f32 v10, v3;
	v6 =	vld [tilespmem:s19+$0x10]  }
0x23c: {  	v7 =	vld [tilespmem:s9+$0xFFFFFF10];
	v5 =	vadd.f32 v8, v5  }
0x23d: {  	v8 =	vld [tilespmem:s10+$0xFFFFFF10];
	[tilespmem:s19+$0xFFFFFF80] =	vst v3;
	v3 =	vadd.f32 v11, v4  }
0x23e: {  	[tilespmem:s19+$0x90] =	vst v5;
	v4 =	vld [tilespmem:s19+$0xA0]  }
0x23f: {  	[tilespmem:s19+$0x0] =	vst v3;
	v3 =	vld [tilespmem:s9+$0xA0]  }
0x240: {  	v5 =	vld [tilespmem:s9+$0xFFFFFF90]  }
0x241: {  	v7 =	vadd.f32 v7, v9;
	v9 =	vld [tilespmem:s10+$0xA0]  }
0x242: {  	v10 =	vld [tilespmem:s9+$0x10]  }
0x243: {  	v7 =	vadd.f32 v8, v7;
	v8 =	vld [tilespmem:s10+$0xFFFFFF90]  }
0x244: {  	v11 =	vld [tilespmem:s10+$0x10];
	v3 =	vadd.f32 v3, v4  }
0x245: {  	[tilespmem:s19+$0xFFFFFF10] =	vst v7;
	v4 =	vld [tilespmem:s19+$0xFFFFFF20];
	v5 =	vadd.f32 v5, v12  }
0x246: {  	v7 =	vld [tilespmem:s9+$0xFFFFFF20];
	v3 =	vadd.f32 v9, v3  }
0x247: {  	v9 =	vld [tilespmem:s19+$0xFFFFFFA0];
	v6 =	vadd.f32 v10, v6  }
0x248: {  	v5 =	vadd.f32 v8, v5;
	[tilespmem:s19+$0xA0] =	vst v3;
	v3 =	vld [tilespmem:s19+$0xB0]  }
0x249: {  	v6 =	vadd.f32 v11, v6;
	v8 =	vld [tilespmem:s9+$0xB0]  }
0x24a: {  	[tilespmem:s19+$0xFFFFFF90] =	vst v5;
	v5 =	vld [tilespmem:s19+$0x20]  }
0x24b: {  	v4 =	vadd.f32 v7, v4;
	[tilespmem:s19+$0x10] =	vst v6;
	v6 =	vld [tilespmem:s10+$0xB0]  }
0x24c: {  	v7 =	vld [tilespmem:s9+$0xFFFFFFA0]  }
0x24d: {  	v10 =	vld [tilespmem:s9+$0x20]  }
0x24e: {  	v11 =	vld [tilespmem:s10+$0xFFFFFF20];
	v3 =	vadd.f32 v8, v3  }
0x24f: {  	v8 =	vld [tilespmem:s10+$0xFFFFFFA0]  }
0x250: {  	v12 =	vld [tilespmem:s10+$0x20];
	v3 =	vadd.f32 v6, v3  }
0x251: {  	v6 =	vld [tilespmem:s19+$0xFFFFFF30];
	v7 =	vadd.f32 v7, v9  }
0x252: {  	v5 =	vadd.f32 v10, v5;
	[tilespmem:s19+$0xB0] =	vst v3;
	v3 =	vld [tilespmem:s19+$0xC0]  }
0x253: {  	v4 =	vadd.f32 v11, v4;
	v9 =	vld [tilespmem:s9+$0xC0]  }
0x254: {  	v7 =	vadd.f32 v8, v7;
	v8 =	vld [tilespmem:s19+$0xFFFFFFB0]  }
0x255: {  	[tilespmem:s19+$0xFFFFFF20] =	vst v4;
	v4 =	vadd.f32 v12, v5;
	v5 =	vld [tilespmem:s10+$0xC0]  }
0x256: {  	v10 =	vld [tilespmem:s9+$0xFFFFFF30];
	[tilespmem:s19+$0xFFFFFFA0] =	vst v7  }
0x257: {  	v7 =	vld [tilespmem:s9+$0xFFFFFFB0];
	[tilespmem:s19+$0x20] =	vst v4  }
0x258: {  	v4 =	vld [tilespmem:s9+$0x30];
	v3 =	vadd.f32 v9, v3  }
0x259: {  	v9 =	vld [tilespmem:s19+$0x30]  }
0x25a: {  	v11 =	vld [tilespmem:s10+$0xFFFFFF30];
	v3 =	vadd.f32 v5, v3  }
0x25b: {  	v5 =	vadd.f32 v10, v6;
	v6 =	vld [tilespmem:s10+$0xFFFFFFB0]  }
0x25c: {  	v7 =	vadd.f32 v7, v8;
	[tilespmem:s19+$0xC0] =	vst v3;
	v3 =	vld [tilespmem:s19+$0xD0]  }
0x25d: {  	v8 =	vld [tilespmem:s9+$0xD0]  }
0x25e: {  	v4 =	vadd.f32 v4, v9;
	v9 =	vld [tilespmem:s10+$0x30]  }
0x25f: {  	v5 =	vadd.f32 v11, v5;
	v10 =	vld [tilespmem:s10+$0xD0]  }
0x260: {  	v11 =	vld [tilespmem:s19+$0xFFFFFF40];
	v6 =	vadd.f32 v6, v7  }
0x261: {  	[tilespmem:s19+$0xFFFFFF30] =	vst v5;
	v5 =	vld [tilespmem:s19+$0xFFFFFFC0]  }
0x262: {  	v7 =	vld [tilespmem:s9+$0xFFFFFF40];
	[tilespmem:s19+$0xFFFFFFB0] =	vst v6;
	v3 =	vadd.f32 v8, v3  }
0x263: {  	v6 =	vld [tilespmem:s9+$0xFFFFFFC0];
	v4 =	vadd.f32 v9, v4  }
0x264: {  	v8 =	vld [tilespmem:s19+$0x40];
	v3 =	vadd.f32 v10, v3  }
0x265: {  	v9 =	vld [tilespmem:s10+$0xFFFFFF40];
	[tilespmem:s19+$0x30] =	vst v4  }
0x266: {  	[tilespmem:s19+$0xD0] =	vst v3;
	v3 =	vld [tilespmem:s19+$0xE0]  }
0x267: {  	v4 =	vadd.f32 v7, v11;
	v7 =	vld [tilespmem:s9+$0xE0]  }
0x268: {  	v5 =	vadd.f32 v6, v5;
	v6 =	vld [tilespmem:s9+$0x40]  }
0x269: {  	v10 =	vld [tilespmem:s10+$0xE0]  }
0x26a: {  	v4 =	vadd.f32 v9, v4;
	v9 =	vld [tilespmem:s10+$0xFFFFFFC0]  }
0x26b: {  	v11 =	vld [tilespmem:s10+$0x40]  }
0x26c: {  	[tilespmem:s19+$0xFFFFFF40] =	vst v4;
	v4 =	vld [tilespmem:s19+$0xFFFFFF50];
	v3 =	vadd.f32 v7, v3  }
0x26d: {  	v7 =	vld [tilespmem:s9+$0xFFFFFF50];
	v6 =	vadd.f32 v6, v8  }
0x26e: {  	v8 =	vld [tilespmem:s19+$0xFFFFFFD0];
	v3 =	vadd.f32 v10, v3  }
0x26f: {  	v5 =	vadd.f32 v9, v5;
	v9 =	vld [tilespmem:s19+$0x50]  }
0x270: {  	v6 =	vadd.f32 v11, v6;
	[tilespmem:s19+$0xE0] =	vst v3;
	v3 =	vld [tilespmem:s19+$0xF0]  }
0x271: {  	[tilespmem:s19+$0xFFFFFFC0] =	vst v5;
	v5 =	vld [tilespmem:s9+$0xF0]  }
0x272: {  	v4 =	vadd.f32 v7, v4;
	v7 =	vld [tilespmem:s9+$0xFFFFFFD0];
	[tilespmem:s19+$0x40] =	vst v6  }
0x273: {  	v6 =	vld [tilespmem:s10+$0xF0]  }
0x274: {  	v10 =	vld [tilespmem:s9+$0x50]  }
0x275: {  	v11 =	vld [tilespmem:s10+$0xFFFFFF50]  }
0x276: {  	v12 =	vld [tilespmem:s10+$0xFFFFFFD0];
	v3 =	vadd.f32 v5, v3  }
0x277: {  	v5 =	vadd.f32 v7, v8;
	v7 =	vld [tilespmem:s10+$0x50]  }
0x278: {  	v13 =	vld [tilespmem:s19+$0xFFFFFF60];
	v3 =	vadd.f32 v6, v3  }
0x279: {  	v6 =	vld [tilespmem:s19+$0xFFFFFFE0];
	v9 =	vadd.f32 v10, v9  }
0x27a: {  	v4 =	vadd.f32 v11, v4;
	v10 =	vld [tilespmem:s19+$0x60];
	[tilespmem:s19+$0xF0] =	vst v3  }
0x27b: {  	v3 =	vadd.f32 v12, v5;
	v5 =	vld [tilespmem:s13+$0x70];
	s13 =	smov.u32 s9  }
0x27c: {  	[tilespmem:s19+$0xFFFFFF50] =	vst v4;
	v8 =	vld [tilespmem:s19+$0xFFFFFF70];
	v4 =	vadd.f32 v7, v9  }
0x27d: {  	v7 =	vld [tilespmem:s9+$0xFFFFFF60];
	[tilespmem:s19+$0xFFFFFFD0] =	vst v3  }
0x27e: {  	v9 =	vld [tilespmem:s9+$0xFFFFFFE0];
	[tilespmem:s19+$0x50] =	vst v4  }
0x27f: {  	v4 =	vld [tilespmem:s9+$0x60]  }
0x280: {  	v11 =	vld [tilespmem:s10+$0xFFFFFF60];
	v3 =	vadd.f32 v5, v0  }
0x281: {  	v5 =	vld [tilespmem:s10+$0xFFFFFFE0]  }
0x282: {  	v7 =	vadd.f32 v7, v13;
	v13 =	vld [tilespmem:s10+$0x60]  }
0x283: {  	v6 =	vadd.f32 v9, v6;
	v9 =	vld [tilespmem:s19+$0xFFFFFFF0]  }
0x284: {  	v4 =	vadd.f32 v4, v10;
	v0 =	vld [tilespmem:s19+$0x70]  }
.Ltmp1:
0x285: {  	v7 =	vadd.f32 v11, v7;
	v11 =	vld [tilespmem:s12+$0xFFFFFF70];
	(pc) =	sbr.rel @p0 .LBB2_5-.Ltmp1, $4  }
0x286: {  	v5 =	vadd.f32 v5, v6;
	v12 =	vld [tilespmem:s12+$0xFFFFFFF0]  }
0x287: {  	[tilespmem:s19+$0xFFFFFF60] =	vst v7;
	v6 =	vadd.f32 v13, v4;
	v10 =	vld [tilespmem:s12+$0x70];
	s12 =	smov.u32 s10  }
0x288: {  	v7 =	vld [tilespmem:s9+$0xFFFFFF70];
	[tilespmem:s19+$0xFFFFFFE0] =	vst v5  }
0x289: {  	s19 =	sadd.s32 $0x200, s19;
	v4 =	vld [tilespmem:s9+$0xFFFFFFF0];
	[tilespmem:s15+$0x60] =	vst v6  }
0x28a: {  	v5 =	vld [tilespmem:s13+$0x70];
	s9 =	sadd.s32 s4, s18  }
0x28b: {  	v6 =	vld [tilespmem:s12+$0xFFFFFF70];
	p0 =	sgt.u32 s9, $0x270FF  }
0x28c: {  	v13 =	vld [tilespmem:s12+$0xFFFFFFF0];
	s10 =	sshll.u32 @p0 s9, $0x7  }
0x28d: {  	v1 =	vadd.f32 v11, v1;
	v59 =	vld [tilespmem:s12+$0x70];
	s10 =	sadd.s32 @p0 $0xFEC78000, s10  }
0x28e: {  	v2 =	vadd.f32 v12, v2;
	s9 =	sshll.u32 @!p0 s9, $0x4;
	v7 =	vadd.f32 v7, v8;
	s10 =	sshrl.u32 @p0 s10, $0x3  }
0x28f: {  	s1 =	sadd.s32 $0x1, s1;
	[tilespmem:s14+$0xFFFFFF70] =	vst v1;
	v60 =	vadd.f32 v10, v3;
	s9 =	sadd.s32 @!p0 s2, s9;
	v61 =	vadd.f32 v4, v9;
	s10 =	sadd.s32 @p0 s8, s10  }
0x290: {  	[tilespmem:s14+$0xFFFFFFF0] =	vst v2;
	v0 =	vadd.f32 v5, v0;
	v62 =	vadd.f32 v6, v7;
	s9 =	smov.u32 @p0 s10;
	p0 =	sne.s32 s1, $0x14  }
.Ltmp2:
0x291: {  	[tilespmem:s14+$0x70] =	vst v60;
	v63 =	vadd.f32 v13, v61;
	(pc) =	sbr.rel @p0 .LBB2_2-.Ltmp2, $4  }
0x292: {  	[tilespmem:s15+$0xFFFFFF70] =	vst v62;
	v0 =	vadd.f32 v59, v0  }
0x293: {  	[tilespmem:s15+$0xFFFFFFF0] =	vst v63  }
0x294: {  	[tilespmem:s15+$0x70] =	vst v0  }
0x295: {  	[hbm4b:s9+s3] =	stream.linear.scatter [tilespmem:s20], [sflag:$0x8], $0x4000, $0x38;
	[tilespmem:$0x1BC00] =	vst v63  }
0x296: {  	s9 =	simm.s32 $0x8  }
0x297: {  	_ =	swait.ge [sflag:s9], $0x4000  }
0x298: {  	s0 =	sadd.s32 $0x1, s0;
	s1 =	rddreg [dreg:$0x3]  }
0x299: {  	p0 =	sne.s32 s0, s1  }
.Ltmp3:
0x29a: {  	_ = 	snop;
	(pc) =	sbr.rel @p0 .LBB2_1-.Ltmp3, $3  }
0x29b: {  	_ =	sdelay $0x1  }
0x29c: {  	[sflag:s9] =	ssyncset.done $0x0  }
0x29d: {  	[sflag:s9] =	ssyncadd.s32 $0xFFFFC000  }
0x29e: {  	_ =	sfence.sel $0x180000  }
0x29f: {  	[bflag:$0x0] =	sbarrier.arrive $0xFFFF  }
0x2a0: {  	_ =	strace $0x9000004A  }
0x2a1: {  	s0 =	stileid.u32;
	[bflag:$0x2] =	sbarrier.arrive $0xFFFF  }
0x2a2: {  	p0 =	sne.s32 s0, $0x0;
	s0 =	rddreg [dreg:$0x2]  }
0x2a3: {  	s0 =	sadd.s32 @!p0 $0x100000, s0  }
0x2a4: {  	[sflag:s0] =	ssyncadd.tile.s32 @!p0 $0x1;
	_ =	shalt  }
.Lfunc_end2:
_tile_overlayer_lowered:
.L_overlay_start_2:
0x2a5: {  	(tag) =	ssettag $0x2  }
0x2a6: {  	s0 =	rddreg [dreg:$0x0];
	s2 =	stileid.u32  }
0x2a7: {  	s1 =	rddreg [dreg:$0x1];
	p0 =	sne.s32 s2, $0x0  }
0x2a8: {  	s3 =	rddreg [dreg:$0x2];
	[bflag:$0x3] =	sbarrier.arrive $0xFFFF;
	s2 =	simm.s32 @!p0 $0x1C09  }
0x2a9: {  	[timem:s3], [sflag:s2] =	dma.local @!p0 [hbm:s0], s1  }
0x2aa: {  	s0 =	simm.s32 @!p0 $0x9  }
0x2ab: {  	_ =	swait.ge @!p0 [sflag:s0], s1  }
0x2ac: {  	s1 =	ssub.s32 @!p0 $0x0, s1;
	[sflag:s0] =	ssyncset.done @!p0 $0x0  }
0x2ad: {  	[sflag:s0] =	ssyncadd.s32 @!p0 s1  }
0x2ae: {  	[bflag:$0x3] =	sbarrier.arrive $0xFFFF  }
0x2af: {  	_ =	shalt  }

// kernel: kernel.7.cloned.1.call-start
scs
__scs_entry_jumppad:
0x0: {  	(pc) =	sbr.rel $0x88, $3  }
0x1: {  	(tag) =	ssettag $0x0;
	lr =	simm.s32 $0x1  }
0x2: {  	[smem:$0x3F95] =	sst lr;
	_ =	strace $0xD0000000  }
0x3: {  	_ = 	snop  }
0x4: {  	_ = 	snop  }
0x5: {  	_ = 	snop  }
0x6: {  	_ = 	snop  }
0x7: {  	_ = 	snop  }
__scs_overlays_trampoline_lowered:
0x8: {  	[smem:$0x3FA4] =	sst s0  }
0x9: {  	[smem:$0x3FA5] =	sst s1  }
0xa: {  	[smem:$0x3FA6] =	sst s2  }
0xb: {  	[smem:$0x3FA7] =	sst s3  }
0xc: {  	[smem:$0x3FA8] =	sst s4  }
0xd: {  	[smem:$0x3FA9] =	sst s5  }
0xe: {  	[smem:$0x3FAA] =	sst s6  }
0xf: {  	[smem:$0x3FAB] =	sst s7  }
0x10: {  	[smem:$0x3FAC] =	sst s8  }
0x11: {  	[smem:$0x3FAD] =	sst s9;
	s0 =	simm.s32 @!p0 $0x0  }
0x12: {  	s1 =	sld [smem:$0x3F93];
	s0 =	simm.s32 @p0 $0x1  }
0x13: {  	[smem:$0x3FAE] =	sst s0;
	s0 =	simm.s32 @!p1 $0x0  }
0x14: {  	s2 =	sld [smem:$0x3F92];
	s0 =	simm.s32 @p1 $0x1  }
0x15: {  	[smem:$0x3FAF] =	sst s0;
	s0 =	simm.s32 @!p2 $0x0  }
0x16: {  	s3 =	sld [smem:$0x3FDB];
	s0 =	simm.s32 @p2 $0x1  }
0x17: {  	s4 =	simm.s32 $0x1BF5;
	[smem:$0x3FB1] =	sst s0  }
0x18: {  	s0 =	sld [smem:$0x3F94];
	_ =	swait.ge [sflag:s4], $0x0  }
0x19: {  	s7 =	sld [smem:$0x3F95]  }
0x1a: {  	s8 =	sadd.s32 $0xFFFFE003, lr  }
0x1b: {  	s9 =	sadd.s32 $0xFFFFFEF7, lr;
	s5 =	simm.s32 $0xFFFFFFFF;
	p2 =	slt.u32 s8, $0xFFFFF086  }
0x1c: {  	p1 =	slt.u32 s9, $0xF7A;
	s5 =	simm.s32 @!p2 $0x0  }
0x1d: {  	s5 =	simm.s32 @p1 $0x1;
	p0 =	seq.s32 s7, s2  }
0x1e: {  	s7 =	smul.u32 @!p0 $0xF7A, s2;
	p2 =	seq.s32 @!p0 s5, $0x0  }
0x1f: {  	s9 =	smul.u32 $0xF7A, s1;
	s8 =	simm.s32 @!p0 $0x1BF5;
	p2 =	por !p2, p0  }
0x20: {  	[sflag:s8] =	ssyncset.s32 @!p0 $0xFFFFF086;
	s6 =	sadd.s32 @!p0 s3, s7;
	s7 =	simm.s32 @!p0 $0x108  }
0x21: {  	s3 =	sadd.s32 s3, s9;
	s6 =	sadd.s32 @!p0 $0x88, s6;
	s7 =	simm.s32 @p2 $0x1082  }
0x22: {  	[simem:s7], [sflag:s8] =	dma.local @!p0 [hbm:s6], $0xF7A  }
0x23: {  	s9 =	sor.u32 $0xD0000000, s2;
	s6 =	simm.s32 $0x108;
	_ =	swait.ge @!p0 [sflag:s8], $0x0  }
0x24: {  	s3 =	sadd.s32 $0x88, s3;
	s6 =	simm.s32 @!p1 $0x1082;
	[sflag:s4] =	ssyncset.s32 $0xFFFFF086  }
0x25: {  	[simem:s6], [sflag:s4] =	dma.local [hbm:s3], $0xF7A  }
0x26: {  	[smem:$0x3F95] =	sst s1;
	(tag) =	ssettag s2;
	_ =	strace s9  }
0x27: {  	s1 =	sld [smem:$0x3FA5]  }
0x28: {  	s2 =	sld [smem:$0x3FA6]  }
0x29: {  	s4 =	sld [smem:$0x3FA8]  }
0x2a: {  	p0 =	seq.s32 s5, $0x0;
	s5 =	sld [smem:$0x3FA9]  }
0x2b: {  	s6 =	sld [smem:$0x3FAA]  }
0x2c: {  	s7 =	sld [smem:$0x3FAB]  }
0x2d: {  	s3 =	simm.s32 $0x108;
	s8 =	sld [smem:$0x3FAC]  }
0x2e: {  	s3 =	simm.s32 @!p0 $0x1082;
	s9 =	sld [smem:$0x3FAD]  }
0x2f: {  	lr =	sadd.s32 s0, s3;
	s0 =	sld [smem:$0x3FA4]  }
0x30: {  	s3 =	sld [smem:$0x3FA7]  }
0x31: {  	[smem:$0x3FB0] =	sst s10  }
0x32: {  	s10 =	sld [smem:$0x3FAE];
	_ =	sdelay $0x3  }
0x33: {  	p0 =	seq.s32 s10, $0x1;
	s10 =	sld [smem:$0x3FB0];
	_ =	sdelay $0x3  }
0x34: {  	[smem:$0x3FB0] =	sst s10  }
0x35: {  	s10 =	sld [smem:$0x3FAF];
	_ =	sdelay $0x3  }
0x36: {  	p1 =	seq.s32 s10, $0x1;
	s10 =	sld [smem:$0x3FB0];
	_ =	sdelay $0x3  }
0x37: {  	[smem:$0x3FB0] =	sst s10  }
0x38: {  	s10 =	sld [smem:$0x3FB1]  }
0x39: {  	_ = 	snop;
	(pc) =	sbr.ind lr, $3  }
0x3a: {  	_ = 	snop  }
0x3b: {  	_ = 	snop  }
0x3c: {  	p2 =	seq.s32 s10, $0x1;
	s10 =	sld [smem:$0x3FB0]  }
0x3d: {  	_ =	shalt  }
0x3e: {  	_ =	shalt  }
0x3f: {  	_ =	shalt  }
0x40: {  	_ =	shalt  }
0x41: {  	_ =	shalt  }
0x42: {  	_ =	shalt  }
0x43: {  	_ =	shalt  }
0x44: {  	_ =	shalt  }
0x45: {  	_ =	shalt  }
0x46: {  	_ =	shalt  }
0x47: {  	_ =	shalt  }
0x48: {  	_ =	shalt  }
0x49: {  	_ =	shalt  }
0x4a: {  	_ =	shalt  }
0x4b: {  	_ =	shalt  }
0x4c: {  	_ =	shalt  }
0x4d: {  	_ =	shalt  }
0x4e: {  	_ =	shalt  }
0x4f: {  	_ =	shalt  }
0x50: {  	_ =	shalt  }
0x51: {  	_ =	shalt  }
0x52: {  	_ =	shalt  }
0x53: {  	_ =	shalt  }
0x54: {  	_ =	shalt  }
0x55: {  	_ =	shalt  }
0x56: {  	_ =	shalt  }
0x57: {  	_ =	shalt  }
0x58: {  	_ =	shalt  }
0x59: {  	_ =	shalt  }
0x5a: {  	_ =	shalt  }
0x5b: {  	_ =	shalt  }
0x5c: {  	_ =	shalt  }
0x5d: {  	_ =	shalt  }
0x5e: {  	_ =	shalt  }
0x5f: {  	_ =	shalt  }
0x60: {  	_ =	shalt  }
0x61: {  	_ =	shalt  }
0x62: {  	_ =	shalt  }
0x63: {  	_ =	shalt  }
0x64: {  	_ =	shalt  }
0x65: {  	_ =	shalt  }
0x66: {  	_ =	shalt  }
0x67: {  	_ =	shalt  }
0x68: {  	_ =	shalt  }
0x69: {  	_ =	shalt  }
0x6a: {  	_ =	shalt  }
0x6b: {  	_ =	shalt  }
0x6c: {  	_ =	shalt  }
0x6d: {  	_ =	shalt  }
0x6e: {  	_ =	shalt  }
0x6f: {  	_ =	shalt  }
0x70: {  	_ =	shalt  }
0x71: {  	_ =	shalt  }
0x72: {  	_ =	shalt  }
0x73: {  	_ =	shalt  }
0x74: {  	_ =	shalt  }
0x75: {  	_ =	shalt  }
0x76: {  	_ =	shalt  }
0x77: {  	_ =	shalt  }
0x78: {  	_ =	shalt  }
0x79: {  	_ =	shalt  }
0x7a: {  	_ =	shalt  }
0x7b: {  	_ =	shalt  }
0x7c: {  	_ =	shalt  }
0x7d: {  	_ =	shalt  }
0x7e: {  	_ =	shalt  }
0x7f: {  	_ =	shalt  }
0x80: {  	_ =	shalt  }
0x81: {  	_ =	shalt  }
0x82: {  	_ =	shalt  }
0x83: {  	_ =	shalt  }
0x84: {  	_ =	shalt  }
0x85: {  	_ =	shalt  }
0x86: {  	_ =	shalt  }
0x87: {  	_ =	shalt  }
.Lfunc_end0:
.L_simem_size_0:
called_computation_lowered:
.L_overlay_start_0:
0x88: {  	s2 =	sld [smem:$0x3FD9]  }
0x89: {  	s3 =	sld [smem:$0x3FFE];
	_ =	sdelay $0x1  }
0x8a: {  	s1 =	srdreg.scid  }
0x8b: {  	s0 =	sand.u32 $0x1, s1  }
0x8c: {  	s15 =	sshll.u32 s0, $0xA;
	s2 =	sadd.s32 s3, s2  }
0x8d: {  	s2 =	sadd.s32 s2, s15  }
0x8e: {  	[smem:$0x3FBC] =	sst s2  }
0x8f: {  	_ = 	snop  }
0x90: {  	s2 =	sld [smem:$0x3FD0];
	_ =	sdelay $0x2  }
0x91: {  	s4 =	simm.s32 $0xA;
	s5 =	simm.s32 $0x10;
	s16 =	sld [smem:$0x3FC4]  }
0x92: {  	[smem:s5], [sflag:s4] =	dma.local [hbm:s2], $0x1  }
0x93: {  	_ =	swait.eq [sflag:s4], $0x1  }
0x94: {  	[sflag:s4] =	ssyncset.done $0x0  }
0x95: {  	s17 =	sld [smem:$0x10];
	[sflag:s4] =	ssyncadd.s32 $0xFFFFFFFF  }
0x96: {  	s18 =	sld [smem:$0x13];
	(tm) =	ssettm $0x1  }
0x97: {  	s19 =	sld [smem:$0x3FFB];
	_ =	sdelay $0x3  }
0x98: {  	_ =	strace s19  }
0x99: {  	s5 =	sld [smem:$0x3FFC];
	_ =	sdelay $0x3  }
0x9a: {  	_ =	strace s5  }
0x9b: {  	s5 =	sld [smem:$0x3FFD];
	_ =	sdelay $0x3  }
0x9c: {  	_ =	strace s5  }
0x9d: {  	_ =	strace $0x8FFFFFFF  }
0x9e: {  	s20 =	sld [smem:$0x3FDB];
	_ =	sdelay $0x1  }
0x9f: {  	s6 =	simm.s32 $_scs_section_size  }
0xa0: {  	s7 =	simm.s32 $_size__tile_overlayer_lowered;
	s8 =	simm.s32 $_tile_overlayer_lowered  }
0xa1: {  	s23 =	simm.s32 $0x1BFF;
	s22 =	sshll.u32 s8, $0x1;
	s5 =	sadd.s32 s6, s20  }
0xa2: {  	s9 =	simm.s32 $0x0;
	s21 =	sshll.u32 s7, $0x1;
	s7 =	sadd.s32 s22, s5  }
0xa3: {  	[timem:s9], [sflag:s23] =	dma.local [hbm:s7], s21  }
0xa4: {  	_ =	swait.ge [sflag:s23], s21  }
0xa5: {  	s6 =	ssub.s32 $0x0, s21;
	[sflag:s23] =	ssyncset.done $0x0  }
0xa6: {  	[sflag:s23] =	ssyncadd.s32 s6;
	_ =	sdelay $0x1  }
0xa7: {  	s24 =	simm.s32 $0x1B8B  }
0xa8: {  	_ =	swait.ge [sflag:s24], $0x1  }
0xa9: {  	[sflag:s24] =	ssyncset.done $0x0  }
0xaa: {  	s25 =	simm.s32 $0x1B8E;
	[sflag:s24] =	ssyncadd.s32 $0xFFFFFFFF  }
0xab: {  	s26 =	simm.s32 $execute0_lowered;
	[smem:$0x3FD2] =	sst s25  }
0xac: {  	s6 =	sshll.u32 s26, $0x1;
	_ =	strace $0x80000046;
	[dreg:$0x1] =	wrdreg $0xFFFFFFFF  }
0xad: {  	s28 =	simm.s32 $_size_execute0_lowered;
	s5 =	sadd.s32 s5, s6;
	[dreg:$0x0] =	wrdreg $0x0  }
0xae: {  	s6 =	sshll.u32 s28, $0x1;
	[dreg:$0x2] =	wrdreg s5  }
0xaf: {  	[dreg:$0x3] =	wrdreg s6  }
0xb0: {  	[dreg:$0x4] =	wrdreg $0xC0  }
0xb1: {  	_ =	task [dreg:s9], $0x5FFFF  }
0xb2: {  	[dreg:$0x1] =	wrdreg $0xFFFFFFFF  }
0xb3: {  	[dreg:$0x0] =	wrdreg $0x60  }
0xb4: {  	[dreg:$0x2] =	wrdreg s16  }
0xb5: {  	[dreg:$0x3] =	wrdreg s18  }
0xb6: {  	[dreg:$0x4] =	wrdreg s17  }
0xb7: {  	[dreg:$0x5] =	wrdreg $0x9  }
0xb8: {  	_ =	task.clear_ibuf [dreg:s9], $0x6FFFF;
	_ =	strace $0x90000046  }
0xb9: {  	s29 =	simm.s32 $0x9;
	_ =	strace $0x80000048  }
0xba: {  	_ =	swait.ge [sflag:s29], $0x1  }
0xbb: {  	[sflag:s29] =	ssyncadd.s32 $0xFFFFFFFF  }
0xbc: {  	_ =	strace $0x90000048  }
0xbd: {  	_ =	sfence  }
0xbe: {  	s30 =	sld [smem:$0x0];
	_ =	sdelay $0x2  }
0xbf: {  	s31 =	sshll.u32 s1, $0xD;
	s1 =	sshrl.u32 s1, $0x2  }
0xc0: {  	s3 =	sand.u32 $0x4000, s31;
	s1 =	sadd.s32 s1, s30  }
0xc1: {  	s0 =	sor.u32 s3, s0;
	s1 =	sshll.u32 s1, $0x11  }
0xc2: {  	s0 =	sor.u32 s1, s0  }
0xc3: {  	s0 =	sadd.s32 $0x8F2B, s0  }
0xc4: {  	[sflag:s0] =	ssyncadd.remote.s32 $0x1  }
0xc5: {  	_ =	sfence.sel $0xFFFF  }
0xc6: {  	[dreg:$0x0] =	wrdreg $0xFFFFFFFF;
	(pc) =	sbr.abs _section_cstart, $3  }
0xc7: {  	[dreg:$0x1] =	wrdreg $0xFFFFFFFF  }
0xc8: {  	_ =	task.clear_ibuf [dreg:s9], $0x2FFFF;
	_ =	strace $0x9FFFFFFF  }
0xc9: {  	(tm) =	ssettm $0x7FFFFFFF  }
tec
execute0_lowered:
.L_overlay_start_1:
0x0: {  	(tag) =	ssettag $0x1  }
0x1: {  	s1 =	rddreg [dreg:$0x0]  }
0x2: {  	s2 =	srdreg.scid;
	s0 =	stileid.u32  }
0x3: {  	s4 =	rddreg [dreg:$0x1];
	s16 =	sand.u32 $0x1, s2;
	s30 =	sshll.u32 s0, $0x1  }
0x4: {  	s13 =	rddreg [dreg:$0x2];
	s11 =	sor.u32 s16, s30  }
0x5: {  	s3 =	simm.s32 $0x0;
	s2 =	rddreg [dreg:$0x3];
	s5 =	smul.u32 $0x28, s11  }
0x6: {  	[smem:$0x7FF] =	sst s3  }
0x7: {  	_ =	strace $0x80000047;
	s5 =	sadd.s32 s4, s5;
	s4 =	simm.s32 $0x3  }
0x8: {  	[tilespmem:s3], [sflag:$0x3] =	stream.linear.gather [hbm4b:s5+s3], $0x140, $0x38;
	[tilespmem:$0x5180] =	vst v63  }
0x9: {  	_ =	swait.ge [sflag:s4], $0x140  }
0xa: {  	[sflag:s4] =	ssyncset.done $0x0  }
0xb: {  	s6 =	simm.s32 $0x50;
	s7 =	simm.s32 $0x180;
	[sflag:s4] =	ssyncadd.s32 $0xFFFFFEC0  }
0xc: {  	[tilespmem:s7], [sflag:$0x1] =	stream.indirect.gather [hbm4b:s1+s6], $0x80, s3, s6, $0xb8;
	[tilespmem:$0x5180] =	vst v63  }
0xd: {  	s8 =	simm.s32 $0x2980;
	s9 =	simm.s32 $0x1  }
0xe: {  	[tilespmem:s8], [sflag:$0x2] =	stream.indirect.gather [hbm4b:s1+s6], $0x80, s6, s6, $0xb8;
	[tilespmem:$0x5180] =	vst v63  }
0xf: {  	s10 =	smul.u32 $0x1400, s11;
	_ =	swait.ge [sflag:s9], $0x2800  }
0x10: {  	[sflag:s9] =	ssyncset.done $0x0  }
0x11: {  	s10 =	sadd.s32 s13, s10;
	[sflag:s9] =	ssyncadd.s32 $0xFFFFD800  }
0x12: {  	[hbm4b:s10+s3] =	stream.linear.scatter [tilespmem:s7], [sflag:$0x3], $0x2800, $0x38;
	[tilespmem:$0x5180] =	vst v63  }
0x13: {  	_ =	swait.ge [sflag:s4], $0x2800  }
0x14: {  	s12 =	simm.s32 $0x2;
	[sflag:s4] =	ssyncset.done $0x0  }
0x15: {  	s14 =	smul.u32 $0xA000, s11;
	s11 =	simm.s32 $0xA0;
	[sflag:s4] =	ssyncadd.s32 $0xFFFFD800  }
0x16: {  	[tilespmem:s7], [sflag:$0x1] =	stream.indirect.gather [hbm4b:s1+s6], $0x80, s11, s6, $0xb8;
	[tilespmem:$0x5180] =	vst v63  }
0x17: {  	s14 =	sshrl.u32 s14, $0x3;
	_ =	swait.ge [sflag:s12], $0x2800  }
0x18: {  	s17 =	sadd.s32 s13, s14;
	[sflag:s12] =	ssyncset.done $0x0  }
0x19: {  	s13 =	sadd.s32 $0x500, s17;
	[sflag:s12] =	ssyncadd.s32 $0xFFFFD800  }
0x1a: {  	[hbm4b:s13+s3] =	stream.linear.scatter [tilespmem:s8], [sflag:$0x3], $0x2800, $0x38;
	[tilespmem:$0x5180] =	vst v63  }
0x1b: {  	_ =	swait.ge [sflag:s4], $0x2800  }
0x1c: {  	[sflag:s4] =	ssyncset.done $0x0  }
0x1d: {  	s14 =	simm.s32 $0xF0;
	[sflag:s4] =	ssyncadd.s32 $0xFFFFD800  }
0x1e: {  	[tilespmem:s8], [sflag:$0x2] =	stream.indirect.gather [hbm4b:s1+s6], $0x80, s14, s6, $0xb8;
	[tilespmem:$0x5180] =	vst v63  }
0x1f: {  	_ =	swait.ge [sflag:s9], $0x2800  }
0x20: {  	[sflag:s9] =	ssyncset.done $0x0  }
0x21: {  	s16 =	ssub.s32 $0x2, s16;
	s15 =	sadd.s32 $0xA00, s17;
	[sflag:s9] =	ssyncadd.s32 $0xFFFFD800  }
0x22: {  	[hbm4b:s15+s3] =	stream.linear.scatter [tilespmem:s7], [sflag:$0x3], $0x2800, $0x38;
	[tilespmem:$0x5180] =	vst v63  }
0x23: {  	s18 =	sshrl.u32 s16, $0x1;
	_ =	swait.ge [sflag:s4], $0x2800  }
0x24: {  	s18 =	ssub.s32 s16, s18;
	[sflag:s4] =	ssyncset.done $0x0  }
0x25: {  	s31 =	smax.u32 s18, $0x1;
	[sflag:s4] =	ssyncadd.s32 $0xFFFFD800  }
0x26: {  	p0 =	sne.s32 s31, $0x1;
	_ =	swait.ge [sflag:s12], $0x2800  }
.Ltmp0:
0x27: {  	[sflag:s12] =	ssyncset.done $0x0;
	(pc) =	sbr.rel @!p0 .LBB2_2-.Ltmp0, $4  }
0x28: {  	s16 =	sadd.s32 $0xF00, s17;
	[sflag:s12] =	ssyncadd.s32 $0xFFFFD800  }
0x29: {  	[hbm4b:s16+s3] =	stream.linear.scatter [tilespmem:s8], [sflag:$0x3], $0x2800, $0x38;
	[tilespmem:$0x5180] =	vst v63  }
0x2a: {  	_ =	swait.ge [sflag:s4], $0x2800  }
0x2b: {  	s17 =	sadd.s32 $0xFFFFFFFF, s31;
	[sflag:s4] =	ssyncset.done $0x0  }
.LBB2_1:
0x2c: {  	p0 =	sne.s32 s17, $0x1;
	s17 =	sadd.s32 $0xFFFFFFFF, s17;
	[sflag:s4] =	ssyncadd.s32 $0xFFFFD800  }
0x2d: {  	[tilespmem:s3], [sflag:$0x3] =	stream.linear.gather [hbm4b:s5+s3], $0x140, $0x38;
	[tilespmem:$0x5180] =	vst v63  }
0x2e: {  	_ =	swait.ge [sflag:s4], $0x140  }
0x2f: {  	[sflag:s4] =	ssyncset.done $0x0  }
0x30: {  	[sflag:s4] =	ssyncadd.s32 $0xFFFFFEC0  }
0x31: {  	[tilespmem:s7], [sflag:$0x1] =	stream.indirect.gather [hbm4b:s1+s6], $0x80, s3, s6, $0xb8;
	[tilespmem:$0x5180] =	vst v63  }
0x32: {  	_ = 	snop  }
0x33: {  	[tilespmem:s8], [sflag:$0x2] =	stream.indirect.gather [hbm4b:s1+s6], $0x80, s6, s6, $0xb8;
	[tilespmem:$0x5180] =	vst v63  }
0x34: {  	_ =	swait.ge [sflag:s9], $0x2800  }
0x35: {  	[sflag:s9] =	ssyncset.done $0x0  }
0x36: {  	[sflag:s9] =	ssyncadd.s32 $0xFFFFD800  }
0x37: {  	[hbm4b:s10+s3] =	stream.linear.scatter [tilespmem:s7], [sflag:$0x3], $0x2800, $0x38;
	[tilespmem:$0x5180] =	vst v63  }
0x38: {  	_ =	swait.ge [sflag:s4], $0x2800  }
0x39: {  	[sflag:s4] =	ssyncset.done $0x0  }
0x3a: {  	[sflag:s4] =	ssyncadd.s32 $0xFFFFD800  }
0x3b: {  	[tilespmem:s7], [sflag:$0x1] =	stream.indirect.gather [hbm4b:s1+s6], $0x80, s11, s6, $0xb8;
	[tilespmem:$0x5180] =	vst v63  }
0x3c: {  	_ =	swait.ge [sflag:s12], $0x2800  }
0x3d: {  	[sflag:s12] =	ssyncset.done $0x0  }
0x3e: {  	[sflag:s12] =	ssyncadd.s32 $0xFFFFD800  }
0x3f: {  	[hbm4b:s13+s3] =	stream.linear.scatter [tilespmem:s8], [sflag:$0x3], $0x2800, $0x38;
	[tilespmem:$0x5180] =	vst v63  }
0x40: {  	_ =	swait.ge [sflag:s4], $0x2800  }
0x41: {  	[sflag:s4] =	ssyncset.done $0x0  }
0x42: {  	[sflag:s4] =	ssyncadd.s32 $0xFFFFD800  }
0x43: {  	[tilespmem:s8], [sflag:$0x2] =	stream.indirect.gather [hbm4b:s1+s6], $0x80, s14, s6, $0xb8;
	[tilespmem:$0x5180] =	vst v63  }
0x44: {  	_ =	swait.ge [sflag:s9], $0x2800  }
0x45: {  	[sflag:s9] =	ssyncset.done $0x0  }
0x46: {  	[sflag:s9] =	ssyncadd.s32 $0xFFFFD800  }
0x47: {  	[hbm4b:s15+s3] =	stream.linear.scatter [tilespmem:s7], [sflag:$0x3], $0x2800, $0x38;
	[tilespmem:$0x5180] =	vst v63  }
0x48: {  	_ =	swait.ge [sflag:s4], $0x2800  }
0x49: {  	[sflag:s4] =	ssyncset.done $0x0  }
0x4a: {  	[sflag:s4] =	ssyncadd.s32 $0xFFFFD800  }
0x4b: {  	_ =	swait.ge [sflag:s12], $0x2800  }
.Ltmp1:
0x4c: {  	[sflag:s12] =	ssyncset.done $0x0;
	(pc) =	sbr.rel @p0 .LBB2_1-.Ltmp1, $4  }
0x4d: {  	[sflag:s12] =	ssyncadd.s32 $0xFFFFD800  }
0x4e: {  	[hbm4b:s16+s3] =	stream.linear.scatter [tilespmem:s8], [sflag:$0x3], $0x2800, $0x38;
	[tilespmem:$0x5180] =	vst v63  }
0x4f: {  	_ =	swait.ge [sflag:s4], $0x2800  }
0x50: {  	[sflag:s4] =	ssyncset.done $0x0  }
.LBB2_2:
0x51: {  	[sflag:s4] =	ssyncadd.s32 $0xFFFFD800  }
0x52: {  	_ =	sfence.sel $0x180000  }
0x53: {  	[bflag:$0x0] =	sbarrier.arrive $0xFFFF  }
0x54: {  	p0 =	sne.s32 s0, $0x0;
	_ =	strace $0x90000047  }
0x55: {  	s0 =	sadd.s32 @!p0 $0x100000, s2;
	[bflag:$0x2] =	sbarrier.arrive $0xFFFF  }
0x56: {  	[sflag:s0] =	ssyncadd.tile.s32 @!p0 $0x1;
	_ =	shalt  }
.Lfunc_end2:
_tile_overlayer_lowered:
.L_overlay_start_2:
0x57: {  	(tag) =	ssettag $0x2  }
0x58: {  	s0 =	rddreg [dreg:$0x0];
	s2 =	stileid.u32  }
0x59: {  	s1 =	rddreg [dreg:$0x1];
	p0 =	sne.s32 s2, $0x0  }
0x5a: {  	s3 =	rddreg [dreg:$0x2];
	[bflag:$0x3] =	sbarrier.arrive $0xFFFF;
	s2 =	simm.s32 @!p0 $0x1C03  }
0x5b: {  	[timem:s3], [sflag:s2] =	dma.local @!p0 [hbm:s0], s1  }
0x5c: {  	s0 =	simm.s32 @!p0 $0x3  }
0x5d: {  	_ =	swait.ge @!p0 [sflag:s0], s1  }
0x5e: {  	s1 =	ssub.s32 @!p0 $0x0, s1;
	[sflag:s0] =	ssyncset.done @!p0 $0x0  }
0x5f: {  	[sflag:s0] =	ssyncadd.s32 @!p0 s1  }
0x60: {  	[bflag:$0x3] =	sbarrier.arrive $0xFFFF  }
0x61: {  	_ =	shalt  }

</sc_bundles>
